<compile_context>
chip_gen: v7x
topology: tpu7x:2x2x1
jax: 0.10.2.dev20260603
libtpu: 0.0.44.dev20260713+nightly
codegen_flags: <defaults>
</compile_context>

<pallas_src>
import functools

import jax
import jax.numpy as jnp
from jax import lax
from jax.experimental import pallas as pl
from jax.experimental.pallas import tpu as pltpu
from jax.experimental.pallas import tpu_sc as plsc

_F = 64
_L = 16
_NC = 2
_NS = 16
_NW = _NC * _NS
_TW = 128
_CH = 2


def _make_mf(B: int):
    b_per_w = B // _NW
    n_groups = b_per_w // _L
    mesh = plsc.VectorSubcoreMesh(core_axis_name="c", subcore_axis_name="s")

    @functools.partial(
        pl.kernel,
        out_type=jax.ShapeDtypeStruct((B,), jnp.float32),
        mesh=mesh,
        scratch_types=[
            pltpu.VMEM((b_per_w,), jnp.int32),
            pltpu.VMEM((b_per_w,), jnp.int32),
            pltpu.VMEM((2, _CH, _F, _TW), jnp.float32),
            pltpu.VMEM((2, _CH, _F, _TW), jnp.float32),
            pltpu.VMEM((b_per_w,), jnp.float32),
            pltpu.VMEM((_L * _L,), jnp.float32),
            pltpu.SemaphoreType.DMA,
            pltpu.SemaphoreType.DMA,
        ],
        compiler_params=pltpu.CompilerParams(needs_layout_passes=False),
    )
    def mf(users_hbm, items_hbm, uft_hbm, ift_hbm, out_hbm,
           usmem, ismem, ublk, iblk, outv, tbuf, sem0, sem1):
        wid = lax.axis_index("s") * _NC + lax.axis_index("c")
        bbase = wid * b_per_w

        pltpu.sync_copy(users_hbm.at[pl.ds(bbase, b_per_w)], usmem)
        pltpu.sync_copy(items_hbm.at[pl.ds(bbase, b_per_w)], ismem)

        iota = lax.iota(jnp.int32, _L)

        n_sub = _L // _CH
        sems = (sem0, sem1)

        def group(g, carry):
            uvec = usmem[pl.ds(g * _L, _L)]
            vvec = ismem[pl.ds(g * _L, _L)]
            ublks = (uvec // _TW) * _TW
            vblks = (vvec // _TW) * _TW
            ucols = uvec - ublks
            vcols = vvec - vblks

            def enqueue(s):
                slot = s % 2
                copies = []
                for e in range(_CH):
                    uoff = pl.multiple_of(ublks[s * _CH + e], _TW)
                    voff = pl.multiple_of(vblks[s * _CH + e], _TW)
                    copies.append(pltpu.async_copy(
                        uft_hbm.at[:, pl.ds(uoff, _TW)],
                        ublk.at[slot, e], sems[slot]))
                    copies.append(pltpu.async_copy(
                        ift_hbm.at[:, pl.ds(voff, _TW)],
                        iblk.at[slot, e], sems[slot]))
                return copies

            pending = enqueue(0)
            for s in range(n_sub):
                slot = s % 2
                nxt = enqueue(s + 1) if s + 1 < n_sub else []
                for c in pending:
                    c.wait()
                pending = nxt
                for e in range(_CH):
                    uc = jnp.full((_L,), ucols[s * _CH + e], jnp.int32)
                    vc = jnp.full((_L,), vcols[s * _CH + e], jnp.int32)
                    ev = jnp.full((_L,), e, jnp.int32)
                    sv = jnp.full((_L,), slot, jnp.int32)
                    acc = None
                    for c4 in range(_F // _L):
                        fvec = c4 * _L + iota
                        uvals = plsc.load_gather(ublk, [sv, ev, fvec, uc])
                        ivals = plsc.load_gather(iblk, [sv, ev, fvec, vc])
                        uv = uvals * ivals
                        acc = uv if acc is None else acc + uv
                    tbuf[pl.ds((s * _CH + e) * _L, _L)] = acc

            lane = iota * _L
            res = jnp.zeros((_L,), jnp.float32)
            for c in range(_L):
                res = res + plsc.load_gather(tbuf, [lane + c])
            outv[pl.ds(g * _L, _L)] = res
            return carry

        lax.fori_loop(0, n_groups, group, 0)
        pltpu.sync_copy(outv, out_hbm.at[pl.ds(bbase, b_per_w)])

    return mf


def kernel(users, items, user_factors, item_factors):
    B = users.shape[0]
    mf = _make_mf(B)
    return mf(users.astype(jnp.int32), items.astype(jnp.int32),
              user_factors.T, item_factors.T)

# --- scband reference (transcript-rebuilt; emitter-appended) ---
"""Pipeline reference for scband-mf-48773648613530 (READ-ONLY COPY).

The authoritative reference and input builder live on the scoring server;
editing this copy changes nothing except your own understanding.
"""

import jax, jax.numpy as jnp
import numpy as np

N_USERS = 1000000
N_ITEMS = 1000000
N_FACTORS = 64
BATCH = 16384


def setup_inputs(seed: int = 0) -> dict:
    key = jax.random.key(seed)
    k1, k2, k3, k4 = jax.random.split(key, 4)
    users = jax.random.randint(k1, (BATCH,), 0, N_USERS, dtype=jnp.int64) if jax.config.jax_enable_x64 else jax.random.randint(k1, (BATCH,), 0, N_USERS, dtype=jnp.int32)
    items = jax.random.randint(k2, (BATCH,), 0, N_ITEMS, dtype=jnp.int32)
    # xavier_normal_ init: std = sqrt(2 / (fan_in + fan_out)) = sqrt(2 / (vocab + dim))
    user_std = float(np.sqrt(2.0 / (N_USERS + N_FACTORS)))
    item_std = float(np.sqrt(2.0 / (N_ITEMS + N_FACTORS)))
    user_factors = jax.random.normal(k3, (N_USERS, N_FACTORS), dtype=jnp.float32) * user_std
    item_factors = jax.random.normal(k4, (N_ITEMS, N_FACTORS), dtype=jnp.float32) * item_std
    return {
        "users": users,
        "items": items,
        "user_factors": user_factors,
        "item_factors": item_factors,
    }


def reference(users, items, user_factors, item_factors):
    # MF.forward with include_bias=False:
    #   pred = sum(user_factors(users) * item_factors(items), dim=1, keepdim=True)
    #   return pred.squeeze()
    u = jnp.take(user_factors, users, axis=0)   # [B, F] gather (embedding lookup)
    v = jnp.take(item_factors, items, axis=0)   # [B, F] gather (embedding lookup)
    pred = jnp.sum(u * v, axis=1, keepdims=True)  # [B, 1]
    return jnp.squeeze(pred)                      # [B]

if __name__ == "__main__":
    import jax
    _d = setup_inputs()
    print(jax.jit(kernel)(*tuple(_d.values())))

</pallas_src>

<mosaic_0001>
#map = affine_map<(d0, d1) -> (0)>
#map1 = affine_map<(d0, d1) -> (0, 0)>
module attributes {stable_mosaic.version = 14 : i64} {
  func.func @mf(%arg0: i32, %arg1: i32, %arg2: memref<16384xi32, #tpu.memory_space<hbm>>, %arg3: memref<16384xi32, #tpu.memory_space<hbm>>, %arg4: memref<64x1000000xf32, #tpu.memory_space<hbm>>, %arg5: memref<64x1000000xf32, #tpu.memory_space<hbm>>, %arg6: memref<16384xf32, #tpu.memory_space<hbm>>, %arg7: memref<512xi32, #tpu.memory_space<vmem>>, %arg8: memref<512xi32, #tpu.memory_space<vmem>>, %arg9: memref<2x2x64x128xf32, #tpu.memory_space<vmem>>, %arg10: memref<2x2x64x128xf32, #tpu.memory_space<vmem>>, %arg11: memref<512xf32, #tpu.memory_space<vmem>>, %arg12: memref<256xf32, #tpu.memory_space<vmem>>, %arg13: memref<!tpu.dma_semaphore, #tpu.memory_space<semaphore_mem>>, %arg14: memref<!tpu.dma_semaphore, #tpu.memory_space<semaphore_mem>>) attributes {dimension_semantics = [#tpu.dimension_semantics<core_parallel>, #tpu.dimension_semantics<subcore_parallel>], iteration_bounds = array<i64: 2, 16>, scalar_prefetch = 0 : i64, scratch_operands = 8 : i64, tpu.core_type = #tpu.core_type<sc_vector_subcore>, window_params = [{transform_indices = #map}, {transform_indices = #map}, {transform_indices = #map1}, {transform_indices = #map1}, {transform_indices = #map}]} {
    %mul3A = arith.constant 2 : i32
    %mul3A_0 = arith.muli %arg1, %mul3A : i32
    %add3A = arith.addi %mul3A_0, %arg0 : i32
    %mul3A_1 = arith.constant 512 : i32
    %mul3A_2 = arith.muli %add3A, %mul3A_1 : i32
    "tpu.region"() ({
      %run_scoped3A = tpu.sem_alloc : memref<!tpu.dma_semaphore, #tpu.memory_space<semaphore_mem>>
      %dma_start3A = tpu.memref_slice %arg2[%mul3A_2] : memref<16384xi32, #tpu.memory_space<hbm>> -> memref<512xi32, #tpu.memory_space<hbm>>
      %dma_start3A_8 = tpu.memref_slice %arg2[%mul3A_2] : memref<16384xi32, #tpu.memory_space<hbm>> -> memref<512xi32, #tpu.memory_space<hbm>>
      tpu.enqueue_dma source(%dma_start3A_8 : memref<512xi32, #tpu.memory_space<hbm>>) target(%arg7 : memref<512xi32, #tpu.memory_space<vmem>>) target_semaphore(%run_scoped3A : memref<!tpu.dma_semaphore, #tpu.memory_space<semaphore_mem>>)
      %dma_wait3A = tpu.memref_slice %arg2[%mul3A_2] : memref<16384xi32, #tpu.memory_space<hbm>> -> memref<512xi32, #tpu.memory_space<hbm>>
      %dma_wait3A_9 = tpu.memref_slice %arg2[%mul3A_2] : memref<16384xi32, #tpu.memory_space<hbm>> -> memref<512xi32, #tpu.memory_space<hbm>>
      tpu.wait_dma2 semaphore(%run_scoped3A : memref<!tpu.dma_semaphore, #tpu.memory_space<semaphore_mem>>) src(%dma_wait3A_9 : memref<512xi32, #tpu.memory_space<hbm>>) dst(%arg7 : memref<512xi32, #tpu.memory_space<vmem>>)
      tpu.yield
    }) : () -> ()
    "tpu.region"() ({
      %run_scoped3A = tpu.sem_alloc : memref<!tpu.dma_semaphore, #tpu.memory_space<semaphore_mem>>
      %dma_start3A = tpu.memref_slice %arg3[%mul3A_2] : memref<16384xi32, #tpu.memory_space<hbm>> -> memref<512xi32, #tpu.memory_space<hbm>>
      %dma_start3A_8 = tpu.memref_slice %arg3[%mul3A_2] : memref<16384xi32, #tpu.memory_space<hbm>> -> memref<512xi32, #tpu.memory_space<hbm>>
      tpu.enqueue_dma source(%dma_start3A_8 : memref<512xi32, #tpu.memory_space<hbm>>) target(%arg8 : memref<512xi32, #tpu.memory_space<vmem>>) target_semaphore(%run_scoped3A : memref<!tpu.dma_semaphore, #tpu.memory_space<semaphore_mem>>)
      %dma_wait3A = tpu.memref_slice %arg3[%mul3A_2] : memref<16384xi32, #tpu.memory_space<hbm>> -> memref<512xi32, #tpu.memory_space<hbm>>
      %dma_wait3A_9 = tpu.memref_slice %arg3[%mul3A_2] : memref<16384xi32, #tpu.memory_space<hbm>> -> memref<512xi32, #tpu.memory_space<hbm>>
      tpu.wait_dma2 semaphore(%run_scoped3A : memref<!tpu.dma_semaphore, #tpu.memory_space<semaphore_mem>>) src(%dma_wait3A_9 : memref<512xi32, #tpu.memory_space<hbm>>) dst(%arg8 : memref<512xi32, #tpu.memory_space<vmem>>)
      tpu.yield
    }) : () -> ()
    %iota3A = tpu.iota {dimensions = array<i32: 0>} : vector<16xi32>
    %scan3A = arith.constant 0 : i32
    %scan3A_3 = arith.constant 0 : i32
    %scan3A_4 = arith.constant 32 : i32
    %scan3A_5 = arith.addi %scan3A_3, %scan3A_4 : i32
    %scan3A_6 = arith.constant 1 : i32
    scf.for %scan3A_8 = %scan3A_3 to %scan3A_5 step %scan3A_6  : i32 {
      %mul3A_9 = arith.constant 16 : i32
      %mul3A_10 = arith.muli %scan3A_8, %mul3A_9 : i32
      %get3A = arith.index_cast %mul3A_10 : i32 to index
      %get3A_11 = tpu.vector_load %arg7[%get3A] {strides = array<i32>} : memref<512xi32, #tpu.memory_space<vmem>>, vector<16xi32>,
      %mul3A_12 = arith.constant 16 : i32
      %mul3A_13 = arith.muli %scan3A_8, %mul3A_12 : i32
      %get3A_14 = arith.index_cast %mul3A_13 : i32 to index
      %get3A_15 = tpu.vector_load %arg8[%get3A_14] {strides = array<i32>} : memref<512xi32, #tpu.memory_space<vmem>>, vector<16xi32>,
      %jit3A = arith.constant 128 : i32
      %div3A = vector.broadcast %jit3A : i32 to vector<16xi32>
      %div3A_16 = arith.divsi %get3A_11, %div3A : vector<16xi32>
      %sign3A = arith.constant 0 : i32
      %sign3A_17 = vector.broadcast %sign3A : i32 to vector<16xi32>
      %sign3A_18 = arith.cmpi sgt, %get3A_11, %sign3A_17 : vector<16xi32>
      %sign3A_19 = arith.extui %sign3A_18 : vector<16xi1> to vector<16xi32>
      %sign3A_20 = arith.constant 0 : i32
      %sign3A_21 = vector.broadcast %sign3A_20 : i32 to vector<16xi32>
      %sign3A_22 = arith.cmpi slt, %get3A_11, %sign3A_21 : vector<16xi32>
      %sign3A_23 = arith.extui %sign3A_22 : vector<16xi1> to vector<16xi32>
      %sign3A_24 = arith.subi %sign3A_19, %sign3A_23 : vector<16xi32>
      %sign3A_25 = arith.constant 0 : i32
      %sign3A_26 = arith.cmpi sgt, %jit3A, %sign3A_25 : i32
      %sign3A_27 = arith.extui %sign3A_26 : i1 to i32
      %sign3A_28 = arith.constant 0 : i32
      %sign3A_29 = arith.cmpi slt, %jit3A, %sign3A_28 : i32
      %sign3A_30 = arith.extui %sign3A_29 : i1 to i32
      %sign3A_31 = arith.subi %sign3A_27, %sign3A_30 : i32
      %ne3A = vector.broadcast %sign3A_31 : i32 to vector<16xi32>
      %ne3A_32 = arith.cmpi ne, %sign3A_24, %ne3A : vector<16xi32>
      %rem3A = vector.broadcast %jit3A : i32 to vector<16xi32>
      %rem3A_33 = arith.remsi %get3A_11, %rem3A : vector<16xi32>
      %ne3A_34 = arith.constant 0 : i32
      %ne3A_35 = vector.broadcast %ne3A_34 : i32 to vector<16xi32>
      %ne3A_36 = arith.cmpi ne, %rem3A_33, %ne3A_35 : vector<16xi32>
      %and3A = arith.andi %ne3A_32, %ne3A_36 : vector<16xi1>
      %sub3A = arith.constant 1 : i32
      %sub3A_37 = vector.broadcast %sub3A : i32 to vector<16xi32>
      %sub3A_38 = arith.subi %div3A_16, %sub3A_37 : vector<16xi32>
      %select_n3A = arith.select %and3A, %sub3A_38, %div3A_16 : vector<16xi1>, vector<16xi32>
      %mul3A_39 = arith.constant 128 : i32
      %mul3A_40 = vector.broadcast %mul3A_39 : i32 to vector<16xi32>
      %mul3A_41 = arith.muli %select_n3A, %mul3A_40 : vector<16xi32>
      %jit3A_42 = arith.constant 128 : i32
      %div3A_43 = vector.broadcast %jit3A_42 : i32 to vector<16xi32>
      %div3A_44 = arith.divsi %get3A_15, %div3A_43 : vector<16xi32>
      %sign3A_45 = arith.constant 0 : i32
      %sign3A_46 = vector.broadcast %sign3A_45 : i32 to vector<16xi32>
      %sign3A_47 = arith.cmpi sgt, %get3A_15, %sign3A_46 : vector<16xi32>
      %sign3A_48 = arith.extui %sign3A_47 : vector<16xi1> to vector<16xi32>
      %sign3A_49 = arith.constant 0 : i32
      %sign3A_50 = vector.broadcast %sign3A_49 : i32 to vector<16xi32>
      %sign3A_51 = arith.cmpi slt, %get3A_15, %sign3A_50 : vector<16xi32>
      %sign3A_52 = arith.extui %sign3A_51 : vector<16xi1> to vector<16xi32>
      %sign3A_53 = arith.subi %sign3A_48, %sign3A_52 : vector<16xi32>
      %sign3A_54 = arith.constant 0 : i32
      %sign3A_55 = arith.cmpi sgt, %jit3A_42, %sign3A_54 : i32
      %sign3A_56 = arith.extui %sign3A_55 : i1 to i32
      %sign3A_57 = arith.constant 0 : i32
      %sign3A_58 = arith.cmpi slt, %jit3A_42, %sign3A_57 : i32
      %sign3A_59 = arith.extui %sign3A_58 : i1 to i32
      %sign3A_60 = arith.subi %sign3A_56, %sign3A_59 : i32
      %ne3A_61 = vector.broadcast %sign3A_60 : i32 to vector<16xi32>
      %ne3A_62 = arith.cmpi ne, %sign3A_53, %ne3A_61 : vector<16xi32>
      %rem3A_63 = vector.broadcast %jit3A_42 : i32 to vector<16xi32>
      %rem3A_64 = arith.remsi %get3A_15, %rem3A_63 : vector<16xi32>
      %ne3A_65 = arith.constant 0 : i32
      %ne3A_66 = vector.broadcast %ne3A_65 : i32 to vector<16xi32>
      %ne3A_67 = arith.cmpi ne, %rem3A_64, %ne3A_66 : vector<16xi32>
      %and3A_68 = arith.andi %ne3A_62, %ne3A_67 : vector<16xi1>
      %sub3A_69 = arith.constant 1 : i32
      %sub3A_70 = vector.broadcast %sub3A_69 : i32 to vector<16xi32>
      %sub3A_71 = arith.subi %div3A_44, %sub3A_70 : vector<16xi32>
      %select_n3A_72 = arith.select %and3A_68, %sub3A_71, %div3A_44 : vector<16xi1>, vector<16xi32>
      %mul3A_73 = arith.constant 128 : i32
      %mul3A_74 = vector.broadcast %mul3A_73 : i32 to vector<16xi32>
      %mul3A_75 = arith.muli %select_n3A_72, %mul3A_74 : vector<16xi32>
      %sub3A_76 = arith.subi %get3A_11, %mul3A_41 : vector<16xi32>
      %sub3A_77 = arith.subi %get3A_15, %mul3A_75 : vector<16xi32>
      %slice3A = vector.extract_strided_slice %mul3A_41 {offsets = [0], sizes = [1], strides = [1]} : vector<16xi32> to vector<1xi32>
      %squeeze3A = vector.extract %slice3A[0] : i32 from vector<1xi32>
      %multiple_of3A = tpu.assume_multiple %squeeze3A, 128 : i32
      %slice3A_78 = vector.extract_strided_slice %mul3A_75 {offsets = [0], sizes = [1], strides = [1]} : vector<16xi32> to vector<1xi32>
      %squeeze3A_79 = vector.extract %slice3A_78[0] : i32 from vector<1xi32>
      %multiple_of3A_80 = tpu.assume_multiple %squeeze3A_79, 128 : i32
      %dma_start3A = arith.constant 0 : i32
      %dma_start3A_81 = arith.constant 0 : i32
      %dma_start3A_82 = arith.constant 0 : i32
      %dma_start3A_83 = arith.constant 0 : i32
      %dma_start3A_84 = tpu.memref_slice %arg9[%dma_start3A, %dma_start3A_81, %dma_start3A_82, %dma_start3A_83] : memref<2x2x64x128xf32, #tpu.memory_space<vmem>> -> memref<1x1x64x128xf32, #tpu.memory_space<vmem>>
      %dma_start3A_85 = tpu.memref_squeeze %dma_start3A_84 : memref<1x1x64x128xf32, #tpu.memory_space<vmem>> -> memref<64x128xf32, #tpu.memory_space<vmem>>
      %dma_start3A_86 = arith.constant 0 : i32
      %dma_start3A_87 = tpu.memref_slice %arg4[%dma_start3A_86, %multiple_of3A] : memref<64x1000000xf32, #tpu.memory_space<hbm>> -> memref<64x128xf32, #tpu.memory_space<hbm>>
      %dma_start3A_88 = arith.constant 0 : i32
      %dma_start3A_89 = arith.constant 0 : i32
      %dma_start3A_90 = tpu.memref_slice %arg9[%dma_start3A, %dma_start3A_81, %dma_start3A_88, %dma_start3A_89] : memref<2x2x64x128xf32, #tpu.memory_space<vmem>> -> memref<1x1x64x128xf32, #tpu.memory_space<vmem>>
      %dma_start3A_91 = tpu.memref_squeeze %dma_start3A_90 : memref<1x1x64x128xf32, #tpu.memory_space<vmem>> -> memref<64x128xf32, #tpu.memory_space<vmem>>
      %dma_start3A_92 = arith.constant 0 : i32
      %dma_start3A_93 = tpu.memref_slice %arg4[%dma_start3A_92, %multiple_of3A] : memref<64x1000000xf32, #tpu.memory_space<hbm>> -> memref<64x128xf32, #tpu.memory_space<hbm>>
      tpu.enqueue_dma source(%dma_start3A_93 : memref<64x128xf32, #tpu.memory_space<hbm>>) target(%dma_start3A_91 : memref<64x128xf32, #tpu.memory_space<vmem>>) target_semaphore(%arg13 : memref<!tpu.dma_semaphore, #tpu.memory_space<semaphore_mem>>)
      %dma_start3A_94 = arith.constant 0 : i32
      %dma_start3A_95 = arith.constant 0 : i32
      %dma_start3A_96 = arith.constant 0 : i32
      %dma_start3A_97 = arith.constant 0 : i32
      %dma_start3A_98 = tpu.memref_slice %arg10[%dma_start3A_94, %dma_start3A_95, %dma_start3A_96, %dma_start3A_97] : memref<2x2x64x128xf32, #tpu.memory_space<vmem>> -> memref<1x1x64x128xf32, #tpu.memory_space<vmem>>
      %dma_start3A_99 = tpu.memref_squeeze %dma_start3A_98 : memref<1x1x64x128xf32, #tpu.memory_space<vmem>> -> memref<64x128xf32, #tpu.memory_space<vmem>>
      %dma_start3A_100 = arith.constant 0 : i32
      %dma_start3A_101 = tpu.memref_slice %arg5[%dma_start3A_100, %multiple_of3A_80] : memref<64x1000000xf32, #tpu.memory_space<hbm>> -> memref<64x128xf32, #tpu.memory_space<hbm>>
      %dma_start3A_102 = arith.constant 0 : i32
      %dma_start3A_103 = arith.constant 0 : i32
      %dma_start3A_104 = tpu.memref_slice %arg10[%dma_start3A_94, %dma_start3A_95, %dma_start3A_102, %dma_start3A_103] : memref<2x2x64x128xf32, #tpu.memory_space<vmem>> -> memref<1x1x64x128xf32, #tpu.memory_space<vmem>>
      %dma_start3A_105 = tpu.memref_squeeze %dma_start3A_104 : memref<1x1x64x128xf32, #tpu.memory_space<vmem>> -> memref<64x128xf32, #tpu.memory_space<vmem>>
      %dma_start3A_106 = arith.constant 0 : i32
      %dma_start3A_107 = tpu.memref_slice %arg5[%dma_start3A_106, %multiple_of3A_80] : memref<64x1000000xf32, #tpu.memory_space<hbm>> -> memref<64x128xf32, #tpu.memory_space<hbm>>
      tpu.enqueue_dma source(%dma_start3A_107 : memref<64x128xf32, #tpu.memory_space<hbm>>) target(%dma_start3A_105 : memref<64x128xf32, #tpu.memory_space<vmem>>) target_semaphore(%arg13 : memref<!tpu.dma_semaphore, #tpu.memory_space<semaphore_mem>>)
      %slice3A_108 = vector.extract_strided_slice %mul3A_41 {offsets = [1], sizes = [1], strides = [1]} : vector<16xi32> to vector<1xi32>
      %squeeze3A_109 = vector.extract %slice3A_108[0] : i32 from vector<1xi32>
      %multiple_of3A_110 = tpu.assume_multiple %squeeze3A_109, 128 : i32
      %slice3A_111 = vector.extract_strided_slice %mul3A_75 {offsets = [1], sizes = [1], strides = [1]} : vector<16xi32> to vector<1xi32>
      %squeeze3A_112 = vector.extract %slice3A_111[0] : i32 from vector<1xi32>
      %multiple_of3A_113 = tpu.assume_multiple %squeeze3A_112, 128 : i32
      %dma_start3A_114 = arith.constant 0 : i32
      %dma_start3A_115 = arith.constant 1 : i32
      %dma_start3A_116 = arith.constant 0 : i32
      %dma_start3A_117 = arith.constant 0 : i32
      %dma_start3A_118 = tpu.memref_slice %arg9[%dma_start3A_114, %dma_start3A_115, %dma_start3A_116, %dma_start3A_117] : memref<2x2x64x128xf32, #tpu.memory_space<vmem>> -> memref<1x1x64x128xf32, #tpu.memory_space<vmem>>
      %dma_start3A_119 = tpu.memref_squeeze %dma_start3A_118 : memref<1x1x64x128xf32, #tpu.memory_space<vmem>> -> memref<64x128xf32, #tpu.memory_space<vmem>>
      %dma_start3A_120 = arith.constant 0 : i32
      %dma_start3A_121 = tpu.memref_slice %arg4[%dma_start3A_120, %multiple_of3A_110] : memref<64x1000000xf32, #tpu.memory_space<hbm>> -> memref<64x128xf32, #tpu.memory_space<hbm>>
      %dma_start3A_122 = arith.constant 0 : i32
      %dma_start3A_123 = arith.constant 0 : i32
      %dma_start3A_124 = tpu.memref_slice %arg9[%dma_start3A_114, %dma_start3A_115, %dma_start3A_122, %dma_start3A_123] : memref<2x2x64x128xf32, #tpu.memory_space<vmem>> -> memref<1x1x64x128xf32, #tpu.memory_space<vmem>>
      %dma_start3A_125 = tpu.memref_squeeze %dma_start3A_124 : memref<1x1x64x128xf32, #tpu.memory_space<vmem>> -> memref<64x128xf32, #tpu.memory_space<vmem>>
      %dma_start3A_126 = arith.constant 0 : i32
      %dma_start3A_127 = tpu.memref_slice %arg4[%dma_start3A_126, %multiple_of3A_110] : memref<64x1000000xf32, #tpu.memory_space<hbm>> -> memref<64x128xf32, #tpu.memory_space<hbm>>
      tpu.enqueue_dma source(%dma_start3A_127 : memref<64x128xf32, #tpu.memory_space<hbm>>) target(%dma_start3A_125 : memref<64x128xf32, #tpu.memory_space<vmem>>) target_semaphore(%arg13 : memref<!tpu.dma_semaphore, #tpu.memory_space<semaphore_mem>>)
      %dma_start3A_128 = arith.constant 0 : i32
      %dma_start3A_129 = arith.constant 1 : i32
      %dma_start3A_130 = arith.constant 0 : i32
      %dma_start3A_131 = arith.constant 0 : i32
      %dma_start3A_132 = tpu.memref_slice %arg10[%dma_start3A_128, %dma_start3A_129, %dma_start3A_130, %dma_start3A_131] : memref<2x2x64x128xf32, #tpu.memory_space<vmem>> -> memref<1x1x64x128xf32, #tpu.memory_space<vmem>>
      %dma_start3A_133 = tpu.memref_squeeze %dma_start3A_132 : memref<1x1x64x128xf32, #tpu.memory_space<vmem>> -> memref<64x128xf32, #tpu.memory_space<vmem>>
      %dma_start3A_134 = arith.constant 0 : i32
      %dma_start3A_135 = tpu.memref_slice %arg5[%dma_start3A_134, %multiple_of3A_113] : memref<64x1000000xf32, #tpu.memory_space<hbm>> -> memref<64x128xf32, #tpu.memory_space<hbm>>
      %dma_start3A_136 = arith.constant 0 : i32
      %dma_start3A_137 = arith.constant 0 : i32
      %dma_start3A_138 = tpu.memref_slice %arg10[%dma_start3A_128, %dma_start3A_129, %dma_start3A_136, %dma_start3A_137] : memref<2x2x64x128xf32, #tpu.memory_space<vmem>> -> memref<1x1x64x128xf32, #tpu.memory_space<vmem>>
      %dma_start3A_139 = tpu.memref_squeeze %dma_start3A_138 : memref<1x1x64x128xf32, #tpu.memory_space<vmem>> -> memref<64x128xf32, #tpu.memory_space<vmem>>
      %dma_start3A_140 = arith.constant 0 : i32
      %dma_start3A_141 = tpu.memref_slice %arg5[%dma_start3A_140, %multiple_of3A_113] : memref<64x1000000xf32, #tpu.memory_space<hbm>> -> memref<64x128xf32, #tpu.memory_space<hbm>>
      tpu.enqueue_dma source(%dma_start3A_141 : memref<64x128xf32, #tpu.memory_space<hbm>>) target(%dma_start3A_139 : memref<64x128xf32, #tpu.memory_space<vmem>>) target_semaphore(%arg13 : memref<!tpu.dma_semaphore, #tpu.memory_space<semaphore_mem>>)
      %slice3A_142 = vector.extract_strided_slice %mul3A_41 {offsets = [2], sizes = [1], strides = [1]} : vector<16xi32> to vector<1xi32>
      %squeeze3A_143 = vector.extract %slice3A_142[0] : i32 from vector<1xi32>
      %multiple_of3A_144 = tpu.assume_multiple %squeeze3A_143, 128 : i32
      %slice3A_145 = vector.extract_strided_slice %mul3A_75 {offsets = [2], sizes = [1], strides = [1]} : vector<16xi32> to vector<1xi32>
      %squeeze3A_146 = vector.extract %slice3A_145[0] : i32 from vector<1xi32>
      %multiple_of3A_147 = tpu.assume_multiple %squeeze3A_146, 128 : i32
      %dma_start3A_148 = arith.constant 1 : i32
      %dma_start3A_149 = arith.constant 0 : i32
      %dma_start3A_150 = arith.constant 0 : i32
      %dma_start3A_151 = arith.constant 0 : i32
      %dma_start3A_152 = tpu.memref_slice %arg9[%dma_start3A_148, %dma_start3A_149, %dma_start3A_150, %dma_start3A_151] : memref<2x2x64x128xf32, #tpu.memory_space<vmem>> -> memref<1x1x64x128xf32, #tpu.memory_space<vmem>>
      %dma_start3A_153 = tpu.memref_squeeze %dma_start3A_152 : memref<1x1x64x128xf32, #tpu.memory_space<vmem>> -> memref<64x128xf32, #tpu.memory_space<vmem>>
      %dma_start3A_154 = arith.constant 0 : i32
      %dma_start3A_155 = tpu.memref_slice %arg4[%dma_start3A_154, %multiple_of3A_144] : memref<64x1000000xf32, #tpu.memory_space<hbm>> -> memref<64x128xf32, #tpu.memory_space<hbm>>
      %dma_start3A_156 = arith.constant 0 : i32
      %dma_start3A_157 = arith.constant 0 : i32
      %dma_start3A_158 = tpu.memref_slice %arg9[%dma_start3A_148, %dma_start3A_149, %dma_start3A_156, %dma_start3A_157] : memref<2x2x64x128xf32, #tpu.memory_space<vmem>> -> memref<1x1x64x128xf32, #tpu.memory_space<vmem>>
      %dma_start3A_159 = tpu.memref_squeeze %dma_start3A_158 : memref<1x1x64x128xf32, #tpu.memory_space<vmem>> -> memref<64x128xf32, #tpu.memory_space<vmem>>
      %dma_start3A_160 = arith.constant 0 : i32
      %dma_start3A_161 = tpu.memref_slice %arg4[%dma_start3A_160, %multiple_of3A_144] : memref<64x1000000xf32, #tpu.memory_space<hbm>> -> memref<64x128xf32, #tpu.memory_space<hbm>>
      tpu.enqueue_dma source(%dma_start3A_161 : memref<64x128xf32, #tpu.memory_space<hbm>>) target(%dma_start3A_159 : memref<64x128xf32, #tpu.memory_space<vmem>>) target_semaphore(%arg14 : memref<!tpu.dma_semaphore, #tpu.memory_space<semaphore_mem>>)
      %dma_start3A_162 = arith.constant 1 : i32
      %dma_start3A_163 = arith.constant 0 : i32
      %dma_start3A_164 = arith.constant 0 : i32
      %dma_start3A_165 = arith.constant 0 : i32
      %dma_start3A_166 = tpu.memref_slice %arg10[%dma_start3A_162, %dma_start3A_163, %dma_start3A_164, %dma_start3A_165] : memref<2x2x64x128xf32, #tpu.memory_space<vmem>> -> memref<1x1x64x128xf32, #tpu.memory_space<vmem>>
      %dma_start3A_167 = tpu.memref_squeeze %dma_start3A_166 : memref<1x1x64x128xf32, #tpu.memory_space<vmem>> -> memref<64x128xf32, #tpu.memory_space<vmem>>
      %dma_start3A_168 = arith.constant 0 : i32
      %dma_start3A_169 = tpu.memref_slice %arg5[%dma_start3A_168, %multiple_of3A_147] : memref<64x1000000xf32, #tpu.memory_space<hbm>> -> memref<64x128xf32, #tpu.memory_space<hbm>>
      %dma_start3A_170 = arith.constant 0 : i32
      %dma_start3A_171 = arith.constant 0 : i32
      %dma_start3A_172 = tpu.memref_slice %arg10[%dma_start3A_162, %dma_start3A_163, %dma_start3A_170, %dma_start3A_171] : memref<2x2x64x128xf32, #tpu.memory_space<vmem>> -> memref<1x1x64x128xf32, #tpu.memory_space<vmem>>
      %dma_start3A_173 = tpu.memref_squeeze %dma_start3A_172 : memref<1x1x64x128xf32, #tpu.memory_space<vmem>> -> memref<64x128xf32, #tpu.memory_space<vmem>>
      %dma_start3A_174 = arith.constant 0 : i32
      %dma_start3A_175 = tpu.memref_slice %arg5[%dma_start3A_174, %multiple_of3A_147] : memref<64x1000000xf32, #tpu.memory_space<hbm>> -> memref<64x128xf32, #tpu.memory_space<hbm>>
      tpu.enqueue_dma source(%dma_start3A_175 : memref<64x128xf32, #tpu.memory_space<hbm>>) target(%dma_start3A_173 : memref<64x128xf32, #tpu.memory_space<vmem>>) target_semaphore(%arg14 : memref<!tpu.dma_semaphore, #tpu.memory_space<semaphore_mem>>)
      %slice3A_176 = vector.extract_strided_slice %mul3A_41 {offsets = [3], sizes = [1], strides = [1]} : vector<16xi32> to vector<1xi32>
      %squeeze3A_177 = vector.extract %slice3A_176[0] : i32 from vector<1xi32>
      %multiple_of3A_178 = tpu.assume_multiple %squeeze3A_177, 128 : i32
      %slice3A_179 = vector.extract_strided_slice %mul3A_75 {offsets = [3], sizes = [1], strides = [1]} : vector<16xi32> to vector<1xi32>
      %squeeze3A_180 = vector.extract %slice3A_179[0] : i32 from vector<1xi32>
      %multiple_of3A_181 = tpu.assume_multiple %squeeze3A_180, 128 : i32
      %dma_start3A_182 = arith.constant 1 : i32
      %dma_start3A_183 = arith.constant 1 : i32
      %dma_start3A_184 = arith.constant 0 : i32
      %dma_start3A_185 = arith.constant 0 : i32
      %dma_start3A_186 = tpu.memref_slice %arg9[%dma_start3A_182, %dma_start3A_183, %dma_start3A_184, %dma_start3A_185] : memref<2x2x64x128xf32, #tpu.memory_space<vmem>> -> memref<1x1x64x128xf32, #tpu.memory_space<vmem>>
      %dma_start3A_187 = tpu.memref_squeeze %dma_start3A_186 : memref<1x1x64x128xf32, #tpu.memory_space<vmem>> -> memref<64x128xf32, #tpu.memory_space<vmem>>
      %dma_start3A_188 = arith.constant 0 : i32
      %dma_start3A_189 = tpu.memref_slice %arg4[%dma_start3A_188, %multiple_of3A_178] : memref<64x1000000xf32, #tpu.memory_space<hbm>> -> memref<64x128xf32, #tpu.memory_space<hbm>>
      %dma_start3A_190 = arith.constant 0 : i32
      %dma_start3A_191 = arith.constant 0 : i32
      %dma_start3A_192 = tpu.memref_slice %arg9[%dma_start3A_182, %dma_start3A_183, %dma_start3A_190, %dma_start3A_191] : memref<2x2x64x128xf32, #tpu.memory_space<vmem>> -> memref<1x1x64x128xf32, #tpu.memory_space<vmem>>
      %dma_start3A_193 = tpu.memref_squeeze %dma_start3A_192 : memref<1x1x64x128xf32, #tpu.memory_space<vmem>> -> memref<64x128xf32, #tpu.memory_space<vmem>>
      %dma_start3A_194 = arith.constant 0 : i32
      %dma_start3A_195 = tpu.memref_slice %arg4[%dma_start3A_194, %multiple_of3A_178] : memref<64x1000000xf32, #tpu.memory_space<hbm>> -> memref<64x128xf32, #tpu.memory_space<hbm>>
      tpu.enqueue_dma source(%dma_start3A_195 : memref<64x128xf32, #tpu.memory_space<hbm>>) target(%dma_start3A_193 : memref<64x128xf32, #tpu.memory_space<vmem>>) target_semaphore(%arg14 : memref<!tpu.dma_semaphore, #tpu.memory_space<semaphore_mem>>)
      %dma_start3A_196 = arith.constant 1 : i32
      %dma_start3A_197 = arith.constant 1 : i32
      %dma_start3A_198 = arith.constant 0 : i32
      %dma_start3A_199 = arith.constant 0 : i32
      %dma_start3A_200 = tpu.memref_slice %arg10[%dma_start3A_196, %dma_start3A_197, %dma_start3A_198, %dma_start3A_199] : memref<2x2x64x128xf32, #tpu.memory_space<vmem>> -> memref<1x1x64x128xf32, #tpu.memory_space<vmem>>
      %dma_start3A_201 = tpu.memref_squeeze %dma_start3A_200 : memref<1x1x64x128xf32, #tpu.memory_space<vmem>> -> memref<64x128xf32, #tpu.memory_space<vmem>>
      %dma_start3A_202 = arith.constant 0 : i32
      %dma_start3A_203 = tpu.memref_slice %arg5[%dma_start3A_202, %multiple_of3A_181] : memref<64x1000000xf32, #tpu.memory_space<hbm>> -> memref<64x128xf32, #tpu.memory_space<hbm>>
      %dma_start3A_204 = arith.constant 0 : i32
      %dma_start3A_205 = arith.constant 0 : i32
      %dma_start3A_206 = tpu.memref_slice %arg10[%dma_start3A_196, %dma_start3A_197, %dma_start3A_204, %dma_start3A_205] : memref<2x2x64x128xf32, #tpu.memory_space<vmem>> -> memref<1x1x64x128xf32, #tpu.memory_space<vmem>>
      %dma_start3A_207 = tpu.memref_squeeze %dma_start3A_206 : memref<1x1x64x128xf32, #tpu.memory_space<vmem>> -> memref<64x128xf32, #tpu.memory_space<vmem>>
      %dma_start3A_208 = arith.constant 0 : i32
      %dma_start3A_209 = tpu.memref_slice %arg5[%dma_start3A_208, %multiple_of3A_181] : memref<64x1000000xf32, #tpu.memory_space<hbm>> -> memref<64x128xf32, #tpu.memory_space<hbm>>
      tpu.enqueue_dma source(%dma_start3A_209 : memref<64x128xf32, #tpu.memory_space<hbm>>) target(%dma_start3A_207 : memref<64x128xf32, #tpu.memory_space<vmem>>) target_semaphore(%arg14 : memref<!tpu.dma_semaphore, #tpu.memory_space<semaphore_mem>>)
      %dma_wait3A = arith.constant 0 : i32
      %dma_wait3A_210 = arith.constant 0 : i32
      %dma_wait3A_211 = arith.constant 0 : i32
      %dma_wait3A_212 = arith.constant 0 : i32
      %dma_wait3A_213 = tpu.memref_slice %arg9[%dma_wait3A, %dma_wait3A_210, %dma_wait3A_211, %dma_wait3A_212] : memref<2x2x64x128xf32, #tpu.memory_space<vmem>> -> memref<1x1x64x128xf32, #tpu.memory_space<vmem>>
      %dma_wait3A_214 = tpu.memref_squeeze %dma_wait3A_213 : memref<1x1x64x128xf32, #tpu.memory_space<vmem>> -> memref<64x128xf32, #tpu.memory_space<vmem>>
      %dma_wait3A_215 = arith.constant 0 : i32
      %dma_wait3A_216 = tpu.memref_slice %arg4[%dma_wait3A_215, %multiple_of3A] : memref<64x1000000xf32, #tpu.memory_space<hbm>> -> memref<64x128xf32, #tpu.memory_space<hbm>>
      %dma_wait3A_217 = arith.constant 0 : i32
      %dma_wait3A_218 = arith.constant 0 : i32
      %dma_wait3A_219 = tpu.memref_slice %arg9[%dma_wait3A, %dma_wait3A_210, %dma_wait3A_217, %dma_wait3A_218] : memref<2x2x64x128xf32, #tpu.memory_space<vmem>> -> memref<1x1x64x128xf32, #tpu.memory_space<vmem>>
      %dma_wait3A_220 = tpu.memref_squeeze %dma_wait3A_219 : memref<1x1x64x128xf32, #tpu.memory_space<vmem>> -> memref<64x128xf32, #tpu.memory_space<vmem>>
      %dma_wait3A_221 = arith.constant 0 : i32
      %dma_wait3A_222 = tpu.memref_slice %arg4[%dma_wait3A_221, %multiple_of3A] : memref<64x1000000xf32, #tpu.memory_space<hbm>> -> memref<64x128xf32, #tpu.memory_space<hbm>>
      tpu.wait_dma2 semaphore(%arg13 : memref<!tpu.dma_semaphore, #tpu.memory_space<semaphore_mem>>) src(%dma_wait3A_222 : memref<64x128xf32, #tpu.memory_space<hbm>>) dst(%dma_wait3A_220 : memref<64x128xf32, #tpu.memory_space<vmem>>)
      %dma_wait3A_223 = arith.constant 0 : i32
      %dma_wait3A_224 = arith.constant 0 : i32
      %dma_wait3A_225 = arith.constant 0 : i32
      %dma_wait3A_226 = arith.constant 0 : i32
      %dma_wait3A_227 = tpu.memref_slice %arg10[%dma_wait3A_223, %dma_wait3A_224, %dma_wait3A_225, %dma_wait3A_226] : memref<2x2x64x128xf32, #tpu.memory_space<vmem>> -> memref<1x1x64x128xf32, #tpu.memory_space<vmem>>
      %dma_wait3A_228 = tpu.memref_squeeze %dma_wait3A_227 : memref<1x1x64x128xf32, #tpu.memory_space<vmem>> -> memref<64x128xf32, #tpu.memory_space<vmem>>
      %dma_wait3A_229 = arith.constant 0 : i32
      %dma_wait3A_230 = tpu.memref_slice %arg5[%dma_wait3A_229, %multiple_of3A_80] : memref<64x1000000xf32, #tpu.memory_space<hbm>> -> memref<64x128xf32, #tpu.memory_space<hbm>>
      %dma_wait3A_231 = arith.constant 0 : i32
      %dma_wait3A_232 = arith.constant 0 : i32
      %dma_wait3A_233 = tpu.memref_slice %arg10[%dma_wait3A_223, %dma_wait3A_224, %dma_wait3A_231, %dma_wait3A_232] : memref<2x2x64x128xf32, #tpu.memory_space<vmem>> -> memref<1x1x64x128xf32, #tpu.memory_space<vmem>>
      %dma_wait3A_234 = tpu.memref_squeeze %dma_wait3A_233 : memref<1x1x64x128xf32, #tpu.memory_space<vmem>> -> memref<64x128xf32, #tpu.memory_space<vmem>>
      %dma_wait3A_235 = arith.constant 0 : i32
      %dma_wait3A_236 = tpu.memref_slice %arg5[%dma_wait3A_235, %multiple_of3A_80] : memref<64x1000000xf32, #tpu.memory_space<hbm>> -> memref<64x128xf32, #tpu.memory_space<hbm>>
      tpu.wait_dma2 semaphore(%arg13 : memref<!tpu.dma_semaphore, #tpu.memory_space<semaphore_mem>>) src(%dma_wait3A_236 : memref<64x128xf32, #tpu.memory_space<hbm>>) dst(%dma_wait3A_234 : memref<64x128xf32, #tpu.memory_space<vmem>>)
      %dma_wait3A_237 = arith.constant 0 : i32
      %dma_wait3A_238 = arith.constant 1 : i32
      %dma_wait3A_239 = arith.constant 0 : i32
      %dma_wait3A_240 = arith.constant 0 : i32
      %dma_wait3A_241 = tpu.memref_slice %arg9[%dma_wait3A_237, %dma_wait3A_238, %dma_wait3A_239, %dma_wait3A_240] : memref<2x2x64x128xf32, #tpu.memory_space<vmem>> -> memref<1x1x64x128xf32, #tpu.memory_space<vmem>>
      %dma_wait3A_242 = tpu.memref_squeeze %dma_wait3A_241 : memref<1x1x64x128xf32, #tpu.memory_space<vmem>> -> memref<64x128xf32, #tpu.memory_space<vmem>>
      %dma_wait3A_243 = arith.constant 0 : i32
      %dma_wait3A_244 = tpu.memref_slice %arg4[%dma_wait3A_243, %multiple_of3A_110] : memref<64x1000000xf32, #tpu.memory_space<hbm>> -> memref<64x128xf32, #tpu.memory_space<hbm>>
      %dma_wait3A_245 = arith.constant 0 : i32
      %dma_wait3A_246 = arith.constant 0 : i32
      %dma_wait3A_247 = tpu.memref_slice %arg9[%dma_wait3A_237, %dma_wait3A_238, %dma_wait3A_245, %dma_wait3A_246] : memref<2x2x64x128xf32, #tpu.memory_space<vmem>> -> memref<1x1x64x128xf32, #tpu.memory_space<vmem>>
      %dma_wait3A_248 = tpu.memref_squeeze %dma_wait3A_247 : memref<1x1x64x128xf32, #tpu.memory_space<vmem>> -> memref<64x128xf32, #tpu.memory_space<vmem>>
      %dma_wait3A_249 = arith.constant 0 : i32
      %dma_wait3A_250 = tpu.memref_slice %arg4[%dma_wait3A_249, %multiple_of3A_110] : memref<64x1000000xf32, #tpu.memory_space<hbm>> -> memref<64x128xf32, #tpu.memory_space<hbm>>
      tpu.wait_dma2 semaphore(%arg13 : memref<!tpu.dma_semaphore, #tpu.memory_space<semaphore_mem>>) src(%dma_wait3A_250 : memref<64x128xf32, #tpu.memory_space<hbm>>) dst(%dma_wait3A_248 : memref<64x128xf32, #tpu.memory_space<vmem>>)
      %dma_wait3A_251 = arith.constant 0 : i32
      %dma_wait3A_252 = arith.constant 1 : i32
      %dma_wait3A_253 = arith.constant 0 : i32
      %dma_wait3A_254 = arith.constant 0 : i32
      %dma_wait3A_255 = tpu.memref_slice %arg10[%dma_wait3A_251, %dma_wait3A_252, %dma_wait3A_253, %dma_wait3A_254] : memref<2x2x64x128xf32, #tpu.memory_space<vmem>> -> memref<1x1x64x128xf32, #tpu.memory_space<vmem>>
      %dma_wait3A_256 = tpu.memref_squeeze %dma_wait3A_255 : memref<1x1x64x128xf32, #tpu.memory_space<vmem>> -> memref<64x128xf32, #tpu.memory_space<vmem>>
      %dma_wait3A_257 = arith.constant 0 : i32
      %dma_wait3A_258 = tpu.memref_slice %arg5[%dma_wait3A_257, %multiple_of3A_113] : memref<64x1000000xf32, #tpu.memory_space<hbm>> -> memref<64x128xf32, #tpu.memory_space<hbm>>
      %dma_wait3A_259 = arith.constant 0 : i32
      %dma_wait3A_260 = arith.constant 0 : i32
      %dma_wait3A_261 = tpu.memref_slice %arg10[%dma_wait3A_251, %dma_wait3A_252, %dma_wait3A_259, %dma_wait3A_260] : memref<2x2x64x128xf32, #tpu.memory_space<vmem>> -> memref<1x1x64x128xf32, #tpu.memory_space<vmem>>
      %dma_wait3A_262 = tpu.memref_squeeze %dma_wait3A_261 : memref<1x1x64x128xf32, #tpu.memory_space<vmem>> -> memref<64x128xf32, #tpu.memory_space<vmem>>
      %dma_wait3A_263 = arith.constant 0 : i32
      %dma_wait3A_264 = tpu.memref_slice %arg5[%dma_wait3A_263, %multiple_of3A_113] : memref<64x1000000xf32, #tpu.memory_space<hbm>> -> memref<64x128xf32, #tpu.memory_space<hbm>>
      tpu.wait_dma2 semaphore(%arg13 : memref<!tpu.dma_semaphore, #tpu.memory_space<semaphore_mem>>) src(%dma_wait3A_264 : memref<64x128xf32, #tpu.memory_space<hbm>>) dst(%dma_wait3A_262 : memref<64x128xf32, #tpu.memory_space<vmem>>)
      %slice3A_265 = vector.extract_strided_slice %sub3A_76 {offsets = [0], sizes = [1], strides = [1]} : vector<16xi32> to vector<1xi32>
      %squeeze3A_266 = vector.extract %slice3A_265[0] : i32 from vector<1xi32>
      %broadcast_in_dim3A = vector.broadcast %squeeze3A_266 : i32 to vector<16xi32>
      %slice3A_267 = vector.extract_strided_slice %sub3A_77 {offsets = [0], sizes = [1], strides = [1]} : vector<16xi32> to vector<1xi32>
      %squeeze3A_268 = vector.extract %slice3A_267[0] : i32 from vector<1xi32>
      %broadcast_in_dim3A_269 = vector.broadcast %squeeze3A_268 : i32 to vector<16xi32>
      %broadcast_in_dim3A_270 = arith.constant 0 : i32
      %broadcast_in_dim3A_271 = vector.broadcast %broadcast_in_dim3A_270 : i32 to vector<16xi32>
      %broadcast_in_dim3A_272 = arith.constant 0 : i32
      %broadcast_in_dim3A_273 = vector.broadcast %broadcast_in_dim3A_272 : i32 to vector<16xi32>
      %add3A_274 = arith.constant 0 : i32
      %add3A_275 = vector.broadcast %add3A_274 : i32 to vector<16xi32>
      %add3A_276 = arith.addi %add3A_275, %iota3A : vector<16xi32>
      %gather3A = tpu.vector_load_idx %arg9[%broadcast_in_dim3A_273, %broadcast_in_dim3A_271, %add3A_276, %broadcast_in_dim3A] : memref<2x2x64x128xf32, #tpu.memory_space<vmem>>[vector<16xi32>, vector<16xi32>, vector<16xi32>, vector<16xi32>], vector<16xf32>,
      %gather3A_277 = tpu.vector_load_idx %arg10[%broadcast_in_dim3A_273, %broadcast_in_dim3A_271, %add3A_276, %broadcast_in_dim3A_269] : memref<2x2x64x128xf32, #tpu.memory_space<vmem>>[vector<16xi32>, vector<16xi32>, vector<16xi32>, vector<16xi32>], vector<16xf32>,
      %mul3A_278 = arith.mulf %gather3A, %gather3A_277 : vector<16xf32>
      %add3A_279 = arith.constant 16 : i32
      %add3A_280 = vector.broadcast %add3A_279 : i32 to vector<16xi32>
      %add3A_281 = arith.addi %add3A_280, %iota3A : vector<16xi32>
      %gather3A_282 = tpu.vector_load_idx %arg9[%broadcast_in_dim3A_273, %broadcast_in_dim3A_271, %add3A_281, %broadcast_in_dim3A] : memref<2x2x64x128xf32, #tpu.memory_space<vmem>>[vector<16xi32>, vector<16xi32>, vector<16xi32>, vector<16xi32>], vector<16xf32>,
      %gather3A_283 = tpu.vector_load_idx %arg10[%broadcast_in_dim3A_273, %broadcast_in_dim3A_271, %add3A_281, %broadcast_in_dim3A_269] : memref<2x2x64x128xf32, #tpu.memory_space<vmem>>[vector<16xi32>, vector<16xi32>, vector<16xi32>, vector<16xi32>], vector<16xf32>,
      %mul3A_284 = arith.mulf %gather3A_282, %gather3A_283 : vector<16xf32>
      %add3A_285 = arith.addf %mul3A_278, %mul3A_284 : vector<16xf32>
      %add3A_286 = arith.constant 32 : i32
      %add3A_287 = vector.broadcast %add3A_286 : i32 to vector<16xi32>
      %add3A_288 = arith.addi %add3A_287, %iota3A : vector<16xi32>
      %gather3A_289 = tpu.vector_load_idx %arg9[%broadcast_in_dim3A_273, %broadcast_in_dim3A_271, %add3A_288, %broadcast_in_dim3A] : memref<2x2x64x128xf32, #tpu.memory_space<vmem>>[vector<16xi32>, vector<16xi32>, vector<16xi32>, vector<16xi32>], vector<16xf32>,
      %gather3A_290 = tpu.vector_load_idx %arg10[%broadcast_in_dim3A_273, %broadcast_in_dim3A_271, %add3A_288, %broadcast_in_dim3A_269] : memref<2x2x64x128xf32, #tpu.memory_space<vmem>>[vector<16xi32>, vector<16xi32>, vector<16xi32>, vector<16xi32>], vector<16xf32>,
      %mul3A_291 = arith.mulf %gather3A_289, %gather3A_290 : vector<16xf32>
      %add3A_292 = arith.addf %add3A_285, %mul3A_291 : vector<16xf32>
      %add3A_293 = arith.constant 48 : i32
      %add3A_294 = vector.broadcast %add3A_293 : i32 to vector<16xi32>
      %add3A_295 = arith.addi %add3A_294, %iota3A : vector<16xi32>
      %gather3A_296 = tpu.vector_load_idx %arg9[%broadcast_in_dim3A_273, %broadcast_in_dim3A_271, %add3A_295, %broadcast_in_dim3A] : memref<2x2x64x128xf32, #tpu.memory_space<vmem>>[vector<16xi32>, vector<16xi32>, vector<16xi32>, vector<16xi32>], vector<16xf32>,
      %gather3A_297 = tpu.vector_load_idx %arg10[%broadcast_in_dim3A_273, %broadcast_in_dim3A_271, %add3A_295, %broadcast_in_dim3A_269] : memref<2x2x64x128xf32, #tpu.memory_space<vmem>>[vector<16xi32>, vector<16xi32>, vector<16xi32>, vector<16xi32>], vector<16xf32>,
      %mul3A_298 = arith.mulf %gather3A_296, %gather3A_297 : vector<16xf32>
      %add3A_299 = arith.addf %add3A_292, %mul3A_298 : vector<16xf32>
      %swap3A = arith.constant 0 : index
      %swap3A_300 = tpu.vector_load %arg12[%swap3A] {strides = array<i32>} : memref<256xf32, #tpu.memory_space<vmem>>, vector<16xf32>,
      tpu.vector_store %arg12[%swap3A], %add3A_299 {strides = array<i32>} : memref<256xf32, #tpu.memory_space<vmem>>, vector<16xf32>,
      %slice3A_301 = vector.extract_strided_slice %sub3A_76 {offsets = [1], sizes = [1], strides = [1]} : vector<16xi32> to vector<1xi32>
      %squeeze3A_302 = vector.extract %slice3A_301[0] : i32 from vector<1xi32>
      %broadcast_in_dim3A_303 = vector.broadcast %squeeze3A_302 : i32 to vector<16xi32>
      %slice3A_304 = vector.extract_strided_slice %sub3A_77 {offsets = [1], sizes = [1], strides = [1]} : vector<16xi32> to vector<1xi32>
      %squeeze3A_305 = vector.extract %slice3A_304[0] : i32 from vector<1xi32>
      %broadcast_in_dim3A_306 = vector.broadcast %squeeze3A_305 : i32 to vector<16xi32>
      %broadcast_in_dim3A_307 = arith.constant 1 : i32
      %broadcast_in_dim3A_308 = vector.broadcast %broadcast_in_dim3A_307 : i32 to vector<16xi32>
      %broadcast_in_dim3A_309 = arith.constant 0 : i32
      %broadcast_in_dim3A_310 = vector.broadcast %broadcast_in_dim3A_309 : i32 to vector<16xi32>
      %add3A_311 = arith.constant 0 : i32
      %add3A_312 = vector.broadcast %add3A_311 : i32 to vector<16xi32>
      %add3A_313 = arith.addi %add3A_312, %iota3A : vector<16xi32>
      %gather3A_314 = tpu.vector_load_idx %arg9[%broadcast_in_dim3A_310, %broadcast_in_dim3A_308, %add3A_313, %broadcast_in_dim3A_303] : memref<2x2x64x128xf32, #tpu.memory_space<vmem>>[vector<16xi32>, vector<16xi32>, vector<16xi32>, vector<16xi32>], vector<16xf32>,
      %gather3A_315 = tpu.vector_load_idx %arg10[%broadcast_in_dim3A_310, %broadcast_in_dim3A_308, %add3A_313, %broadcast_in_dim3A_306] : memref<2x2x64x128xf32, #tpu.memory_space<vmem>>[vector<16xi32>, vector<16xi32>, vector<16xi32>, vector<16xi32>], vector<16xf32>,
      %mul3A_316 = arith.mulf %gather3A_314, %gather3A_315 : vector<16xf32>
      %add3A_317 = arith.constant 16 : i32
      %add3A_318 = vector.broadcast %add3A_317 : i32 to vector<16xi32>
      %add3A_319 = arith.addi %add3A_318, %iota3A : vector<16xi32>
      %gather3A_320 = tpu.vector_load_idx %arg9[%broadcast_in_dim3A_310, %broadcast_in_dim3A_308, %add3A_319, %broadcast_in_dim3A_303] : memref<2x2x64x128xf32, #tpu.memory_space<vmem>>[vector<16xi32>, vector<16xi32>, vector<16xi32>, vector<16xi32>], vector<16xf32>,
      %gather3A_321 = tpu.vector_load_idx %arg10[%broadcast_in_dim3A_310, %broadcast_in_dim3A_308, %add3A_319, %broadcast_in_dim3A_306] : memref<2x2x64x128xf32, #tpu.memory_space<vmem>>[vector<16xi32>, vector<16xi32>, vector<16xi32>, vector<16xi32>], vector<16xf32>,
      %mul3A_322 = arith.mulf %gather3A_320, %gather3A_321 : vector<16xf32>
      %add3A_323 = arith.addf %mul3A_316, %mul3A_322 : vector<16xf32>
      %add3A_324 = arith.constant 32 : i32
      %add3A_325 = vector.broadcast %add3A_324 : i32 to vector<16xi32>
      %add3A_326 = arith.addi %add3A_325, %iota3A : vector<16xi32>
      %gather3A_327 = tpu.vector_load_idx %arg9[%broadcast_in_dim3A_310, %broadcast_in_dim3A_308, %add3A_326, %broadcast_in_dim3A_303] : memref<2x2x64x128xf32, #tpu.memory_space<vmem>>[vector<16xi32>, vector<16xi32>, vector<16xi32>, vector<16xi32>], vector<16xf32>,
      %gather3A_328 = tpu.vector_load_idx %arg10[%broadcast_in_dim3A_310, %broadcast_in_dim3A_308, %add3A_326, %broadcast_in_dim3A_306] : memref<2x2x64x128xf32, #tpu.memory_space<vmem>>[vector<16xi32>, vector<16xi32>, vector<16xi32>, vector<16xi32>], vector<16xf32>,
      %mul3A_329 = arith.mulf %gather3A_327, %gather3A_328 : vector<16xf32>
      %add3A_330 = arith.addf %add3A_323, %mul3A_329 : vector<16xf32>
      %add3A_331 = arith.constant 48 : i32
      %add3A_332 = vector.broadcast %add3A_331 : i32 to vector<16xi32>
      %add3A_333 = arith.addi %add3A_332, %iota3A : vector<16xi32>
      %gather3A_334 = tpu.vector_load_idx %arg9[%broadcast_in_dim3A_310, %broadcast_in_dim3A_308, %add3A_333, %broadcast_in_dim3A_303] : memref<2x2x64x128xf32, #tpu.memory_space<vmem>>[vector<16xi32>, vector<16xi32>, vector<16xi32>, vector<16xi32>], vector<16xf32>,
      %gather3A_335 = tpu.vector_load_idx %arg10[%broadcast_in_dim3A_310, %broadcast_in_dim3A_308, %add3A_333, %broadcast_in_dim3A_306] : memref<2x2x64x128xf32, #tpu.memory_space<vmem>>[vector<16xi32>, vector<16xi32>, vector<16xi32>, vector<16xi32>], vector<16xf32>,
      %mul3A_336 = arith.mulf %gather3A_334, %gather3A_335 : vector<16xf32>
      %add3A_337 = arith.addf %add3A_330, %mul3A_336 : vector<16xf32>
      %swap3A_338 = arith.constant 16 : index
      %swap3A_339 = tpu.vector_load %arg12[%swap3A_338] {strides = array<i32>} : memref<256xf32, #tpu.memory_space<vmem>>, vector<16xf32>,
      tpu.vector_store %arg12[%swap3A_338], %add3A_337 {strides = array<i32>} : memref<256xf32, #tpu.memory_space<vmem>>, vector<16xf32>,
      %slice3A_340 = vector.extract_strided_slice %mul3A_41 {offsets = [4], sizes = [1], strides = [1]} : vector<16xi32> to vector<1xi32>
      %squeeze3A_341 = vector.extract %slice3A_340[0] : i32 from vector<1xi32>
      %multiple_of3A_342 = tpu.assume_multiple %squeeze3A_341, 128 : i32
      %slice3A_343 = vector.extract_strided_slice %mul3A_75 {offsets = [4], sizes = [1], strides = [1]} : vector<16xi32> to vector<1xi32>
      %squeeze3A_344 = vector.extract %slice3A_343[0] : i32 from vector<1xi32>
      %multiple_of3A_345 = tpu.assume_multiple %squeeze3A_344, 128 : i32
      %dma_start3A_346 = arith.constant 0 : i32
      %dma_start3A_347 = arith.constant 0 : i32
      %dma_start3A_348 = arith.constant 0 : i32
      %dma_start3A_349 = arith.constant 0 : i32
      %dma_start3A_350 = tpu.memref_slice %arg9[%dma_start3A_346, %dma_start3A_347, %dma_start3A_348, %dma_start3A_349] : memref<2x2x64x128xf32, #tpu.memory_space<vmem>> -> memref<1x1x64x128xf32, #tpu.memory_space<vmem>>
      %dma_start3A_351 = tpu.memref_squeeze %dma_start3A_350 : memref<1x1x64x128xf32, #tpu.memory_space<vmem>> -> memref<64x128xf32, #tpu.memory_space<vmem>>
      %dma_start3A_352 = arith.constant 0 : i32
      %dma_start3A_353 = tpu.memref_slice %arg4[%dma_start3A_352, %multiple_of3A_342] : memref<64x1000000xf32, #tpu.memory_space<hbm>> -> memref<64x128xf32, #tpu.memory_space<hbm>>
      %dma_start3A_354 = arith.constant 0 : i32
      %dma_start3A_355 = arith.constant 0 : i32
      %dma_start3A_356 = tpu.memref_slice %arg9[%dma_start3A_346, %dma_start3A_347, %dma_start3A_354, %dma_start3A_355] : memref<2x2x64x128xf32, #tpu.memory_space<vmem>> -> memref<1x1x64x128xf32, #tpu.memory_space<vmem>>
      %dma_start3A_357 = tpu.memref_squeeze %dma_start3A_356 : memref<1x1x64x128xf32, #tpu.memory_space<vmem>> -> memref<64x128xf32, #tpu.memory_space<vmem>>
      %dma_start3A_358 = arith.constant 0 : i32
      %dma_start3A_359 = tpu.memref_slice %arg4[%dma_start3A_358, %multiple_of3A_342] : memref<64x1000000xf32, #tpu.memory_space<hbm>> -> memref<64x128xf32, #tpu.memory_space<hbm>>
      tpu.enqueue_dma source(%dma_start3A_359 : memref<64x128xf32, #tpu.memory_space<hbm>>) target(%dma_start3A_357 : memref<64x128xf32, #tpu.memory_space<vmem>>) target_semaphore(%arg13 : memref<!tpu.dma_semaphore, #tpu.memory_space<semaphore_mem>>)
      %dma_start3A_360 = arith.constant 0 : i32
      %dma_start3A_361 = arith.constant 0 : i32
      %dma_start3A_362 = arith.constant 0 : i32
      %dma_start3A_363 = arith.constant 0 : i32
      %dma_start3A_364 = tpu.memref_slice %arg10[%dma_start3A_360, %dma_start3A_361, %dma_start3A_362, %dma_start3A_363] : memref<2x2x64x128xf32, #tpu.memory_space<vmem>> -> memref<1x1x64x128xf32, #tpu.memory_space<vmem>>
      %dma_start3A_365 = tpu.memref_squeeze %dma_start3A_364 : memref<1x1x64x128xf32, #tpu.memory_space<vmem>> -> memref<64x128xf32, #tpu.memory_space<vmem>>
      %dma_start3A_366 = arith.constant 0 : i32
      %dma_start3A_367 = tpu.memref_slice %arg5[%dma_start3A_366, %multiple_of3A_345] : memref<64x1000000xf32, #tpu.memory_space<hbm>> -> memref<64x128xf32, #tpu.memory_space<hbm>>
      %dma_start3A_368 = arith.constant 0 : i32
      %dma_start3A_369 = arith.constant 0 : i32
      %dma_start3A_370 = tpu.memref_slice %arg10[%dma_start3A_360, %dma_start3A_361, %dma_start3A_368, %dma_start3A_369] : memref<2x2x64x128xf32, #tpu.memory_space<vmem>> -> memref<1x1x64x128xf32, #tpu.memory_space<vmem>>
      %dma_start3A_371 = tpu.memref_squeeze %dma_start3A_370 : memref<1x1x64x128xf32, #tpu.memory_space<vmem>> -> memref<64x128xf32, #tpu.memory_space<vmem>>
      %dma_start3A_372 = arith.constant 0 : i32
      %dma_start3A_373 = tpu.memref_slice %arg5[%dma_start3A_372, %multiple_of3A_345] : memref<64x1000000xf32, #tpu.memory_space<hbm>> -> memref<64x128xf32, #tpu.memory_space<hbm>>
      tpu.enqueue_dma source(%dma_start3A_373 : memref<64x128xf32, #tpu.memory_space<hbm>>) target(%dma_start3A_371 : memref<64x128xf32, #tpu.memory_space<vmem>>) target_semaphore(%arg13 : memref<!tpu.dma_semaphore, #tpu.memory_space<semaphore_mem>>)
      %slice3A_374 = vector.extract_strided_slice %mul3A_41 {offsets = [5], sizes = [1], strides = [1]} : vector<16xi32> to vector<1xi32>
      %squeeze3A_375 = vector.extract %slice3A_374[0] : i32 from vector<1xi32>
      %multiple_of3A_376 = tpu.assume_multiple %squeeze3A_375, 128 : i32
      %slice3A_377 = vector.extract_strided_slice %mul3A_75 {offsets = [5], sizes = [1], strides = [1]} : vector<16xi32> to vector<1xi32>
      %squeeze3A_378 = vector.extract %slice3A_377[0] : i32 from vector<1xi32>
      %multiple_of3A_379 = tpu.assume_multiple %squeeze3A_378, 128 : i32
      %dma_start3A_380 = arith.constant 0 : i32
      %dma_start3A_381 = arith.constant 1 : i32
      %dma_start3A_382 = arith.constant 0 : i32
      %dma_start3A_383 = arith.constant 0 : i32
      %dma_start3A_384 = tpu.memref_slice %arg9[%dma_start3A_380, %dma_start3A_381, %dma_start3A_382, %dma_start3A_383] : memref<2x2x64x128xf32, #tpu.memory_space<vmem>> -> memref<1x1x64x128xf32, #tpu.memory_space<vmem>>
      %dma_start3A_385 = tpu.memref_squeeze %dma_start3A_384 : memref<1x1x64x128xf32, #tpu.memory_space<vmem>> -> memref<64x128xf32, #tpu.memory_space<vmem>>
      %dma_start3A_386 = arith.constant 0 : i32
      %dma_start3A_387 = tpu.memref_slice %arg4[%dma_start3A_386, %multiple_of3A_376] : memref<64x1000000xf32, #tpu.memory_space<hbm>> -> memref<64x128xf32, #tpu.memory_space<hbm>>
      %dma_start3A_388 = arith.constant 0 : i32
      %dma_start3A_389 = arith.constant 0 : i32
      %dma_start3A_390 = tpu.memref_slice %arg9[%dma_start3A_380, %dma_start3A_381, %dma_start3A_388, %dma_start3A_389] : memref<2x2x64x128xf32, #tpu.memory_space<vmem>> -> memref<1x1x64x128xf32, #tpu.memory_space<vmem>>
      %dma_start3A_391 = tpu.memref_squeeze %dma_start3A_390 : memref<1x1x64x128xf32, #tpu.memory_space<vmem>> -> memref<64x128xf32, #tpu.memory_space<vmem>>
      %dma_start3A_392 = arith.constant 0 : i32
      %dma_start3A_393 = tpu.memref_slice %arg4[%dma_start3A_392, %multiple_of3A_376] : memref<64x1000000xf32, #tpu.memory_space<hbm>> -> memref<64x128xf32, #tpu.memory_space<hbm>>
      tpu.enqueue_dma source(%dma_start3A_393 : memref<64x128xf32, #tpu.memory_space<hbm>>) target(%dma_start3A_391 : memref<64x128xf32, #tpu.memory_space<vmem>>) target_semaphore(%arg13 : memref<!tpu.dma_semaphore, #tpu.memory_space<semaphore_mem>>)
      %dma_start3A_394 = arith.constant 0 : i32
      %dma_start3A_395 = arith.constant 1 : i32
      %dma_start3A_396 = arith.constant 0 : i32
      %dma_start3A_397 = arith.constant 0 : i32
      %dma_start3A_398 = tpu.memref_slice %arg10[%dma_start3A_394, %dma_start3A_395, %dma_start3A_396, %dma_start3A_397] : memref<2x2x64x128xf32, #tpu.memory_space<vmem>> -> memref<1x1x64x128xf32, #tpu.memory_space<vmem>>
      %dma_start3A_399 = tpu.memref_squeeze %dma_start3A_398 : memref<1x1x64x128xf32, #tpu.memory_space<vmem>> -> memref<64x128xf32, #tpu.memory_space<vmem>>
      %dma_start3A_400 = arith.constant 0 : i32
      %dma_start3A_401 = tpu.memref_slice %arg5[%dma_start3A_400, %multiple_of3A_379] : memref<64x1000000xf32, #tpu.memory_space<hbm>> -> memref<64x128xf32, #tpu.memory_space<hbm>>
      %dma_start3A_402 = arith.constant 0 : i32
      %dma_start3A_403 = arith.constant 0 : i32
      %dma_start3A_404 = tpu.memref_slice %arg10[%dma_start3A_394, %dma_start3A_395, %dma_start3A_402, %dma_start3A_403] : memref<2x2x64x128xf32, #tpu.memory_space<vmem>> -> memref<1x1x64x128xf32, #tpu.memory_space<vmem>>
      %dma_start3A_405 = tpu.memref_squeeze %dma_start3A_404 : memref<1x1x64x128xf32, #tpu.memory_space<vmem>> -> memref<64x128xf32, #tpu.memory_space<vmem>>
      %dma_start3A_406 = arith.constant 0 : i32
      %dma_start3A_407 = tpu.memref_slice %arg5[%dma_start3A_406, %multiple_of3A_379] : memref<64x1000000xf32, #tpu.memory_space<hbm>> -> memref<64x128xf32, #tpu.memory_space<hbm>>
      tpu.enqueue_dma source(%dma_start3A_407 : memref<64x128xf32, #tpu.memory_space<hbm>>) target(%dma_start3A_405 : memref<64x128xf32, #tpu.memory_space<vmem>>) target_semaphore(%arg13 : memref<!tpu.dma_semaphore, #tpu.memory_space<semaphore_mem>>)
      %dma_wait3A_408 = arith.constant 1 : i32
      %dma_wait3A_409 = arith.constant 0 : i32
      %dma_wait3A_410 = arith.constant 0 : i32
      %dma_wait3A_411 = arith.constant 0 : i32
      %dma_wait3A_412 = tpu.memref_slice %arg9[%dma_wait3A_408, %dma_wait3A_409, %dma_wait3A_410, %dma_wait3A_411] : memref<2x2x64x128xf32, #tpu.memory_space<vmem>> -> memref<1x1x64x128xf32, #tpu.memory_space<vmem>>
      %dma_wait3A_413 = tpu.memref_squeeze %dma_wait3A_412 : memref<1x1x64x128xf32, #tpu.memory_space<vmem>> -> memref<64x128xf32, #tpu.memory_space<vmem>>
      %dma_wait3A_414 = arith.constant 0 : i32
      %dma_wait3A_415 = tpu.memref_slice %arg4[%dma_wait3A_414, %multiple_of3A_144] : memref<64x1000000xf32, #tpu.memory_space<hbm>> -> memref<64x128xf32, #tpu.memory_space<hbm>>
      %dma_wait3A_416 = arith.constant 0 : i32
      %dma_wait3A_417 = arith.constant 0 : i32
      %dma_wait3A_418 = tpu.memref_slice %arg9[%dma_wait3A_408, %dma_wait3A_409, %dma_wait3A_416, %dma_wait3A_417] : memref<2x2x64x128xf32, #tpu.memory_space<vmem>> -> memref<1x1x64x128xf32, #tpu.memory_space<vmem>>
      %dma_wait3A_419 = tpu.memref_squeeze %dma_wait3A_418 : memref<1x1x64x128xf32, #tpu.memory_space<vmem>> -> memref<64x128xf32, #tpu.memory_space<vmem>>
      %dma_wait3A_420 = arith.constant 0 : i32
      %dma_wait3A_421 = tpu.memref_slice %arg4[%dma_wait3A_420, %multiple_of3A_144] : memref<64x1000000xf32, #tpu.memory_space<hbm>> -> memref<64x128xf32, #tpu.memory_space<hbm>>
      tpu.wait_dma2 semaphore(%arg14 : memref<!tpu.dma_semaphore, #tpu.memory_space<semaphore_mem>>) src(%dma_wait3A_421 : memref<64x128xf32, #tpu.memory_space<hbm>>) dst(%dma_wait3A_419 : memref<64x128xf32, #tpu.memory_space<vmem>>)
      %dma_wait3A_422 = arith.constant 1 : i32
      %dma_wait3A_423 = arith.constant 0 : i32
      %dma_wait3A_424 = arith.constant 0 : i32
      %dma_wait3A_425 = arith.constant 0 : i32
      %dma_wait3A_426 = tpu.memref_slice %arg10[%dma_wait3A_422, %dma_wait3A_423, %dma_wait3A_424, %dma_wait3A_425] : memref<2x2x64x128xf32, #tpu.memory_space<vmem>> -> memref<1x1x64x128xf32, #tpu.memory_space<vmem>>
      %dma_wait3A_427 = tpu.memref_squeeze %dma_wait3A_426 : memref<1x1x64x128xf32, #tpu.memory_space<vmem>> -> memref<64x128xf32, #tpu.memory_space<vmem>>
      %dma_wait3A_428 = arith.constant 0 : i32
      %dma_wait3A_429 = tpu.memref_slice %arg5[%dma_wait3A_428, %multiple_of3A_147] : memref<64x1000000xf32, #tpu.memory_space<hbm>> -> memref<64x128xf32, #tpu.memory_space<hbm>>
      %dma_wait3A_430 = arith.constant 0 : i32
      %dma_wait3A_431 = arith.constant 0 : i32
      %dma_wait3A_432 = tpu.memref_slice %arg10[%dma_wait3A_422, %dma_wait3A_423, %dma_wait3A_430, %dma_wait3A_431] : memref<2x2x64x128xf32, #tpu.memory_space<vmem>> -> memref<1x1x64x128xf32, #tpu.memory_space<vmem>>
      %dma_wait3A_433 = tpu.memref_squeeze %dma_wait3A_432 : memref<1x1x64x128xf32, #tpu.memory_space<vmem>> -> memref<64x128xf32, #tpu.memory_space<vmem>>
      %dma_wait3A_434 = arith.constant 0 : i32
      %dma_wait3A_435 = tpu.memref_slice %arg5[%dma_wait3A_434, %multiple_of3A_147] : memref<64x1000000xf32, #tpu.memory_space<hbm>> -> memref<64x128xf32, #tpu.memory_space<hbm>>
      tpu.wait_dma2 semaphore(%arg14 : memref<!tpu.dma_semaphore, #tpu.memory_space<semaphore_mem>>) src(%dma_wait3A_435 : memref<64x128xf32, #tpu.memory_space<hbm>>) dst(%dma_wait3A_433 : memref<64x128xf32, #tpu.memory_space<vmem>>)
      %dma_wait3A_436 = arith.constant 1 : i32
      %dma_wait3A_437 = arith.constant 1 : i32
      %dma_wait3A_438 = arith.constant 0 : i32
      %dma_wait3A_439 = arith.constant 0 : i32
      %dma_wait3A_440 = tpu.memref_slice %arg9[%dma_wait3A_436, %dma_wait3A_437, %dma_wait3A_438, %dma_wait3A_439] : memref<2x2x64x128xf32, #tpu.memory_space<vmem>> -> memref<1x1x64x128xf32, #tpu.memory_space<vmem>>
      %dma_wait3A_441 = tpu.memref_squeeze %dma_wait3A_440 : memref<1x1x64x128xf32, #tpu.memory_space<vmem>> -> memref<64x128xf32, #tpu.memory_space<vmem>>
      %dma_wait3A_442 = arith.constant 0 : i32
      %dma_wait3A_443 = tpu.memref_slice %arg4[%dma_wait3A_442, %multiple_of3A_178] : memref<64x1000000xf32, #tpu.memory_space<hbm>> -> memref<64x128xf32, #tpu.memory_space<hbm>>
      %dma_wait3A_444 = arith.constant 0 : i32
      %dma_wait3A_445 = arith.constant 0 : i32
      %dma_wait3A_446 = tpu.memref_slice %arg9[%dma_wait3A_436, %dma_wait3A_437, %dma_wait3A_444, %dma_wait3A_445] : memref<2x2x64x128xf32, #tpu.memory_space<vmem>> -> memref<1x1x64x128xf32, #tpu.memory_space<vmem>>
      %dma_wait3A_447 = tpu.memref_squeeze %dma_wait3A_446 : memref<1x1x64x128xf32, #tpu.memory_space<vmem>> -> memref<64x128xf32, #tpu.memory_space<vmem>>
      %dma_wait3A_448 = arith.constant 0 : i32
      %dma_wait3A_449 = tpu.memref_slice %arg4[%dma_wait3A_448, %multiple_of3A_178] : memref<64x1000000xf32, #tpu.memory_space<hbm>> -> memref<64x128xf32, #tpu.memory_space<hbm>>
      tpu.wait_dma2 semaphore(%arg14 : memref<!tpu.dma_semaphore, #tpu.memory_space<semaphore_mem>>) src(%dma_wait3A_449 : memref<64x128xf32, #tpu.memory_space<hbm>>) dst(%dma_wait3A_447 : memref<64x128xf32, #tpu.memory_space<vmem>>)
      %dma_wait3A_450 = arith.constant 1 : i32
      %dma_wait3A_451 = arith.constant 1 : i32
      %dma_wait3A_452 = arith.constant 0 : i32
      %dma_wait3A_453 = arith.constant 0 : i32
      %dma_wait3A_454 = tpu.memref_slice %arg10[%dma_wait3A_450, %dma_wait3A_451, %dma_wait3A_452, %dma_wait3A_453] : memref<2x2x64x128xf32, #tpu.memory_space<vmem>> -> memref<1x1x64x128xf32, #tpu.memory_space<vmem>>
      %dma_wait3A_455 = tpu.memref_squeeze %dma_wait3A_454 : memref<1x1x64x128xf32, #tpu.memory_space<vmem>> -> memref<64x128xf32, #tpu.memory_space<vmem>>
      %dma_wait3A_456 = arith.constant 0 : i32
      %dma_wait3A_457 = tpu.memref_slice %arg5[%dma_wait3A_456, %multiple_of3A_181] : memref<64x1000000xf32, #tpu.memory_space<hbm>> -> memref<64x128xf32, #tpu.memory_space<hbm>>
      %dma_wait3A_458 = arith.constant 0 : i32
      %dma_wait3A_459 = arith.constant 0 : i32
      %dma_wait3A_460 = tpu.memref_slice %arg10[%dma_wait3A_450, %dma_wait3A_451, %dma_wait3A_458, %dma_wait3A_459] : memref<2x2x64x128xf32, #tpu.memory_space<vmem>> -> memref<1x1x64x128xf32, #tpu.memory_space<vmem>>
      %dma_wait3A_461 = tpu.memref_squeeze %dma_wait3A_460 : memref<1x1x64x128xf32, #tpu.memory_space<vmem>> -> memref<64x128xf32, #tpu.memory_space<vmem>>
      %dma_wait3A_462 = arith.constant 0 : i32
      %dma_wait3A_463 = tpu.memref_slice %arg5[%dma_wait3A_462, %multiple_of3A_181] : memref<64x1000000xf32, #tpu.memory_space<hbm>> -> memref<64x128xf32, #tpu.memory_space<hbm>>
      tpu.wait_dma2 semaphore(%arg14 : memref<!tpu.dma_semaphore, #tpu.memory_space<semaphore_mem>>) src(%dma_wait3A_463 : memref<64x128xf32, #tpu.memory_space<hbm>>) dst(%dma_wait3A_461 : memref<64x128xf32, #tpu.memory_space<vmem>>)
      %slice3A_464 = vector.extract_strided_slice %sub3A_76 {offsets = [2], sizes = [1], strides = [1]} : vector<16xi32> to vector<1xi32>
      %squeeze3A_465 = vector.extract %slice3A_464[0] : i32 from vector<1xi32>
      %broadcast_in_dim3A_466 = vector.broadcast %squeeze3A_465 : i32 to vector<16xi32>
      %slice3A_467 = vector.extract_strided_slice %sub3A_77 {offsets = [2], sizes = [1], strides = [1]} : vector<16xi32> to vector<1xi32>
      %squeeze3A_468 = vector.extract %slice3A_467[0] : i32 from vector<1xi32>
      %broadcast_in_dim3A_469 = vector.broadcast %squeeze3A_468 : i32 to vector<16xi32>
      %broadcast_in_dim3A_470 = arith.constant 0 : i32
      %broadcast_in_dim3A_471 = vector.broadcast %broadcast_in_dim3A_470 : i32 to vector<16xi32>
      %broadcast_in_dim3A_472 = arith.constant 1 : i32
      %broadcast_in_dim3A_473 = vector.broadcast %broadcast_in_dim3A_472 : i32 to vector<16xi32>
      %add3A_474 = arith.constant 0 : i32
      %add3A_475 = vector.broadcast %add3A_474 : i32 to vector<16xi32>
      %add3A_476 = arith.addi %add3A_475, %iota3A : vector<16xi32>
      %gather3A_477 = tpu.vector_load_idx %arg9[%broadcast_in_dim3A_473, %broadcast_in_dim3A_471, %add3A_476, %broadcast_in_dim3A_466] : memref<2x2x64x128xf32, #tpu.memory_space<vmem>>[vector<16xi32>, vector<16xi32>, vector<16xi32>, vector<16xi32>], vector<16xf32>,
      %gather3A_478 = tpu.vector_load_idx %arg10[%broadcast_in_dim3A_473, %broadcast_in_dim3A_471, %add3A_476, %broadcast_in_dim3A_469] : memref<2x2x64x128xf32, #tpu.memory_space<vmem>>[vector<16xi32>, vector<16xi32>, vector<16xi32>, vector<16xi32>], vector<16xf32>,
      %mul3A_479 = arith.mulf %gather3A_477, %gather3A_478 : vector<16xf32>
      %add3A_480 = arith.constant 16 : i32
      %add3A_481 = vector.broadcast %add3A_480 : i32 to vector<16xi32>
      %add3A_482 = arith.addi %add3A_481, %iota3A : vector<16xi32>
      %gather3A_483 = tpu.vector_load_idx %arg9[%broadcast_in_dim3A_473, %broadcast_in_dim3A_471, %add3A_482, %broadcast_in_dim3A_466] : memref<2x2x64x128xf32, #tpu.memory_space<vmem>>[vector<16xi32>, vector<16xi32>, vector<16xi32>, vector<16xi32>], vector<16xf32>,
      %gather3A_484 = tpu.vector_load_idx %arg10[%broadcast_in_dim3A_473, %broadcast_in_dim3A_471, %add3A_482, %broadcast_in_dim3A_469] : memref<2x2x64x128xf32, #tpu.memory_space<vmem>>[vector<16xi32>, vector<16xi32>, vector<16xi32>, vector<16xi32>], vector<16xf32>,
      %mul3A_485 = arith.mulf %gather3A_483, %gather3A_484 : vector<16xf32>
      %add3A_486 = arith.addf %mul3A_479, %mul3A_485 : vector<16xf32>
      %add3A_487 = arith.constant 32 : i32
      %add3A_488 = vector.broadcast %add3A_487 : i32 to vector<16xi32>
      %add3A_489 = arith.addi %add3A_488, %iota3A : vector<16xi32>
      %gather3A_490 = tpu.vector_load_idx %arg9[%broadcast_in_dim3A_473, %broadcast_in_dim3A_471, %add3A_489, %broadcast_in_dim3A_466] : memref<2x2x64x128xf32, #tpu.memory_space<vmem>>[vector<16xi32>, vector<16xi32>, vector<16xi32>, vector<16xi32>], vector<16xf32>,
      %gather3A_491 = tpu.vector_load_idx %arg10[%broadcast_in_dim3A_473, %broadcast_in_dim3A_471, %add3A_489, %broadcast_in_dim3A_469] : memref<2x2x64x128xf32, #tpu.memory_space<vmem>>[vector<16xi32>, vector<16xi32>, vector<16xi32>, vector<16xi32>], vector<16xf32>,
      %mul3A_492 = arith.mulf %gather3A_490, %gather3A_491 : vector<16xf32>
      %add3A_493 = arith.addf %add3A_486, %mul3A_492 : vector<16xf32>
      %add3A_494 = arith.constant 48 : i32
      %add3A_495 = vector.broadcast %add3A_494 : i32 to vector<16xi32>
      %add3A_496 = arith.addi %add3A_495, %iota3A : vector<16xi32>
      %gather3A_497 = tpu.vector_load_idx %arg9[%broadcast_in_dim3A_473, %broadcast_in_dim3A_471, %add3A_496, %broadcast_in_dim3A_466] : memref<2x2x64x128xf32, #tpu.memory_space<vmem>>[vector<16xi32>, vector<16xi32>, vector<16xi32>, vector<16xi32>], vector<16xf32>,
      %gather3A_498 = tpu.vector_load_idx %arg10[%broadcast_in_dim3A_473, %broadcast_in_dim3A_471, %add3A_496, %broadcast_in_dim3A_469] : memref<2x2x64x128xf32, #tpu.memory_space<vmem>>[vector<16xi32>, vector<16xi32>, vector<16xi32>, vector<16xi32>], vector<16xf32>,
      %mul3A_499 = arith.mulf %gather3A_497, %gather3A_498 : vector<16xf32>
      %add3A_500 = arith.addf %add3A_493, %mul3A_499 : vector<16xf32>
      %swap3A_501 = arith.constant 32 : index
      %swap3A_502 = tpu.vector_load %arg12[%swap3A_501] {strides = array<i32>} : memref<256xf32, #tpu.memory_space<vmem>>, vector<16xf32>,
      tpu.vector_store %arg12[%swap3A_501], %add3A_500 {strides = array<i32>} : memref<256xf32, #tpu.memory_space<vmem>>, vector<16xf32>,
      %slice3A_503 = vector.extract_strided_slice %sub3A_76 {offsets = [3], sizes = [1], strides = [1]} : vector<16xi32> to vector<1xi32>
      %squeeze3A_504 = vector.extract %slice3A_503[0] : i32 from vector<1xi32>
      %broadcast_in_dim3A_505 = vector.broadcast %squeeze3A_504 : i32 to vector<16xi32>
      %slice3A_506 = vector.extract_strided_slice %sub3A_77 {offsets = [3], sizes = [1], strides = [1]} : vector<16xi32> to vector<1xi32>
      %squeeze3A_507 = vector.extract %slice3A_506[0] : i32 from vector<1xi32>
      %broadcast_in_dim3A_508 = vector.broadcast %squeeze3A_507 : i32 to vector<16xi32>
      %broadcast_in_dim3A_509 = arith.constant 1 : i32
      %broadcast_in_dim3A_510 = vector.broadcast %broadcast_in_dim3A_509 : i32 to vector<16xi32>
      %broadcast_in_dim3A_511 = arith.constant 1 : i32
      %broadcast_in_dim3A_512 = vector.broadcast %broadcast_in_dim3A_511 : i32 to vector<16xi32>
      %add3A_513 = arith.constant 0 : i32
      %add3A_514 = vector.broadcast %add3A_513 : i32 to vector<16xi32>
      %add3A_515 = arith.addi %add3A_514, %iota3A : vector<16xi32>
      %gather3A_516 = tpu.vector_load_idx %arg9[%broadcast_in_dim3A_512, %broadcast_in_dim3A_510, %add3A_515, %broadcast_in_dim3A_505] : memref<2x2x64x128xf32, #tpu.memory_space<vmem>>[vector<16xi32>, vector<16xi32>, vector<16xi32>, vector<16xi32>], vector<16xf32>,
      %gather3A_517 = tpu.vector_load_idx %arg10[%broadcast_in_dim3A_512, %broadcast_in_dim3A_510, %add3A_515, %broadcast_in_dim3A_508] : memref<2x2x64x128xf32, #tpu.memory_space<vmem>>[vector<16xi32>, vector<16xi32>, vector<16xi32>, vector<16xi32>], vector<16xf32>,
      %mul3A_518 = arith.mulf %gather3A_516, %gather3A_517 : vector<16xf32>
      %add3A_519 = arith.constant 16 : i32
      %add3A_520 = vector.broadcast %add3A_519 : i32 to vector<16xi32>
      %add3A_521 = arith.addi %add3A_520, %iota3A : vector<16xi32>
      %gather3A_522 = tpu.vector_load_idx %arg9[%broadcast_in_dim3A_512, %broadcast_in_dim3A_510, %add3A_521, %broadcast_in_dim3A_505] : memref<2x2x64x128xf32, #tpu.memory_space<vmem>>[vector<16xi32>, vector<16xi32>, vector<16xi32>, vector<16xi32>], vector<16xf32>,
      %gather3A_523 = tpu.vector_load_idx %arg10[%broadcast_in_dim3A_512, %broadcast_in_dim3A_510, %add3A_521, %broadcast_in_dim3A_508] : memref<2x2x64x128xf32, #tpu.memory_space<vmem>>[vector<16xi32>, vector<16xi32>, vector<16xi32>, vector<16xi32>], vector<16xf32>,
      %mul3A_524 = arith.mulf %gather3A_522, %gather3A_523 : vector<16xf32>
      %add3A_525 = arith.addf %mul3A_518, %mul3A_524 : vector<16xf32>
      %add3A_526 = arith.constant 32 : i32
      %add3A_527 = vector.broadcast %add3A_526 : i32 to vector<16xi32>
      %add3A_528 = arith.addi %add3A_527, %iota3A : vector<16xi32>
      %gather3A_529 = tpu.vector_load_idx %arg9[%broadcast_in_dim3A_512, %broadcast_in_dim3A_510, %add3A_528, %broadcast_in_dim3A_505] : memref<2x2x64x128xf32, #tpu.memory_space<vmem>>[vector<16xi32>, vector<16xi32>, vector<16xi32>, vector<16xi32>], vector<16xf32>,
      %gather3A_530 = tpu.vector_load_idx %arg10[%broadcast_in_dim3A_512, %broadcast_in_dim3A_510, %add3A_528, %broadcast_in_dim3A_508] : memref<2x2x64x128xf32, #tpu.memory_space<vmem>>[vector<16xi32>, vector<16xi32>, vector<16xi32>, vector<16xi32>], vector<16xf32>,
      %mul3A_531 = arith.mulf %gather3A_529, %gather3A_530 : vector<16xf32>
      %add3A_532 = arith.addf %add3A_525, %mul3A_531 : vector<16xf32>
      %add3A_533 = arith.constant 48 : i32
      %add3A_534 = vector.broadcast %add3A_533 : i32 to vector<16xi32>
      %add3A_535 = arith.addi %add3A_534, %iota3A : vector<16xi32>
      %gather3A_536 = tpu.vector_load_idx %arg9[%broadcast_in_dim3A_512, %broadcast_in_dim3A_510, %add3A_535, %broadcast_in_dim3A_505] : memref<2x2x64x128xf32, #tpu.memory_space<vmem>>[vector<16xi32>, vector<16xi32>, vector<16xi32>, vector<16xi32>], vector<16xf32>,
      %gather3A_537 = tpu.vector_load_idx %arg10[%broadcast_in_dim3A_512, %broadcast_in_dim3A_510, %add3A_535, %broadcast_in_dim3A_508] : memref<2x2x64x128xf32, #tpu.memory_space<vmem>>[vector<16xi32>, vector<16xi32>, vector<16xi32>, vector<16xi32>], vector<16xf32>,
      %mul3A_538 = arith.mulf %gather3A_536, %gather3A_537 : vector<16xf32>
      %add3A_539 = arith.addf %add3A_532, %mul3A_538 : vector<16xf32>
      %swap3A_540 = arith.constant 48 : index
      %swap3A_541 = tpu.vector_load %arg12[%swap3A_540] {strides = array<i32>} : memref<256xf32, #tpu.memory_space<vmem>>, vector<16xf32>,
      tpu.vector_store %arg12[%swap3A_540], %add3A_539 {strides = array<i32>} : memref<256xf32, #tpu.memory_space<vmem>>, vector<16xf32>,
      %slice3A_542 = vector.extract_strided_slice %mul3A_41 {offsets = [6], sizes = [1], strides = [1]} : vector<16xi32> to vector<1xi32>
      %squeeze3A_543 = vector.extract %slice3A_542[0] : i32 from vector<1xi32>
      %multiple_of3A_544 = tpu.assume_multiple %squeeze3A_543, 128 : i32
      %slice3A_545 = vector.extract_strided_slice %mul3A_75 {offsets = [6], sizes = [1], strides = [1]} : vector<16xi32> to vector<1xi32>
      %squeeze3A_546 = vector.extract %slice3A_545[0] : i32 from vector<1xi32>
      %multiple_of3A_547 = tpu.assume_multiple %squeeze3A_546, 128 : i32
      %dma_start3A_548 = arith.constant 1 : i32
      %dma_start3A_549 = arith.constant 0 : i32
      %dma_start3A_550 = arith.constant 0 : i32
      %dma_start3A_551 = arith.constant 0 : i32
      %dma_start3A_552 = tpu.memref_slice %arg9[%dma_start3A_548, %dma_start3A_549, %dma_start3A_550, %dma_start3A_551] : memref<2x2x64x128xf32, #tpu.memory_space<vmem>> -> memref<1x1x64x128xf32, #tpu.memory_space<vmem>>
      %dma_start3A_553 = tpu.memref_squeeze %dma_start3A_552 : memref<1x1x64x128xf32, #tpu.memory_space<vmem>> -> memref<64x128xf32, #tpu.memory_space<vmem>>
      %dma_start3A_554 = arith.constant 0 : i32
      %dma_start3A_555 = tpu.memref_slice %arg4[%dma_start3A_554, %multiple_of3A_544] : memref<64x1000000xf32, #tpu.memory_space<hbm>> -> memref<64x128xf32, #tpu.memory_space<hbm>>
      %dma_start3A_556 = arith.constant 0 : i32
      %dma_start3A_557 = arith.constant 0 : i32
      %dma_start3A_558 = tpu.memref_slice %arg9[%dma_start3A_548, %dma_start3A_549, %dma_start3A_556, %dma_start3A_557] : memref<2x2x64x128xf32, #tpu.memory_space<vmem>> -> memref<1x1x64x128xf32, #tpu.memory_space<vmem>>
      %dma_start3A_559 = tpu.memref_squeeze %dma_start3A_558 : memref<1x1x64x128xf32, #tpu.memory_space<vmem>> -> memref<64x128xf32, #tpu.memory_space<vmem>>
      %dma_start3A_560 = arith.constant 0 : i32
      %dma_start3A_561 = tpu.memref_slice %arg4[%dma_start3A_560, %multiple_of3A_544] : memref<64x1000000xf32, #tpu.memory_space<hbm>> -> memref<64x128xf32, #tpu.memory_space<hbm>>
      tpu.enqueue_dma source(%dma_start3A_561 : memref<64x128xf32, #tpu.memory_space<hbm>>) target(%dma_start3A_559 : memref<64x128xf32, #tpu.memory_space<vmem>>) target_semaphore(%arg14 : memref<!tpu.dma_semaphore, #tpu.memory_space<semaphore_mem>>)
      %dma_start3A_562 = arith.constant 1 : i32
      %dma_start3A_563 = arith.constant 0 : i32
      %dma_start3A_564 = arith.constant 0 : i32
      %dma_start3A_565 = arith.constant 0 : i32
      %dma_start3A_566 = tpu.memref_slice %arg10[%dma_start3A_562, %dma_start3A_563, %dma_start3A_564, %dma_start3A_565] : memref<2x2x64x128xf32, #tpu.memory_space<vmem>> -> memref<1x1x64x128xf32, #tpu.memory_space<vmem>>
      %dma_start3A_567 = tpu.memref_squeeze %dma_start3A_566 : memref<1x1x64x128xf32, #tpu.memory_space<vmem>> -> memref<64x128xf32, #tpu.memory_space<vmem>>
      %dma_start3A_568 = arith.constant 0 : i32
      %dma_start3A_569 = tpu.memref_slice %arg5[%dma_start3A_568, %multiple_of3A_547] : memref<64x1000000xf32, #tpu.memory_space<hbm>> -> memref<64x128xf32, #tpu.memory_space<hbm>>
      %dma_start3A_570 = arith.constant 0 : i32
      %dma_start3A_571 = arith.constant 0 : i32
      %dma_start3A_572 = tpu.memref_slice %arg10[%dma_start3A_562, %dma_start3A_563, %dma_start3A_570, %dma_start3A_571] : memref<2x2x64x128xf32, #tpu.memory_space<vmem>> -> memref<1x1x64x128xf32, #tpu.memory_space<vmem>>
      %dma_start3A_573 = tpu.memref_squeeze %dma_start3A_572 : memref<1x1x64x128xf32, #tpu.memory_space<vmem>> -> memref<64x128xf32, #tpu.memory_space<vmem>>
      %dma_start3A_574 = arith.constant 0 : i32
      %dma_start3A_575 = tpu.memref_slice %arg5[%dma_start3A_574, %multiple_of3A_547] : memref<64x1000000xf32, #tpu.memory_space<hbm>> -> memref<64x128xf32, #tpu.memory_space<hbm>>
      tpu.enqueue_dma source(%dma_start3A_575 : memref<64x128xf32, #tpu.memory_space<hbm>>) target(%dma_start3A_573 : memref<64x128xf32, #tpu.memory_space<vmem>>) target_semaphore(%arg14 : memref<!tpu.dma_semaphore, #tpu.memory_space<semaphore_mem>>)
      %slice3A_576 = vector.extract_strided_slice %mul3A_41 {offsets = [7], sizes = [1], strides = [1]} : vector<16xi32> to vector<1xi32>
      %squeeze3A_577 = vector.extract %slice3A_576[0] : i32 from vector<1xi32>
      %multiple_of3A_578 = tpu.assume_multiple %squeeze3A_577, 128 : i32
      %slice3A_579 = vector.extract_strided_slice %mul3A_75 {offsets = [7], sizes = [1], strides = [1]} : vector<16xi32> to vector<1xi32>
      %squeeze3A_580 = vector.extract %slice3A_579[0] : i32 from vector<1xi32>
      %multiple_of3A_581 = tpu.assume_multiple %squeeze3A_580, 128 : i32
      %dma_start3A_582 = arith.constant 1 : i32
      %dma_start3A_583 = arith.constant 1 : i32
      %dma_start3A_584 = arith.constant 0 : i32
      %dma_start3A_585 = arith.constant 0 : i32
      %dma_start3A_586 = tpu.memref_slice %arg9[%dma_start3A_582, %dma_start3A_583, %dma_start3A_584, %dma_start3A_585] : memref<2x2x64x128xf32, #tpu.memory_space<vmem>> -> memref<1x1x64x128xf32, #tpu.memory_space<vmem>>
      %dma_start3A_587 = tpu.memref_squeeze %dma_start3A_586 : memref<1x1x64x128xf32, #tpu.memory_space<vmem>> -> memref<64x128xf32, #tpu.memory_space<vmem>>
      %dma_start3A_588 = arith.constant 0 : i32
      %dma_start3A_589 = tpu.memref_slice %arg4[%dma_start3A_588, %multiple_of3A_578] : memref<64x1000000xf32, #tpu.memory_space<hbm>> -> memref<64x128xf32, #tpu.memory_space<hbm>>
      %dma_start3A_590 = arith.constant 0 : i32
      %dma_start3A_591 = arith.constant 0 : i32
      %dma_start3A_592 = tpu.memref_slice %arg9[%dma_start3A_582, %dma_start3A_583, %dma_start3A_590, %dma_start3A_591] : memref<2x2x64x128xf32, #tpu.memory_space<vmem>> -> memref<1x1x64x128xf32, #tpu.memory_space<vmem>>
      %dma_start3A_593 = tpu.memref_squeeze %dma_start3A_592 : memref<1x1x64x128xf32, #tpu.memory_space<vmem>> -> memref<64x128xf32, #tpu.memory_space<vmem>>
      %dma_start3A_594 = arith.constant 0 : i32
      %dma_start3A_595 = tpu.memref_slice %arg4[%dma_start3A_594, %multiple_of3A_578] : memref<64x1000000xf32, #tpu.memory_space<hbm>> -> memref<64x128xf32, #tpu.memory_space<hbm>>
      tpu.enqueue_dma source(%dma_start3A_595 : memref<64x128xf32, #tpu.memory_space<hbm>>) target(%dma_start3A_593 : memref<64x128xf32, #tpu.memory_space<vmem>>) target_semaphore(%arg14 : memref<!tpu.dma_semaphore, #tpu.memory_space<semaphore_mem>>)
      %dma_start3A_596 = arith.constant 1 : i32
      %dma_start3A_597 = arith.constant 1 : i32
      %dma_start3A_598 = arith.constant 0 : i32
      %dma_start3A_599 = arith.constant 0 : i32
      %dma_start3A_600 = tpu.memref_slice %arg10[%dma_start3A_596, %dma_start3A_597, %dma_start3A_598, %dma_start3A_599] : memref<2x2x64x128xf32, #tpu.memory_space<vmem>> -> memref<1x1x64x128xf32, #tpu.memory_space<vmem>>
      %dma_start3A_601 = tpu.memref_squeeze %dma_start3A_600 : memref<1x1x64x128xf32, #tpu.memory_space<vmem>> -> memref<64x128xf32, #tpu.memory_space<vmem>>
      %dma_start3A_602 = arith.constant 0 : i32
      %dma_start3A_603 = tpu.memref_slice %arg5[%dma_start3A_602, %multiple_of3A_581] : memref<64x1000000xf32, #tpu.memory_space<hbm>> -> memref<64x128xf32, #tpu.memory_space<hbm>>
      %dma_start3A_604 = arith.constant 0 : i32
      %dma_start3A_605 = arith.constant 0 : i32
      %dma_start3A_606 = tpu.memref_slice %arg10[%dma_start3A_596, %dma_start3A_597, %dma_start3A_604, %dma_start3A_605] : memref<2x2x64x128xf32, #tpu.memory_space<vmem>> -> memref<1x1x64x128xf32, #tpu.memory_space<vmem>>
      %dma_start3A_607 = tpu.memref_squeeze %dma_start3A_606 : memref<1x1x64x128xf32, #tpu.memory_space<vmem>> -> memref<64x128xf32, #tpu.memory_space<vmem>>
      %dma_start3A_608 = arith.constant 0 : i32
      %dma_start3A_609 = tpu.memref_slice %arg5[%dma_start3A_608, %multiple_of3A_581] : memref<64x1000000xf32, #tpu.memory_space<hbm>> -> memref<64x128xf32, #tpu.memory_space<hbm>>
      tpu.enqueue_dma source(%dma_start3A_609 : memref<64x128xf32, #tpu.memory_space<hbm>>) target(%dma_start3A_607 : memref<64x128xf32, #tpu.memory_space<vmem>>) target_semaphore(%arg14 : memref<!tpu.dma_semaphore, #tpu.memory_space<semaphore_mem>>)
      %dma_wait3A_610 = arith.constant 0 : i32
      %dma_wait3A_611 = arith.constant 0 : i32
      %dma_wait3A_612 = arith.constant 0 : i32
      %dma_wait3A_613 = arith.constant 0 : i32
      %dma_wait3A_614 = tpu.memref_slice %arg9[%dma_wait3A_610, %dma_wait3A_611, %dma_wait3A_612, %dma_wait3A_613] : memref<2x2x64x128xf32, #tpu.memory_space<vmem>> -> memref<1x1x64x128xf32, #tpu.memory_space<vmem>>
      %dma_wait3A_615 = tpu.memref_squeeze %dma_wait3A_614 : memref<1x1x64x128xf32, #tpu.memory_space<vmem>> -> memref<64x128xf32, #tpu.memory_space<vmem>>
      %dma_wait3A_616 = arith.constant 0 : i32
      %dma_wait3A_617 = tpu.memref_slice %arg4[%dma_wait3A_616, %multiple_of3A_342] : memref<64x1000000xf32, #tpu.memory_space<hbm>> -> memref<64x128xf32, #tpu.memory_space<hbm>>
      %dma_wait3A_618 = arith.constant 0 : i32
      %dma_wait3A_619 = arith.constant 0 : i32
      %dma_wait3A_620 = tpu.memref_slice %arg9[%dma_wait3A_610, %dma_wait3A_611, %dma_wait3A_618, %dma_wait3A_619] : memref<2x2x64x128xf32, #tpu.memory_space<vmem>> -> memref<1x1x64x128xf32, #tpu.memory_space<vmem>>
      %dma_wait3A_621 = tpu.memref_squeeze %dma_wait3A_620 : memref<1x1x64x128xf32, #tpu.memory_space<vmem>> -> memref<64x128xf32, #tpu.memory_space<vmem>>
      %dma_wait3A_622 = arith.constant 0 : i32
      %dma_wait3A_623 = tpu.memref_slice %arg4[%dma_wait3A_622, %multiple_of3A_342] : memref<64x1000000xf32, #tpu.memory_space<hbm>> -> memref<64x128xf32, #tpu.memory_space<hbm>>
      tpu.wait_dma2 semaphore(%arg13 : memref<!tpu.dma_semaphore, #tpu.memory_space<semaphore_mem>>) src(%dma_wait3A_623 : memref<64x128xf32, #tpu.memory_space<hbm>>) dst(%dma_wait3A_621 : memref<64x128xf32, #tpu.memory_space<vmem>>)
      %dma_wait3A_624 = arith.constant 0 : i32
      %dma_wait3A_625 = arith.constant 0 : i32
      %dma_wait3A_626 = arith.constant 0 : i32
      %dma_wait3A_627 = arith.constant 0 : i32
      %dma_wait3A_628 = tpu.memref_slice %arg10[%dma_wait3A_624, %dma_wait3A_625, %dma_wait3A_626, %dma_wait3A_627] : memref<2x2x64x128xf32, #tpu.memory_space<vmem>> -> memref<1x1x64x128xf32, #tpu.memory_space<vmem>>
      %dma_wait3A_629 = tpu.memref_squeeze %dma_wait3A_628 : memref<1x1x64x128xf32, #tpu.memory_space<vmem>> -> memref<64x128xf32, #tpu.memory_space<vmem>>
      %dma_wait3A_630 = arith.constant 0 : i32
      %dma_wait3A_631 = tpu.memref_slice %arg5[%dma_wait3A_630, %multiple_of3A_345] : memref<64x1000000xf32, #tpu.memory_space<hbm>> -> memref<64x128xf32, #tpu.memory_space<hbm>>
      %dma_wait3A_632 = arith.constant 0 : i32
      %dma_wait3A_633 = arith.constant 0 : i32
      %dma_wait3A_634 = tpu.memref_slice %arg10[%dma_wait3A_624, %dma_wait3A_625, %dma_wait3A_632, %dma_wait3A_633] : memref<2x2x64x128xf32, #tpu.memory_space<vmem>> -> memref<1x1x64x128xf32, #tpu.memory_space<vmem>>
      %dma_wait3A_635 = tpu.memref_squeeze %dma_wait3A_634 : memref<1x1x64x128xf32, #tpu.memory_space<vmem>> -> memref<64x128xf32, #tpu.memory_space<vmem>>
      %dma_wait3A_636 = arith.constant 0 : i32
      %dma_wait3A_637 = tpu.memref_slice %arg5[%dma_wait3A_636, %multiple_of3A_345] : memref<64x1000000xf32, #tpu.memory_space<hbm>> -> memref<64x128xf32, #tpu.memory_space<hbm>>
      tpu.wait_dma2 semaphore(%arg13 : memref<!tpu.dma_semaphore, #tpu.memory_space<semaphore_mem>>) src(%dma_wait3A_637 : memref<64x128xf32, #tpu.memory_space<hbm>>) dst(%dma_wait3A_635 : memref<64x128xf32, #tpu.memory_space<vmem>>)
      %dma_wait3A_638 = arith.constant 0 : i32
      %dma_wait3A_639 = arith.constant 1 : i32
      %dma_wait3A_640 = arith.constant 0 : i32
      %dma_wait3A_641 = arith.constant 0 : i32
      %dma_wait3A_642 = tpu.memref_slice %arg9[%dma_wait3A_638, %dma_wait3A_639, %dma_wait3A_640, %dma_wait3A_641] : memref<2x2x64x128xf32, #tpu.memory_space<vmem>> -> memref<1x1x64x128xf32, #tpu.memory_space<vmem>>
      %dma_wait3A_643 = tpu.memref_squeeze %dma_wait3A_642 : memref<1x1x64x128xf32, #tpu.memory_space<vmem>> -> memref<64x128xf32, #tpu.memory_space<vmem>>
      %dma_wait3A_644 = arith.constant 0 : i32
      %dma_wait3A_645 = tpu.memref_slice %arg4[%dma_wait3A_644, %multiple_of3A_376] : memref<64x1000000xf32, #tpu.memory_space<hbm>> -> memref<64x128xf32, #tpu.memory_space<hbm>>
      %dma_wait3A_646 = arith.constant 0 : i32
      %dma_wait3A_647 = arith.constant 0 : i32
      %dma_wait3A_648 = tpu.memref_slice %arg9[%dma_wait3A_638, %dma_wait3A_639, %dma_wait3A_646, %dma_wait3A_647] : memref<2x2x64x128xf32, #tpu.memory_space<vmem>> -> memref<1x1x64x128xf32, #tpu.memory_space<vmem>>
      %dma_wait3A_649 = tpu.memref_squeeze %dma_wait3A_648 : memref<1x1x64x128xf32, #tpu.memory_space<vmem>> -> memref<64x128xf32, #tpu.memory_space<vmem>>
      %dma_wait3A_650 = arith.constant 0 : i32
      %dma_wait3A_651 = tpu.memref_slice %arg4[%dma_wait3A_650, %multiple_of3A_376] : memref<64x1000000xf32, #tpu.memory_space<hbm>> -> memref<64x128xf32, #tpu.memory_space<hbm>>
      tpu.wait_dma2 semaphore(%arg13 : memref<!tpu.dma_semaphore, #tpu.memory_space<semaphore_mem>>) src(%dma_wait3A_651 : memref<64x128xf32, #tpu.memory_space<hbm>>) dst(%dma_wait3A_649 : memref<64x128xf32, #tpu.memory_space<vmem>>)
      %dma_wait3A_652 = arith.constant 0 : i32
      %dma_wait3A_653 = arith.constant 1 : i32
      %dma_wait3A_654 = arith.constant 0 : i32
      %dma_wait3A_655 = arith.constant 0 : i32
      %dma_wait3A_656 = tpu.memref_slice %arg10[%dma_wait3A_652, %dma_wait3A_653, %dma_wait3A_654, %dma_wait3A_655] : memref<2x2x64x128xf32, #tpu.memory_space<vmem>> -> memref<1x1x64x128xf32, #tpu.memory_space<vmem>>
      %dma_wait3A_657 = tpu.memref_squeeze %dma_wait3A_656 : memref<1x1x64x128xf32, #tpu.memory_space<vmem>> -> memref<64x128xf32, #tpu.memory_space<vmem>>
      %dma_wait3A_658 = arith.constant 0 : i32
      %dma_wait3A_659 = tpu.memref_slice %arg5[%dma_wait3A_658, %multiple_of3A_379] : memref<64x1000000xf32, #tpu.memory_space<hbm>> -> memref<64x128xf32, #tpu.memory_space<hbm>>
      %dma_wait3A_660 = arith.constant 0 : i32
      %dma_wait3A_661 = arith.constant 0 : i32
      %dma_wait3A_662 = tpu.memref_slice %arg10[%dma_wait3A_652, %dma_wait3A_653, %dma_wait3A_660, %dma_wait3A_661] : memref<2x2x64x128xf32, #tpu.memory_space<vmem>> -> memref<1x1x64x128xf32, #tpu.memory_space<vmem>>
      %dma_wait3A_663 = tpu.memref_squeeze %dma_wait3A_662 : memref<1x1x64x128xf32, #tpu.memory_space<vmem>> -> memref<64x128xf32, #tpu.memory_space<vmem>>
      %dma_wait3A_664 = arith.constant 0 : i32
      %dma_wait3A_665 = tpu.memref_slice %arg5[%dma_wait3A_664, %multiple_of3A_379] : memref<64x1000000xf32, #tpu.memory_space<hbm>> -> memref<64x128xf32, #tpu.memory_space<hbm>>
      tpu.wait_dma2 semaphore(%arg13 : memref<!tpu.dma_semaphore, #tpu.memory_space<semaphore_mem>>) src(%dma_wait3A_665 : memref<64x128xf32, #tpu.memory_space<hbm>>) dst(%dma_wait3A_663 : memref<64x128xf32, #tpu.memory_space<vmem>>)
      %slice3A_666 = vector.extract_strided_slice %sub3A_76 {offsets = [4], sizes = [1], strides = [1]} : vector<16xi32> to vector<1xi32>
      %squeeze3A_667 = vector.extract %slice3A_666[0] : i32 from vector<1xi32>
      %broadcast_in_dim3A_668 = vector.broadcast %squeeze3A_667 : i32 to vector<16xi32>
      %slice3A_669 = vector.extract_strided_slice %sub3A_77 {offsets = [4], sizes = [1], strides = [1]} : vector<16xi32> to vector<1xi32>
      %squeeze3A_670 = vector.extract %slice3A_669[0] : i32 from vector<1xi32>
      %broadcast_in_dim3A_671 = vector.broadcast %squeeze3A_670 : i32 to vector<16xi32>
      %broadcast_in_dim3A_672 = arith.constant 0 : i32
      %broadcast_in_dim3A_673 = vector.broadcast %broadcast_in_dim3A_672 : i32 to vector<16xi32>
      %broadcast_in_dim3A_674 = arith.constant 0 : i32
      %broadcast_in_dim3A_675 = vector.broadcast %broadcast_in_dim3A_674 : i32 to vector<16xi32>
      %add3A_676 = arith.constant 0 : i32
      %add3A_677 = vector.broadcast %add3A_676 : i32 to vector<16xi32>
      %add3A_678 = arith.addi %add3A_677, %iota3A : vector<16xi32>
      %gather3A_679 = tpu.vector_load_idx %arg9[%broadcast_in_dim3A_675, %broadcast_in_dim3A_673, %add3A_678, %broadcast_in_dim3A_668] : memref<2x2x64x128xf32, #tpu.memory_space<vmem>>[vector<16xi32>, vector<16xi32>, vector<16xi32>, vector<16xi32>], vector<16xf32>,
      %gather3A_680 = tpu.vector_load_idx %arg10[%broadcast_in_dim3A_675, %broadcast_in_dim3A_673, %add3A_678, %broadcast_in_dim3A_671] : memref<2x2x64x128xf32, #tpu.memory_space<vmem>>[vector<16xi32>, vector<16xi32>, vector<16xi32>, vector<16xi32>], vector<16xf32>,
      %mul3A_681 = arith.mulf %gather3A_679, %gather3A_680 : vector<16xf32>
      %add3A_682 = arith.constant 16 : i32
      %add3A_683 = vector.broadcast %add3A_682 : i32 to vector<16xi32>
      %add3A_684 = arith.addi %add3A_683, %iota3A : vector<16xi32>
      %gather3A_685 = tpu.vector_load_idx %arg9[%broadcast_in_dim3A_675, %broadcast_in_dim3A_673, %add3A_684, %broadcast_in_dim3A_668] : memref<2x2x64x128xf32, #tpu.memory_space<vmem>>[vector<16xi32>, vector<16xi32>, vector<16xi32>, vector<16xi32>], vector<16xf32>,
      %gather3A_686 = tpu.vector_load_idx %arg10[%broadcast_in_dim3A_675, %broadcast_in_dim3A_673, %add3A_684, %broadcast_in_dim3A_671] : memref<2x2x64x128xf32, #tpu.memory_space<vmem>>[vector<16xi32>, vector<16xi32>, vector<16xi32>, vector<16xi32>], vector<16xf32>,
      %mul3A_687 = arith.mulf %gather3A_685, %gather3A_686 : vector<16xf32>
      %add3A_688 = arith.addf %mul3A_681, %mul3A_687 : vector<16xf32>
      %add3A_689 = arith.constant 32 : i32
      %add3A_690 = vector.broadcast %add3A_689 : i32 to vector<16xi32>
      %add3A_691 = arith.addi %add3A_690, %iota3A : vector<16xi32>
      %gather3A_692 = tpu.vector_load_idx %arg9[%broadcast_in_dim3A_675, %broadcast_in_dim3A_673, %add3A_691, %broadcast_in_dim3A_668] : memref<2x2x64x128xf32, #tpu.memory_space<vmem>>[vector<16xi32>, vector<16xi32>, vector<16xi32>, vector<16xi32>], vector<16xf32>,
      %gather3A_693 = tpu.vector_load_idx %arg10[%broadcast_in_dim3A_675, %broadcast_in_dim3A_673, %add3A_691, %broadcast_in_dim3A_671] : memref<2x2x64x128xf32, #tpu.memory_space<vmem>>[vector<16xi32>, vector<16xi32>, vector<16xi32>, vector<16xi32>], vector<16xf32>,
      %mul3A_694 = arith.mulf %gather3A_692, %gather3A_693 : vector<16xf32>
      %add3A_695 = arith.addf %add3A_688, %mul3A_694 : vector<16xf32>
      %add3A_696 = arith.constant 48 : i32
      %add3A_697 = vector.broadcast %add3A_696 : i32 to vector<16xi32>
      %add3A_698 = arith.addi %add3A_697, %iota3A : vector<16xi32>
      %gather3A_699 = tpu.vector_load_idx %arg9[%broadcast_in_dim3A_675, %broadcast_in_dim3A_673, %add3A_698, %broadcast_in_dim3A_668] : memref<2x2x64x128xf32, #tpu.memory_space<vmem>>[vector<16xi32>, vector<16xi32>, vector<16xi32>, vector<16xi32>], vector<16xf32>,
      %gather3A_700 = tpu.vector_load_idx %arg10[%broadcast_in_dim3A_675, %broadcast_in_dim3A_673, %add3A_698, %broadcast_in_dim3A_671] : memref<2x2x64x128xf32, #tpu.memory_space<vmem>>[vector<16xi32>, vector<16xi32>, vector<16xi32>, vector<16xi32>], vector<16xf32>,
      %mul3A_701 = arith.mulf %gather3A_699, %gather3A_700 : vector<16xf32>
      %add3A_702 = arith.addf %add3A_695, %mul3A_701 : vector<16xf32>
      %swap3A_703 = arith.constant 64 : index
      %swap3A_704 = tpu.vector_load %arg12[%swap3A_703] {strides = array<i32>} : memref<256xf32, #tpu.memory_space<vmem>>, vector<16xf32>,
      tpu.vector_store %arg12[%swap3A_703], %add3A_702 {strides = array<i32>} : memref<256xf32, #tpu.memory_space<vmem>>, vector<16xf32>,
      %slice3A_705 = vector.extract_strided_slice %sub3A_76 {offsets = [5], sizes = [1], strides = [1]} : vector<16xi32> to vector<1xi32>
      %squeeze3A_706 = vector.extract %slice3A_705[0] : i32 from vector<1xi32>
      %broadcast_in_dim3A_707 = vector.broadcast %squeeze3A_706 : i32 to vector<16xi32>
      %slice3A_708 = vector.extract_strided_slice %sub3A_77 {offsets = [5], sizes = [1], strides = [1]} : vector<16xi32> to vector<1xi32>
      %squeeze3A_709 = vector.extract %slice3A_708[0] : i32 from vector<1xi32>
      %broadcast_in_dim3A_710 = vector.broadcast %squeeze3A_709 : i32 to vector<16xi32>
      %broadcast_in_dim3A_711 = arith.constant 1 : i32
      %broadcast_in_dim3A_712 = vector.broadcast %broadcast_in_dim3A_711 : i32 to vector<16xi32>
      %broadcast_in_dim3A_713 = arith.constant 0 : i32
      %broadcast_in_dim3A_714 = vector.broadcast %broadcast_in_dim3A_713 : i32 to vector<16xi32>
      %add3A_715 = arith.constant 0 : i32
      %add3A_716 = vector.broadcast %add3A_715 : i32 to vector<16xi32>
      %add3A_717 = arith.addi %add3A_716, %iota3A : vector<16xi32>
      %gather3A_718 = tpu.vector_load_idx %arg9[%broadcast_in_dim3A_714, %broadcast_in_dim3A_712, %add3A_717, %broadcast_in_dim3A_707] : memref<2x2x64x128xf32, #tpu.memory_space<vmem>>[vector<16xi32>, vector<16xi32>, vector<16xi32>, vector<16xi32>], vector<16xf32>,
      %gather3A_719 = tpu.vector_load_idx %arg10[%broadcast_in_dim3A_714, %broadcast_in_dim3A_712, %add3A_717, %broadcast_in_dim3A_710] : memref<2x2x64x128xf32, #tpu.memory_space<vmem>>[vector<16xi32>, vector<16xi32>, vector<16xi32>, vector<16xi32>], vector<16xf32>,
      %mul3A_720 = arith.mulf %gather3A_718, %gather3A_719 : vector<16xf32>
      %add3A_721 = arith.constant 16 : i32
      %add3A_722 = vector.broadcast %add3A_721 : i32 to vector<16xi32>
      %add3A_723 = arith.addi %add3A_722, %iota3A : vector<16xi32>
      %gather3A_724 = tpu.vector_load_idx %arg9[%broadcast_in_dim3A_714, %broadcast_in_dim3A_712, %add3A_723, %broadcast_in_dim3A_707] : memref<2x2x64x128xf32, #tpu.memory_space<vmem>>[vector<16xi32>, vector<16xi32>, vector<16xi32>, vector<16xi32>], vector<16xf32>,
      %gather3A_725 = tpu.vector_load_idx %arg10[%broadcast_in_dim3A_714, %broadcast_in_dim3A_712, %add3A_723, %broadcast_in_dim3A_710] : memref<2x2x64x128xf32, #tpu.memory_space<vmem>>[vector<16xi32>, vector<16xi32>, vector<16xi32>, vector<16xi32>], vector<16xf32>,
      %mul3A_726 = arith.mulf %gather3A_724, %gather3A_725 : vector<16xf32>
      %add3A_727 = arith.addf %mul3A_720, %mul3A_726 : vector<16xf32>
      %add3A_728 = arith.constant 32 : i32
      %add3A_729 = vector.broadcast %add3A_728 : i32 to vector<16xi32>
      %add3A_730 = arith.addi %add3A_729, %iota3A : vector<16xi32>
      %gather3A_731 = tpu.vector_load_idx %arg9[%broadcast_in_dim3A_714, %broadcast_in_dim3A_712, %add3A_730, %broadcast_in_dim3A_707] : memref<2x2x64x128xf32, #tpu.memory_space<vmem>>[vector<16xi32>, vector<16xi32>, vector<16xi32>, vector<16xi32>], vector<16xf32>,
      %gather3A_732 = tpu.vector_load_idx %arg10[%broadcast_in_dim3A_714, %broadcast_in_dim3A_712, %add3A_730, %broadcast_in_dim3A_710] : memref<2x2x64x128xf32, #tpu.memory_space<vmem>>[vector<16xi32>, vector<16xi32>, vector<16xi32>, vector<16xi32>], vector<16xf32>,
      %mul3A_733 = arith.mulf %gather3A_731, %gather3A_732 : vector<16xf32>
      %add3A_734 = arith.addf %add3A_727, %mul3A_733 : vector<16xf32>
      %add3A_735 = arith.constant 48 : i32
      %add3A_736 = vector.broadcast %add3A_735 : i32 to vector<16xi32>
      %add3A_737 = arith.addi %add3A_736, %iota3A : vector<16xi32>
      %gather3A_738 = tpu.vector_load_idx %arg9[%broadcast_in_dim3A_714, %broadcast_in_dim3A_712, %add3A_737, %broadcast_in_dim3A_707] : memref<2x2x64x128xf32, #tpu.memory_space<vmem>>[vector<16xi32>, vector<16xi32>, vector<16xi32>, vector<16xi32>], vector<16xf32>,
      %gather3A_739 = tpu.vector_load_idx %arg10[%broadcast_in_dim3A_714, %broadcast_in_dim3A_712, %add3A_737, %broadcast_in_dim3A_710] : memref<2x2x64x128xf32, #tpu.memory_space<vmem>>[vector<16xi32>, vector<16xi32>, vector<16xi32>, vector<16xi32>], vector<16xf32>,
      %mul3A_740 = arith.mulf %gather3A_738, %gather3A_739 : vector<16xf32>
      %add3A_741 = arith.addf %add3A_734, %mul3A_740 : vector<16xf32>
      %swap3A_742 = arith.constant 80 : index
      %swap3A_743 = tpu.vector_load %arg12[%swap3A_742] {strides = array<i32>} : memref<256xf32, #tpu.memory_space<vmem>>, vector<16xf32>,
      tpu.vector_store %arg12[%swap3A_742], %add3A_741 {strides = array<i32>} : memref<256xf32, #tpu.memory_space<vmem>>, vector<16xf32>,
      %slice3A_744 = vector.extract_strided_slice %mul3A_41 {offsets = [8], sizes = [1], strides = [1]} : vector<16xi32> to vector<1xi32>
      %squeeze3A_745 = vector.extract %slice3A_744[0] : i32 from vector<1xi32>
      %multiple_of3A_746 = tpu.assume_multiple %squeeze3A_745, 128 : i32
      %slice3A_747 = vector.extract_strided_slice %mul3A_75 {offsets = [8], sizes = [1], strides = [1]} : vector<16xi32> to vector<1xi32>
      %squeeze3A_748 = vector.extract %slice3A_747[0] : i32 from vector<1xi32>
      %multiple_of3A_749 = tpu.assume_multiple %squeeze3A_748, 128 : i32
      %dma_start3A_750 = arith.constant 0 : i32
      %dma_start3A_751 = arith.constant 0 : i32
      %dma_start3A_752 = arith.constant 0 : i32
      %dma_start3A_753 = arith.constant 0 : i32
      %dma_start3A_754 = tpu.memref_slice %arg9[%dma_start3A_750, %dma_start3A_751, %dma_start3A_752, %dma_start3A_753] : memref<2x2x64x128xf32, #tpu.memory_space<vmem>> -> memref<1x1x64x128xf32, #tpu.memory_space<vmem>>
      %dma_start3A_755 = tpu.memref_squeeze %dma_start3A_754 : memref<1x1x64x128xf32, #tpu.memory_space<vmem>> -> memref<64x128xf32, #tpu.memory_space<vmem>>
      %dma_start3A_756 = arith.constant 0 : i32
      %dma_start3A_757 = tpu.memref_slice %arg4[%dma_start3A_756, %multiple_of3A_746] : memref<64x1000000xf32, #tpu.memory_space<hbm>> -> memref<64x128xf32, #tpu.memory_space<hbm>>
      %dma_start3A_758 = arith.constant 0 : i32
      %dma_start3A_759 = arith.constant 0 : i32
      %dma_start3A_760 = tpu.memref_slice %arg9[%dma_start3A_750, %dma_start3A_751, %dma_start3A_758, %dma_start3A_759] : memref<2x2x64x128xf32, #tpu.memory_space<vmem>> -> memref<1x1x64x128xf32, #tpu.memory_space<vmem>>
      %dma_start3A_761 = tpu.memref_squeeze %dma_start3A_760 : memref<1x1x64x128xf32, #tpu.memory_space<vmem>> -> memref<64x128xf32, #tpu.memory_space<vmem>>
      %dma_start3A_762 = arith.constant 0 : i32
      %dma_start3A_763 = tpu.memref_slice %arg4[%dma_start3A_762, %multiple_of3A_746] : memref<64x1000000xf32, #tpu.memory_space<hbm>> -> memref<64x128xf32, #tpu.memory_space<hbm>>
      tpu.enqueue_dma source(%dma_start3A_763 : memref<64x128xf32, #tpu.memory_space<hbm>>) target(%dma_start3A_761 : memref<64x128xf32, #tpu.memory_space<vmem>>) target_semaphore(%arg13 : memref<!tpu.dma_semaphore, #tpu.memory_space<semaphore_mem>>)
      %dma_start3A_764 = arith.constant 0 : i32
      %dma_start3A_765 = arith.constant 0 : i32
      %dma_start3A_766 = arith.constant 0 : i32
      %dma_start3A_767 = arith.constant 0 : i32
      %dma_start3A_768 = tpu.memref_slice %arg10[%dma_start3A_764, %dma_start3A_765, %dma_start3A_766, %dma_start3A_767] : memref<2x2x64x128xf32, #tpu.memory_space<vmem>> -> memref<1x1x64x128xf32, #tpu.memory_space<vmem>>
      %dma_start3A_769 = tpu.memref_squeeze %dma_start3A_768 : memref<1x1x64x128xf32, #tpu.memory_space<vmem>> -> memref<64x128xf32, #tpu.memory_space<vmem>>
      %dma_start3A_770 = arith.constant 0 : i32
      %dma_start3A_771 = tpu.memref_slice %arg5[%dma_start3A_770, %multiple_of3A_749] : memref<64x1000000xf32, #tpu.memory_space<hbm>> -> memref<64x128xf32, #tpu.memory_space<hbm>>
      %dma_start3A_772 = arith.constant 0 : i32
      %dma_start3A_773 = arith.constant 0 : i32
      %dma_start3A_774 = tpu.memref_slice %arg10[%dma_start3A_764, %dma_start3A_765, %dma_start3A_772, %dma_start3A_773] : memref<2x2x64x128xf32, #tpu.memory_space<vmem>> -> memref<1x1x64x128xf32, #tpu.memory_space<vmem>>
      %dma_start3A_775 = tpu.memref_squeeze %dma_start3A_774 : memref<1x1x64x128xf32, #tpu.memory_space<vmem>> -> memref<64x128xf32, #tpu.memory_space<vmem>>
      %dma_start3A_776 = arith.constant 0 : i32
      %dma_start3A_777 = tpu.memref_slice %arg5[%dma_start3A_776, %multiple_of3A_749] : memref<64x1000000xf32, #tpu.memory_space<hbm>> -> memref<64x128xf32, #tpu.memory_space<hbm>>
      tpu.enqueue_dma source(%dma_start3A_777 : memref<64x128xf32, #tpu.memory_space<hbm>>) target(%dma_start3A_775 : memref<64x128xf32, #tpu.memory_space<vmem>>) target_semaphore(%arg13 : memref<!tpu.dma_semaphore, #tpu.memory_space<semaphore_mem>>)
      %slice3A_778 = vector.extract_strided_slice %mul3A_41 {offsets = [9], sizes = [1], strides = [1]} : vector<16xi32> to vector<1xi32>
      %squeeze3A_779 = vector.extract %slice3A_778[0] : i32 from vector<1xi32>
      %multiple_of3A_780 = tpu.assume_multiple %squeeze3A_779, 128 : i32
      %slice3A_781 = vector.extract_strided_slice %mul3A_75 {offsets = [9], sizes = [1], strides = [1]} : vector<16xi32> to vector<1xi32>
      %squeeze3A_782 = vector.extract %slice3A_781[0] : i32 from vector<1xi32>
      %multiple_of3A_783 = tpu.assume_multiple %squeeze3A_782, 128 : i32
      %dma_start3A_784 = arith.constant 0 : i32
      %dma_start3A_785 = arith.constant 1 : i32
      %dma_start3A_786 = arith.constant 0 : i32
      %dma_start3A_787 = arith.constant 0 : i32
      %dma_start3A_788 = tpu.memref_slice %arg9[%dma_start3A_784, %dma_start3A_785, %dma_start3A_786, %dma_start3A_787] : memref<2x2x64x128xf32, #tpu.memory_space<vmem>> -> memref<1x1x64x128xf32, #tpu.memory_space<vmem>>
      %dma_start3A_789 = tpu.memref_squeeze %dma_start3A_788 : memref<1x1x64x128xf32, #tpu.memory_space<vmem>> -> memref<64x128xf32, #tpu.memory_space<vmem>>
      %dma_start3A_790 = arith.constant 0 : i32
      %dma_start3A_791 = tpu.memref_slice %arg4[%dma_start3A_790, %multiple_of3A_780] : memref<64x1000000xf32, #tpu.memory_space<hbm>> -> memref<64x128xf32, #tpu.memory_space<hbm>>
      %dma_start3A_792 = arith.constant 0 : i32
      %dma_start3A_793 = arith.constant 0 : i32
      %dma_start3A_794 = tpu.memref_slice %arg9[%dma_start3A_784, %dma_start3A_785, %dma_start3A_792, %dma_start3A_793] : memref<2x2x64x128xf32, #tpu.memory_space<vmem>> -> memref<1x1x64x128xf32, #tpu.memory_space<vmem>>
      %dma_start3A_795 = tpu.memref_squeeze %dma_start3A_794 : memref<1x1x64x128xf32, #tpu.memory_space<vmem>> -> memref<64x128xf32, #tpu.memory_space<vmem>>
      %dma_start3A_796 = arith.constant 0 : i32
      %dma_start3A_797 = tpu.memref_slice %arg4[%dma_start3A_796, %multiple_of3A_780] : memref<64x1000000xf32, #tpu.memory_space<hbm>> -> memref<64x128xf32, #tpu.memory_space<hbm>>
      tpu.enqueue_dma source(%dma_start3A_797 : memref<64x128xf32, #tpu.memory_space<hbm>>) target(%dma_start3A_795 : memref<64x128xf32, #tpu.memory_space<vmem>>) target_semaphore(%arg13 : memref<!tpu.dma_semaphore, #tpu.memory_space<semaphore_mem>>)
      %dma_start3A_798 = arith.constant 0 : i32
      %dma_start3A_799 = arith.constant 1 : i32
      %dma_start3A_800 = arith.constant 0 : i32
      %dma_start3A_801 = arith.constant 0 : i32
      %dma_start3A_802 = tpu.memref_slice %arg10[%dma_start3A_798, %dma_start3A_799, %dma_start3A_800, %dma_start3A_801] : memref<2x2x64x128xf32, #tpu.memory_space<vmem>> -> memref<1x1x64x128xf32, #tpu.memory_space<vmem>>
      %dma_start3A_803 = tpu.memref_squeeze %dma_start3A_802 : memref<1x1x64x128xf32, #tpu.memory_space<vmem>> -> memref<64x128xf32, #tpu.memory_space<vmem>>
      %dma_start3A_804 = arith.constant 0 : i32
      %dma_start3A_805 = tpu.memref_slice %arg5[%dma_start3A_804, %multiple_of3A_783] : memref<64x1000000xf32, #tpu.memory_space<hbm>> -> memref<64x128xf32, #tpu.memory_space<hbm>>
      %dma_start3A_806 = arith.constant 0 : i32
      %dma_start3A_807 = arith.constant 0 : i32
      %dma_start3A_808 = tpu.memref_slice %arg10[%dma_start3A_798, %dma_start3A_799, %dma_start3A_806, %dma_start3A_807] : memref<2x2x64x128xf32, #tpu.memory_space<vmem>> -> memref<1x1x64x128xf32, #tpu.memory_space<vmem>>
      %dma_start3A_809 = tpu.memref_squeeze %dma_start3A_808 : memref<1x1x64x128xf32, #tpu.memory_space<vmem>> -> memref<64x128xf32, #tpu.memory_space<vmem>>
      %dma_start3A_810 = arith.constant 0 : i32
      %dma_start3A_811 = tpu.memref_slice %arg5[%dma_start3A_810, %multiple_of3A_783] : memref<64x1000000xf32, #tpu.memory_space<hbm>> -> memref<64x128xf32, #tpu.memory_space<hbm>>
      tpu.enqueue_dma source(%dma_start3A_811 : memref<64x128xf32, #tpu.memory_space<hbm>>) target(%dma_start3A_809 : memref<64x128xf32, #tpu.memory_space<vmem>>) target_semaphore(%arg13 : memref<!tpu.dma_semaphore, #tpu.memory_space<semaphore_mem>>)
      %dma_wait3A_812 = arith.constant 1 : i32
      %dma_wait3A_813 = arith.constant 0 : i32
      %dma_wait3A_814 = arith.constant 0 : i32
      %dma_wait3A_815 = arith.constant 0 : i32
      %dma_wait3A_816 = tpu.memref_slice %arg9[%dma_wait3A_812, %dma_wait3A_813, %dma_wait3A_814, %dma_wait3A_815] : memref<2x2x64x128xf32, #tpu.memory_space<vmem>> -> memref<1x1x64x128xf32, #tpu.memory_space<vmem>>
      %dma_wait3A_817 = tpu.memref_squeeze %dma_wait3A_816 : memref<1x1x64x128xf32, #tpu.memory_space<vmem>> -> memref<64x128xf32, #tpu.memory_space<vmem>>
      %dma_wait3A_818 = arith.constant 0 : i32
      %dma_wait3A_819 = tpu.memref_slice %arg4[%dma_wait3A_818, %multiple_of3A_544] : memref<64x1000000xf32, #tpu.memory_space<hbm>> -> memref<64x128xf32, #tpu.memory_space<hbm>>
      %dma_wait3A_820 = arith.constant 0 : i32
      %dma_wait3A_821 = arith.constant 0 : i32
      %dma_wait3A_822 = tpu.memref_slice %arg9[%dma_wait3A_812, %dma_wait3A_813, %dma_wait3A_820, %dma_wait3A_821] : memref<2x2x64x128xf32, #tpu.memory_space<vmem>> -> memref<1x1x64x128xf32, #tpu.memory_space<vmem>>
      %dma_wait3A_823 = tpu.memref_squeeze %dma_wait3A_822 : memref<1x1x64x128xf32, #tpu.memory_space<vmem>> -> memref<64x128xf32, #tpu.memory_space<vmem>>
      %dma_wait3A_824 = arith.constant 0 : i32
      %dma_wait3A_825 = tpu.memref_slice %arg4[%dma_wait3A_824, %multiple_of3A_544] : memref<64x1000000xf32, #tpu.memory_space<hbm>> -> memref<64x128xf32, #tpu.memory_space<hbm>>
      tpu.wait_dma2 semaphore(%arg14 : memref<!tpu.dma_semaphore, #tpu.memory_space<semaphore_mem>>) src(%dma_wait3A_825 : memref<64x128xf32, #tpu.memory_space<hbm>>) dst(%dma_wait3A_823 : memref<64x128xf32, #tpu.memory_space<vmem>>)
      %dma_wait3A_826 = arith.constant 1 : i32
      %dma_wait3A_827 = arith.constant 0 : i32
      %dma_wait3A_828 = arith.constant 0 : i32
      %dma_wait3A_829 = arith.constant 0 : i32
      %dma_wait3A_830 = tpu.memref_slice %arg10[%dma_wait3A_826, %dma_wait3A_827, %dma_wait3A_828, %dma_wait3A_829] : memref<2x2x64x128xf32, #tpu.memory_space<vmem>> -> memref<1x1x64x128xf32, #tpu.memory_space<vmem>>
      %dma_wait3A_831 = tpu.memref_squeeze %dma_wait3A_830 : memref<1x1x64x128xf32, #tpu.memory_space<vmem>> -> memref<64x128xf32, #tpu.memory_space<vmem>>
      %dma_wait3A_832 = arith.constant 0 : i32
      %dma_wait3A_833 = tpu.memref_slice %arg5[%dma_wait3A_832, %multiple_of3A_547] : memref<64x1000000xf32, #tpu.memory_space<hbm>> -> memref<64x128xf32, #tpu.memory_space<hbm>>
      %dma_wait3A_834 = arith.constant 0 : i32
      %dma_wait3A_835 = arith.constant 0 : i32
      %dma_wait3A_836 = tpu.memref_slice %arg10[%dma_wait3A_826, %dma_wait3A_827, %dma_wait3A_834, %dma_wait3A_835] : memref<2x2x64x128xf32, #tpu.memory_space<vmem>> -> memref<1x1x64x128xf32, #tpu.memory_space<vmem>>
      %dma_wait3A_837 = tpu.memref_squeeze %dma_wait3A_836 : memref<1x1x64x128xf32, #tpu.memory_space<vmem>> -> memref<64x128xf32, #tpu.memory_space<vmem>>
      %dma_wait3A_838 = arith.constant 0 : i32
      %dma_wait3A_839 = tpu.memref_slice %arg5[%dma_wait3A_838, %multiple_of3A_547] : memref<64x1000000xf32, #tpu.memory_space<hbm>> -> memref<64x128xf32, #tpu.memory_space<hbm>>
      tpu.wait_dma2 semaphore(%arg14 : memref<!tpu.dma_semaphore, #tpu.memory_space<semaphore_mem>>) src(%dma_wait3A_839 : memref<64x128xf32, #tpu.memory_space<hbm>>) dst(%dma_wait3A_837 : memref<64x128xf32, #tpu.memory_space<vmem>>)
      %dma_wait3A_840 = arith.constant 1 : i32
      %dma_wait3A_841 = arith.constant 1 : i32
      %dma_wait3A_842 = arith.constant 0 : i32
      %dma_wait3A_843 = arith.constant 0 : i32
      %dma_wait3A_844 = tpu.memref_slice %arg9[%dma_wait3A_840, %dma_wait3A_841, %dma_wait3A_842, %dma_wait3A_843] : memref<2x2x64x128xf32, #tpu.memory_space<vmem>> -> memref<1x1x64x128xf32, #tpu.memory_space<vmem>>
      %dma_wait3A_845 = tpu.memref_squeeze %dma_wait3A_844 : memref<1x1x64x128xf32, #tpu.memory_space<vmem>> -> memref<64x128xf32, #tpu.memory_space<vmem>>
      %dma_wait3A_846 = arith.constant 0 : i32
      %dma_wait3A_847 = tpu.memref_slice %arg4[%dma_wait3A_846, %multiple_of3A_578] : memref<64x1000000xf32, #tpu.memory_space<hbm>> -> memref<64x128xf32, #tpu.memory_space<hbm>>
      %dma_wait3A_848 = arith.constant 0 : i32
      %dma_wait3A_849 = arith.constant 0 : i32
      %dma_wait3A_850 = tpu.memref_slice %arg9[%dma_wait3A_840, %dma_wait3A_841, %dma_wait3A_848, %dma_wait3A_849] : memref<2x2x64x128xf32, #tpu.memory_space<vmem>> -> memref<1x1x64x128xf32, #tpu.memory_space<vmem>>
      %dma_wait3A_851 = tpu.memref_squeeze %dma_wait3A_850 : memref<1x1x64x128xf32, #tpu.memory_space<vmem>> -> memref<64x128xf32, #tpu.memory_space<vmem>>
      %dma_wait3A_852 = arith.constant 0 : i32
      %dma_wait3A_853 = tpu.memref_slice %arg4[%dma_wait3A_852, %multiple_of3A_578] : memref<64x1000000xf32, #tpu.memory_space<hbm>> -> memref<64x128xf32, #tpu.memory_space<hbm>>
      tpu.wait_dma2 semaphore(%arg14 : memref<!tpu.dma_semaphore, #tpu.memory_space<semaphore_mem>>) src(%dma_wait3A_853 : memref<64x128xf32, #tpu.memory_space<hbm>>) dst(%dma_wait3A_851 : memref<64x128xf32, #tpu.memory_space<vmem>>)
      %dma_wait3A_854 = arith.constant 1 : i32
      %dma_wait3A_855 = arith.constant 1 : i32
      %dma_wait3A_856 = arith.constant 0 : i32
      %dma_wait3A_857 = arith.constant 0 : i32
      %dma_wait3A_858 = tpu.memref_slice %arg10[%dma_wait3A_854, %dma_wait3A_855, %dma_wait3A_856, %dma_wait3A_857] : memref<2x2x64x128xf32, #tpu.memory_space<vmem>> -> memref<1x1x64x128xf32, #tpu.memory_space<vmem>>
      %dma_wait3A_859 = tpu.memref_squeeze %dma_wait3A_858 : memref<1x1x64x128xf32, #tpu.memory_space<vmem>> -> memref<64x128xf32, #tpu.memory_space<vmem>>
      %dma_wait3A_860 = arith.constant 0 : i32
      %dma_wait3A_861 = tpu.memref_slice %arg5[%dma_wait3A_860, %multiple_of3A_581] : memref<64x1000000xf32, #tpu.memory_space<hbm>> -> memref<64x128xf32, #tpu.memory_space<hbm>>
      %dma_wait3A_862 = arith.constant 0 : i32
      %dma_wait3A_863 = arith.constant 0 : i32
      %dma_wait3A_864 = tpu.memref_slice %arg10[%dma_wait3A_854, %dma_wait3A_855, %dma_wait3A_862, %dma_wait3A_863] : memref<2x2x64x128xf32, #tpu.memory_space<vmem>> -> memref<1x1x64x128xf32, #tpu.memory_space<vmem>>
      %dma_wait3A_865 = tpu.memref_squeeze %dma_wait3A_864 : memref<1x1x64x128xf32, #tpu.memory_space<vmem>> -> memref<64x128xf32, #tpu.memory_space<vmem>>
      %dma_wait3A_866 = arith.constant 0 : i32
      %dma_wait3A_867 = tpu.memref_slice %arg5[%dma_wait3A_866, %multiple_of3A_581] : memref<64x1000000xf32, #tpu.memory_space<hbm>> -> memref<64x128xf32, #tpu.memory_space<hbm>>
      tpu.wait_dma2 semaphore(%arg14 : memref<!tpu.dma_semaphore, #tpu.memory_space<semaphore_mem>>) src(%dma_wait3A_867 : memref<64x128xf32, #tpu.memory_space<hbm>>) dst(%dma_wait3A_865 : memref<64x128xf32, #tpu.memory_space<vmem>>)
      %slice3A_868 = vector.extract_strided_slice %sub3A_76 {offsets = [6], sizes = [1], strides = [1]} : vector<16xi32> to vector<1xi32>
      %squeeze3A_869 = vector.extract %slice3A_868[0] : i32 from vector<1xi32>
      %broadcast_in_dim3A_870 = vector.broadcast %squeeze3A_869 : i32 to vector<16xi32>
      %slice3A_871 = vector.extract_strided_slice %sub3A_77 {offsets = [6], sizes = [1], strides = [1]} : vector<16xi32> to vector<1xi32>
      %squeeze3A_872 = vector.extract %slice3A_871[0] : i32 from vector<1xi32>
      %broadcast_in_dim3A_873 = vector.broadcast %squeeze3A_872 : i32 to vector<16xi32>
      %broadcast_in_dim3A_874 = arith.constant 0 : i32
      %broadcast_in_dim3A_875 = vector.broadcast %broadcast_in_dim3A_874 : i32 to vector<16xi32>
      %broadcast_in_dim3A_876 = arith.constant 1 : i32
      %broadcast_in_dim3A_877 = vector.broadcast %broadcast_in_dim3A_876 : i32 to vector<16xi32>
      %add3A_878 = arith.constant 0 : i32
      %add3A_879 = vector.broadcast %add3A_878 : i32 to vector<16xi32>
      %add3A_880 = arith.addi %add3A_879, %iota3A : vector<16xi32>
      %gather3A_881 = tpu.vector_load_idx %arg9[%broadcast_in_dim3A_877, %broadcast_in_dim3A_875, %add3A_880, %broadcast_in_dim3A_870] : memref<2x2x64x128xf32, #tpu.memory_space<vmem>>[vector<16xi32>, vector<16xi32>, vector<16xi32>, vector<16xi32>], vector<16xf32>,
      %gather3A_882 = tpu.vector_load_idx %arg10[%broadcast_in_dim3A_877, %broadcast_in_dim3A_875, %add3A_880, %broadcast_in_dim3A_873] : memref<2x2x64x128xf32, #tpu.memory_space<vmem>>[vector<16xi32>, vector<16xi32>, vector<16xi32>, vector<16xi32>], vector<16xf32>,
      %mul3A_883 = arith.mulf %gather3A_881, %gather3A_882 : vector<16xf32>
      %add3A_884 = arith.constant 16 : i32
      %add3A_885 = vector.broadcast %add3A_884 : i32 to vector<16xi32>
      %add3A_886 = arith.addi %add3A_885, %iota3A : vector<16xi32>
      %gather3A_887 = tpu.vector_load_idx %arg9[%broadcast_in_dim3A_877, %broadcast_in_dim3A_875, %add3A_886, %broadcast_in_dim3A_870] : memref<2x2x64x128xf32, #tpu.memory_space<vmem>>[vector<16xi32>, vector<16xi32>, vector<16xi32>, vector<16xi32>], vector<16xf32>,
      %gather3A_888 = tpu.vector_load_idx %arg10[%broadcast_in_dim3A_877, %broadcast_in_dim3A_875, %add3A_886, %broadcast_in_dim3A_873] : memref<2x2x64x128xf32, #tpu.memory_space<vmem>>[vector<16xi32>, vector<16xi32>, vector<16xi32>, vector<16xi32>], vector<16xf32>,
      %mul3A_889 = arith.mulf %gather3A_887, %gather3A_888 : vector<16xf32>
      %add3A_890 = arith.addf %mul3A_883, %mul3A_889 : vector<16xf32>
      %add3A_891 = arith.constant 32 : i32
      %add3A_892 = vector.broadcast %add3A_891 : i32 to vector<16xi32>
      %add3A_893 = arith.addi %add3A_892, %iota3A : vector<16xi32>
      %gather3A_894 = tpu.vector_load_idx %arg9[%broadcast_in_dim3A_877, %broadcast_in_dim3A_875, %add3A_893, %broadcast_in_dim3A_870] : memref<2x2x64x128xf32, #tpu.memory_space<vmem>>[vector<16xi32>, vector<16xi32>, vector<16xi32>, vector<16xi32>], vector<16xf32>,
      %gather3A_895 = tpu.vector_load_idx %arg10[%broadcast_in_dim3A_877, %broadcast_in_dim3A_875, %add3A_893, %broadcast_in_dim3A_873] : memref<2x2x64x128xf32, #tpu.memory_space<vmem>>[vector<16xi32>, vector<16xi32>, vector<16xi32>, vector<16xi32>], vector<16xf32>,
      %mul3A_896 = arith.mulf %gather3A_894, %gather3A_895 : vector<16xf32>
      %add3A_897 = arith.addf %add3A_890, %mul3A_896 : vector<16xf32>
      %add3A_898 = arith.constant 48 : i32
      %add3A_899 = vector.broadcast %add3A_898 : i32 to vector<16xi32>
      %add3A_900 = arith.addi %add3A_899, %iota3A : vector<16xi32>
      %gather3A_901 = tpu.vector_load_idx %arg9[%broadcast_in_dim3A_877, %broadcast_in_dim3A_875, %add3A_900, %broadcast_in_dim3A_870] : memref<2x2x64x128xf32, #tpu.memory_space<vmem>>[vector<16xi32>, vector<16xi32>, vector<16xi32>, vector<16xi32>], vector<16xf32>,
      %gather3A_902 = tpu.vector_load_idx %arg10[%broadcast_in_dim3A_877, %broadcast_in_dim3A_875, %add3A_900, %broadcast_in_dim3A_873] : memref<2x2x64x128xf32, #tpu.memory_space<vmem>>[vector<16xi32>, vector<16xi32>, vector<16xi32>, vector<16xi32>], vector<16xf32>,
      %mul3A_903 = arith.mulf %gather3A_901, %gather3A_902 : vector<16xf32>
      %add3A_904 = arith.addf %add3A_897, %mul3A_903 : vector<16xf32>
      %swap3A_905 = arith.constant 96 : index
      %swap3A_906 = tpu.vector_load %arg12[%swap3A_905] {strides = array<i32>} : memref<256xf32, #tpu.memory_space<vmem>>, vector<16xf32>,
      tpu.vector_store %arg12[%swap3A_905], %add3A_904 {strides = array<i32>} : memref<256xf32, #tpu.memory_space<vmem>>, vector<16xf32>,
      %slice3A_907 = vector.extract_strided_slice %sub3A_76 {offsets = [7], sizes = [1], strides = [1]} : vector<16xi32> to vector<1xi32>
      %squeeze3A_908 = vector.extract %slice3A_907[0] : i32 from vector<1xi32>
      %broadcast_in_dim3A_909 = vector.broadcast %squeeze3A_908 : i32 to vector<16xi32>
      %slice3A_910 = vector.extract_strided_slice %sub3A_77 {offsets = [7], sizes = [1], strides = [1]} : vector<16xi32> to vector<1xi32>
      %squeeze3A_911 = vector.extract %slice3A_910[0] : i32 from vector<1xi32>
      %broadcast_in_dim3A_912 = vector.broadcast %squeeze3A_911 : i32 to vector<16xi32>
      %broadcast_in_dim3A_913 = arith.constant 1 : i32
      %broadcast_in_dim3A_914 = vector.broadcast %broadcast_in_dim3A_913 : i32 to vector<16xi32>
      %broadcast_in_dim3A_915 = arith.constant 1 : i32
      %broadcast_in_dim3A_916 = vector.broadcast %broadcast_in_dim3A_915 : i32 to vector<16xi32>
      %add3A_917 = arith.constant 0 : i32
      %add3A_918 = vector.broadcast %add3A_917 : i32 to vector<16xi32>
      %add3A_919 = arith.addi %add3A_918, %iota3A : vector<16xi32>
      %gather3A_920 = tpu.vector_load_idx %arg9[%broadcast_in_dim3A_916, %broadcast_in_dim3A_914, %add3A_919, %broadcast_in_dim3A_909] : memref<2x2x64x128xf32, #tpu.memory_space<vmem>>[vector<16xi32>, vector<16xi32>, vector<16xi32>, vector<16xi32>], vector<16xf32>,
      %gather3A_921 = tpu.vector_load_idx %arg10[%broadcast_in_dim3A_916, %broadcast_in_dim3A_914, %add3A_919, %broadcast_in_dim3A_912] : memref<2x2x64x128xf32, #tpu.memory_space<vmem>>[vector<16xi32>, vector<16xi32>, vector<16xi32>, vector<16xi32>], vector<16xf32>,
      %mul3A_922 = arith.mulf %gather3A_920, %gather3A_921 : vector<16xf32>
      %add3A_923 = arith.constant 16 : i32
      %add3A_924 = vector.broadcast %add3A_923 : i32 to vector<16xi32>
      %add3A_925 = arith.addi %add3A_924, %iota3A : vector<16xi32>
      %gather3A_926 = tpu.vector_load_idx %arg9[%broadcast_in_dim3A_916, %broadcast_in_dim3A_914, %add3A_925, %broadcast_in_dim3A_909] : memref<2x2x64x128xf32, #tpu.memory_space<vmem>>[vector<16xi32>, vector<16xi32>, vector<16xi32>, vector<16xi32>], vector<16xf32>,
      %gather3A_927 = tpu.vector_load_idx %arg10[%broadcast_in_dim3A_916, %broadcast_in_dim3A_914, %add3A_925, %broadcast_in_dim3A_912] : memref<2x2x64x128xf32, #tpu.memory_space<vmem>>[vector<16xi32>, vector<16xi32>, vector<16xi32>, vector<16xi32>], vector<16xf32>,
      %mul3A_928 = arith.mulf %gather3A_926, %gather3A_927 : vector<16xf32>
      %add3A_929 = arith.addf %mul3A_922, %mul3A_928 : vector<16xf32>
      %add3A_930 = arith.constant 32 : i32
      %add3A_931 = vector.broadcast %add3A_930 : i32 to vector<16xi32>
      %add3A_932 = arith.addi %add3A_931, %iota3A : vector<16xi32>
      %gather3A_933 = tpu.vector_load_idx %arg9[%broadcast_in_dim3A_916, %broadcast_in_dim3A_914, %add3A_932, %broadcast_in_dim3A_909] : memref<2x2x64x128xf32, #tpu.memory_space<vmem>>[vector<16xi32>, vector<16xi32>, vector<16xi32>, vector<16xi32>], vector<16xf32>,
      %gather3A_934 = tpu.vector_load_idx %arg10[%broadcast_in_dim3A_916, %broadcast_in_dim3A_914, %add3A_932, %broadcast_in_dim3A_912] : memref<2x2x64x128xf32, #tpu.memory_space<vmem>>[vector<16xi32>, vector<16xi32>, vector<16xi32>, vector<16xi32>], vector<16xf32>,
      %mul3A_935 = arith.mulf %gather3A_933, %gather3A_934 : vector<16xf32>
      %add3A_936 = arith.addf %add3A_929, %mul3A_935 : vector<16xf32>
      %add3A_937 = arith.constant 48 : i32
      %add3A_938 = vector.broadcast %add3A_937 : i32 to vector<16xi32>
      %add3A_939 = arith.addi %add3A_938, %iota3A : vector<16xi32>
      %gather3A_940 = tpu.vector_load_idx %arg9[%broadcast_in_dim3A_916, %broadcast_in_dim3A_914, %add3A_939, %broadcast_in_dim3A_909] : memref<2x2x64x128xf32, #tpu.memory_space<vmem>>[vector<16xi32>, vector<16xi32>, vector<16xi32>, vector<16xi32>], vector<16xf32>,
      %gather3A_941 = tpu.vector_load_idx %arg10[%broadcast_in_dim3A_916, %broadcast_in_dim3A_914, %add3A_939, %broadcast_in_dim3A_912] : memref<2x2x64x128xf32, #tpu.memory_space<vmem>>[vector<16xi32>, vector<16xi32>, vector<16xi32>, vector<16xi32>], vector<16xf32>,
      %mul3A_942 = arith.mulf %gather3A_940, %gather3A_941 : vector<16xf32>
      %add3A_943 = arith.addf %add3A_936, %mul3A_942 : vector<16xf32>
      %swap3A_944 = arith.constant 112 : index
      %swap3A_945 = tpu.vector_load %arg12[%swap3A_944] {strides = array<i32>} : memref<256xf32, #tpu.memory_space<vmem>>, vector<16xf32>,
      tpu.vector_store %arg12[%swap3A_944], %add3A_943 {strides = array<i32>} : memref<256xf32, #tpu.memory_space<vmem>>, vector<16xf32>,
      %slice3A_946 = vector.extract_strided_slice %mul3A_41 {offsets = [10], sizes = [1], strides = [1]} : vector<16xi32> to vector<1xi32>
      %squeeze3A_947 = vector.extract %slice3A_946[0] : i32 from vector<1xi32>
      %multiple_of3A_948 = tpu.assume_multiple %squeeze3A_947, 128 : i32
      %slice3A_949 = vector.extract_strided_slice %mul3A_75 {offsets = [10], sizes = [1], strides = [1]} : vector<16xi32> to vector<1xi32>
      %squeeze3A_950 = vector.extract %slice3A_949[0] : i32 from vector<1xi32>
      %multiple_of3A_951 = tpu.assume_multiple %squeeze3A_950, 128 : i32
      %dma_start3A_952 = arith.constant 1 : i32
      %dma_start3A_953 = arith.constant 0 : i32
      %dma_start3A_954 = arith.constant 0 : i32
      %dma_start3A_955 = arith.constant 0 : i32
      %dma_start3A_956 = tpu.memref_slice %arg9[%dma_start3A_952, %dma_start3A_953, %dma_start3A_954, %dma_start3A_955] : memref<2x2x64x128xf32, #tpu.memory_space<vmem>> -> memref<1x1x64x128xf32, #tpu.memory_space<vmem>>
      %dma_start3A_957 = tpu.memref_squeeze %dma_start3A_956 : memref<1x1x64x128xf32, #tpu.memory_space<vmem>> -> memref<64x128xf32, #tpu.memory_space<vmem>>
      %dma_start3A_958 = arith.constant 0 : i32
      %dma_start3A_959 = tpu.memref_slice %arg4[%dma_start3A_958, %multiple_of3A_948] : memref<64x1000000xf32, #tpu.memory_space<hbm>> -> memref<64x128xf32, #tpu.memory_space<hbm>>
      %dma_start3A_960 = arith.constant 0 : i32
      %dma_start3A_961 = arith.constant 0 : i32
      %dma_start3A_962 = tpu.memref_slice %arg9[%dma_start3A_952, %dma_start3A_953, %dma_start3A_960, %dma_start3A_961] : memref<2x2x64x128xf32, #tpu.memory_space<vmem>> -> memref<1x1x64x128xf32, #tpu.memory_space<vmem>>
      %dma_start3A_963 = tpu.memref_squeeze %dma_start3A_962 : memref<1x1x64x128xf32, #tpu.memory_space<vmem>> -> memref<64x128xf32, #tpu.memory_space<vmem>>
      %dma_start3A_964 = arith.constant 0 : i32
      %dma_start3A_965 = tpu.memref_slice %arg4[%dma_start3A_964, %multiple_of3A_948] : memref<64x1000000xf32, #tpu.memory_space<hbm>> -> memref<64x128xf32, #tpu.memory_space<hbm>>
      tpu.enqueue_dma source(%dma_start3A_965 : memref<64x128xf32, #tpu.memory_space<hbm>>) target(%dma_start3A_963 : memref<64x128xf32, #tpu.memory_space<vmem>>) target_semaphore(%arg14 : memref<!tpu.dma_semaphore, #tpu.memory_space<semaphore_mem>>)
      %dma_start3A_966 = arith.constant 1 : i32
      %dma_start3A_967 = arith.constant 0 : i32
      %dma_start3A_968 = arith.constant 0 : i32
      %dma_start3A_969 = arith.constant 0 : i32
      %dma_start3A_970 = tpu.memref_slice %arg10[%dma_start3A_966, %dma_start3A_967, %dma_start3A_968, %dma_start3A_969] : memref<2x2x64x128xf32, #tpu.memory_space<vmem>> -> memref<1x1x64x128xf32, #tpu.memory_space<vmem>>
      %dma_start3A_971 = tpu.memref_squeeze %dma_start3A_970 : memref<1x1x64x128xf32, #tpu.memory_space<vmem>> -> memref<64x128xf32, #tpu.memory_space<vmem>>
      %dma_start3A_972 = arith.constant 0 : i32
      %dma_start3A_973 = tpu.memref_slice %arg5[%dma_start3A_972, %multiple_of3A_951] : memref<64x1000000xf32, #tpu.memory_space<hbm>> -> memref<64x128xf32, #tpu.memory_space<hbm>>
      %dma_start3A_974 = arith.constant 0 : i32
      %dma_start3A_975 = arith.constant 0 : i32
      %dma_start3A_976 = tpu.memref_slice %arg10[%dma_start3A_966, %dma_start3A_967, %dma_start3A_974, %dma_start3A_975] : memref<2x2x64x128xf32, #tpu.memory_space<vmem>> -> memref<1x1x64x128xf32, #tpu.memory_space<vmem>>
      %dma_start3A_977 = tpu.memref_squeeze %dma_start3A_976 : memref<1x1x64x128xf32, #tpu.memory_space<vmem>> -> memref<64x128xf32, #tpu.memory_space<vmem>>
      %dma_start3A_978 = arith.constant 0 : i32
      %dma_start3A_979 = tpu.memref_slice %arg5[%dma_start3A_978, %multiple_of3A_951] : memref<64x1000000xf32, #tpu.memory_space<hbm>> -> memref<64x128xf32, #tpu.memory_space<hbm>>
      tpu.enqueue_dma source(%dma_start3A_979 : memref<64x128xf32, #tpu.memory_space<hbm>>) target(%dma_start3A_977 : memref<64x128xf32, #tpu.memory_space<vmem>>) target_semaphore(%arg14 : memref<!tpu.dma_semaphore, #tpu.memory_space<semaphore_mem>>)
      %slice3A_980 = vector.extract_strided_slice %mul3A_41 {offsets = [11], sizes = [1], strides = [1]} : vector<16xi32> to vector<1xi32>
      %squeeze3A_981 = vector.extract %slice3A_980[0] : i32 from vector<1xi32>
      %multiple_of3A_982 = tpu.assume_multiple %squeeze3A_981, 128 : i32
      %slice3A_983 = vector.extract_strided_slice %mul3A_75 {offsets = [11], sizes = [1], strides = [1]} : vector<16xi32> to vector<1xi32>
      %squeeze3A_984 = vector.extract %slice3A_983[0] : i32 from vector<1xi32>
      %multiple_of3A_985 = tpu.assume_multiple %squeeze3A_984, 128 : i32
      %dma_start3A_986 = arith.constant 1 : i32
      %dma_start3A_987 = arith.constant 1 : i32
      %dma_start3A_988 = arith.constant 0 : i32
      %dma_start3A_989 = arith.constant 0 : i32
      %dma_start3A_990 = tpu.memref_slice %arg9[%dma_start3A_986, %dma_start3A_987, %dma_start3A_988, %dma_start3A_989] : memref<2x2x64x128xf32, #tpu.memory_space<vmem>> -> memref<1x1x64x128xf32, #tpu.memory_space<vmem>>
      %dma_start3A_991 = tpu.memref_squeeze %dma_start3A_990 : memref<1x1x64x128xf32, #tpu.memory_space<vmem>> -> memref<64x128xf32, #tpu.memory_space<vmem>>
      %dma_start3A_992 = arith.constant 0 : i32
      %dma_start3A_993 = tpu.memref_slice %arg4[%dma_start3A_992, %multiple_of3A_982] : memref<64x1000000xf32, #tpu.memory_space<hbm>> -> memref<64x128xf32, #tpu.memory_space<hbm>>
      %dma_start3A_994 = arith.constant 0 : i32
      %dma_start3A_995 = arith.constant 0 : i32
      %dma_start3A_996 = tpu.memref_slice %arg9[%dma_start3A_986, %dma_start3A_987, %dma_start3A_994, %dma_start3A_995] : memref<2x2x64x128xf32, #tpu.memory_space<vmem>> -> memref<1x1x64x128xf32, #tpu.memory_space<vmem>>
      %dma_start3A_997 = tpu.memref_squeeze %dma_start3A_996 : memref<1x1x64x128xf32, #tpu.memory_space<vmem>> -> memref<64x128xf32, #tpu.memory_space<vmem>>
      %dma_start3A_998 = arith.constant 0 : i32
      %dma_start3A_999 = tpu.memref_slice %arg4[%dma_start3A_998, %multiple_of3A_982] : memref<64x1000000xf32, #tpu.memory_space<hbm>> -> memref<64x128xf32, #tpu.memory_space<hbm>>
      tpu.enqueue_dma source(%dma_start3A_999 : memref<64x128xf32, #tpu.memory_space<hbm>>) target(%dma_start3A_997 : memref<64x128xf32, #tpu.memory_space<vmem>>) target_semaphore(%arg14 : memref<!tpu.dma_semaphore, #tpu.memory_space<semaphore_mem>>)
      %dma_start3A_1000 = arith.constant 1 : i32
      %dma_start3A_1001 = arith.constant 1 : i32
      %dma_start3A_1002 = arith.constant 0 : i32
      %dma_start3A_1003 = arith.constant 0 : i32
      %dma_start3A_1004 = tpu.memref_slice %arg10[%dma_start3A_1000, %dma_start3A_1001, %dma_start3A_1002, %dma_start3A_1003] : memref<2x2x64x128xf32, #tpu.memory_space<vmem>> -> memref<1x1x64x128xf32, #tpu.memory_space<vmem>>
      %dma_start3A_1005 = tpu.memref_squeeze %dma_start3A_1004 : memref<1x1x64x128xf32, #tpu.memory_space<vmem>> -> memref<64x128xf32, #tpu.memory_space<vmem>>
      %dma_start3A_1006 = arith.constant 0 : i32
      %dma_start3A_1007 = tpu.memref_slice %arg5[%dma_start3A_1006, %multiple_of3A_985] : memref<64x1000000xf32, #tpu.memory_space<hbm>> -> memref<64x128xf32, #tpu.memory_space<hbm>>
      %dma_start3A_1008 = arith.constant 0 : i32
      %dma_start3A_1009 = arith.constant 0 : i32
      %dma_start3A_1010 = tpu.memref_slice %arg10[%dma_start3A_1000, %dma_start3A_1001, %dma_start3A_1008, %dma_start3A_1009] : memref<2x2x64x128xf32, #tpu.memory_space<vmem>> -> memref<1x1x64x128xf32, #tpu.memory_space<vmem>>
      %dma_start3A_1011 = tpu.memref_squeeze %dma_start3A_1010 : memref<1x1x64x128xf32, #tpu.memory_space<vmem>> -> memref<64x128xf32, #tpu.memory_space<vmem>>
      %dma_start3A_1012 = arith.constant 0 : i32
      %dma_start3A_1013 = tpu.memref_slice %arg5[%dma_start3A_1012, %multiple_of3A_985] : memref<64x1000000xf32, #tpu.memory_space<hbm>> -> memref<64x128xf32, #tpu.memory_space<hbm>>
      tpu.enqueue_dma source(%dma_start3A_1013 : memref<64x128xf32, #tpu.memory_space<hbm>>) target(%dma_start3A_1011 : memref<64x128xf32, #tpu.memory_space<vmem>>) target_semaphore(%arg14 : memref<!tpu.dma_semaphore, #tpu.memory_space<semaphore_mem>>)
      %dma_wait3A_1014 = arith.constant 0 : i32
      %dma_wait3A_1015 = arith.constant 0 : i32
      %dma_wait3A_1016 = arith.constant 0 : i32
      %dma_wait3A_1017 = arith.constant 0 : i32
      %dma_wait3A_1018 = tpu.memref_slice %arg9[%dma_wait3A_1014, %dma_wait3A_1015, %dma_wait3A_1016, %dma_wait3A_1017] : memref<2x2x64x128xf32, #tpu.memory_space<vmem>> -> memref<1x1x64x128xf32, #tpu.memory_space<vmem>>
      %dma_wait3A_1019 = tpu.memref_squeeze %dma_wait3A_1018 : memref<1x1x64x128xf32, #tpu.memory_space<vmem>> -> memref<64x128xf32, #tpu.memory_space<vmem>>
      %dma_wait3A_1020 = arith.constant 0 : i32
      %dma_wait3A_1021 = tpu.memref_slice %arg4[%dma_wait3A_1020, %multiple_of3A_746] : memref<64x1000000xf32, #tpu.memory_space<hbm>> -> memref<64x128xf32, #tpu.memory_space<hbm>>
      %dma_wait3A_1022 = arith.constant 0 : i32
      %dma_wait3A_1023 = arith.constant 0 : i32
      %dma_wait3A_1024 = tpu.memref_slice %arg9[%dma_wait3A_1014, %dma_wait3A_1015, %dma_wait3A_1022, %dma_wait3A_1023] : memref<2x2x64x128xf32, #tpu.memory_space<vmem>> -> memref<1x1x64x128xf32, #tpu.memory_space<vmem>>
      %dma_wait3A_1025 = tpu.memref_squeeze %dma_wait3A_1024 : memref<1x1x64x128xf32, #tpu.memory_space<vmem>> -> memref<64x128xf32, #tpu.memory_space<vmem>>
      %dma_wait3A_1026 = arith.constant 0 : i32
      %dma_wait3A_1027 = tpu.memref_slice %arg4[%dma_wait3A_1026, %multiple_of3A_746] : memref<64x1000000xf32, #tpu.memory_space<hbm>> -> memref<64x128xf32, #tpu.memory_space<hbm>>
      tpu.wait_dma2 semaphore(%arg13 : memref<!tpu.dma_semaphore, #tpu.memory_space<semaphore_mem>>) src(%dma_wait3A_1027 : memref<64x128xf32, #tpu.memory_space<hbm>>) dst(%dma_wait3A_1025 : memref<64x128xf32, #tpu.memory_space<vmem>>)
      %dma_wait3A_1028 = arith.constant 0 : i32
      %dma_wait3A_1029 = arith.constant 0 : i32
      %dma_wait3A_1030 = arith.constant 0 : i32
      %dma_wait3A_1031 = arith.constant 0 : i32
      %dma_wait3A_1032 = tpu.memref_slice %arg10[%dma_wait3A_1028, %dma_wait3A_1029, %dma_wait3A_1030, %dma_wait3A_1031] : memref<2x2x64x128xf32, #tpu.memory_space<vmem>> -> memref<1x1x64x128xf32, #tpu.memory_space<vmem>>
      %dma_wait3A_1033 = tpu.memref_squeeze %dma_wait3A_1032 : memref<1x1x64x128xf32, #tpu.memory_space<vmem>> -> memref<64x128xf32, #tpu.memory_space<vmem>>
      %dma_wait3A_1034 = arith.constant 0 : i32
      %dma_wait3A_1035 = tpu.memref_slice %arg5[%dma_wait3A_1034, %multiple_of3A_749] : memref<64x1000000xf32, #tpu.memory_space<hbm>> -> memref<64x128xf32, #tpu.memory_space<hbm>>
      %dma_wait3A_1036 = arith.constant 0 : i32
      %dma_wait3A_1037 = arith.constant 0 : i32
      %dma_wait3A_1038 = tpu.memref_slice %arg10[%dma_wait3A_1028, %dma_wait3A_1029, %dma_wait3A_1036, %dma_wait3A_1037] : memref<2x2x64x128xf32, #tpu.memory_space<vmem>> -> memref<1x1x64x128xf32, #tpu.memory_space<vmem>>
      %dma_wait3A_1039 = tpu.memref_squeeze %dma_wait3A_1038 : memref<1x1x64x128xf32, #tpu.memory_space<vmem>> -> memref<64x128xf32, #tpu.memory_space<vmem>>
      %dma_wait3A_1040 = arith.constant 0 : i32
      %dma_wait3A_1041 = tpu.memref_slice %arg5[%dma_wait3A_1040, %multiple_of3A_749] : memref<64x1000000xf32, #tpu.memory_space<hbm>> -> memref<64x128xf32, #tpu.memory_space<hbm>>
      tpu.wait_dma2 semaphore(%arg13 : memref<!tpu.dma_semaphore, #tpu.memory_space<semaphore_mem>>) src(%dma_wait3A_1041 : memref<64x128xf32, #tpu.memory_space<hbm>>) dst(%dma_wait3A_1039 : memref<64x128xf32, #tpu.memory_space<vmem>>)
      %dma_wait3A_1042 = arith.constant 0 : i32
      %dma_wait3A_1043 = arith.constant 1 : i32
      %dma_wait3A_1044 = arith.constant 0 : i32
      %dma_wait3A_1045 = arith.constant 0 : i32
      %dma_wait3A_1046 = tpu.memref_slice %arg9[%dma_wait3A_1042, %dma_wait3A_1043, %dma_wait3A_1044, %dma_wait3A_1045] : memref<2x2x64x128xf32, #tpu.memory_space<vmem>> -> memref<1x1x64x128xf32, #tpu.memory_space<vmem>>
      %dma_wait3A_1047 = tpu.memref_squeeze %dma_wait3A_1046 : memref<1x1x64x128xf32, #tpu.memory_space<vmem>> -> memref<64x128xf32, #tpu.memory_space<vmem>>
      %dma_wait3A_1048 = arith.constant 0 : i32
      %dma_wait3A_1049 = tpu.memref_slice %arg4[%dma_wait3A_1048, %multiple_of3A_780] : memref<64x1000000xf32, #tpu.memory_space<hbm>> -> memref<64x128xf32, #tpu.memory_space<hbm>>
      %dma_wait3A_1050 = arith.constant 0 : i32
      %dma_wait3A_1051 = arith.constant 0 : i32
      %dma_wait3A_1052 = tpu.memref_slice %arg9[%dma_wait3A_1042, %dma_wait3A_1043, %dma_wait3A_1050, %dma_wait3A_1051] : memref<2x2x64x128xf32, #tpu.memory_space<vmem>> -> memref<1x1x64x128xf32, #tpu.memory_space<vmem>>
      %dma_wait3A_1053 = tpu.memref_squeeze %dma_wait3A_1052 : memref<1x1x64x128xf32, #tpu.memory_space<vmem>> -> memref<64x128xf32, #tpu.memory_space<vmem>>
      %dma_wait3A_1054 = arith.constant 0 : i32
      %dma_wait3A_1055 = tpu.memref_slice %arg4[%dma_wait3A_1054, %multiple_of3A_780] : memref<64x1000000xf32, #tpu.memory_space<hbm>> -> memref<64x128xf32, #tpu.memory_space<hbm>>
      tpu.wait_dma2 semaphore(%arg13 : memref<!tpu.dma_semaphore, #tpu.memory_space<semaphore_mem>>) src(%dma_wait3A_1055 : memref<64x128xf32, #tpu.memory_space<hbm>>) dst(%dma_wait3A_1053 : memref<64x128xf32, #tpu.memory_space<vmem>>)
      %dma_wait3A_1056 = arith.constant 0 : i32
      %dma_wait3A_1057 = arith.constant 1 : i32
      %dma_wait3A_1058 = arith.constant 0 : i32
      %dma_wait3A_1059 = arith.constant 0 : i32
      %dma_wait3A_1060 = tpu.memref_slice %arg10[%dma_wait3A_1056, %dma_wait3A_1057, %dma_wait3A_1058, %dma_wait3A_1059] : memref<2x2x64x128xf32, #tpu.memory_space<vmem>> -> memref<1x1x64x128xf32, #tpu.memory_space<vmem>>
      %dma_wait3A_1061 = tpu.memref_squeeze %dma_wait3A_1060 : memref<1x1x64x128xf32, #tpu.memory_space<vmem>> -> memref<64x128xf32, #tpu.memory_space<vmem>>
      %dma_wait3A_1062 = arith.constant 0 : i32
      %dma_wait3A_1063 = tpu.memref_slice %arg5[%dma_wait3A_1062, %multiple_of3A_783] : memref<64x1000000xf32, #tpu.memory_space<hbm>> -> memref<64x128xf32, #tpu.memory_space<hbm>>
      %dma_wait3A_1064 = arith.constant 0 : i32
      %dma_wait3A_1065 = arith.constant 0 : i32
      %dma_wait3A_1066 = tpu.memref_slice %arg10[%dma_wait3A_1056, %dma_wait3A_1057, %dma_wait3A_1064, %dma_wait3A_1065] : memref<2x2x64x128xf32, #tpu.memory_space<vmem>> -> memref<1x1x64x128xf32, #tpu.memory_space<vmem>>
      %dma_wait3A_1067 = tpu.memref_squeeze %dma_wait3A_1066 : memref<1x1x64x128xf32, #tpu.memory_space<vmem>> -> memref<64x128xf32, #tpu.memory_space<vmem>>
      %dma_wait3A_1068 = arith.constant 0 : i32
      %dma_wait3A_1069 = tpu.memref_slice %arg5[%dma_wait3A_1068, %multiple_of3A_783] : memref<64x1000000xf32, #tpu.memory_space<hbm>> -> memref<64x128xf32, #tpu.memory_space<hbm>>
      tpu.wait_dma2 semaphore(%arg13 : memref<!tpu.dma_semaphore, #tpu.memory_space<semaphore_mem>>) src(%dma_wait3A_1069 : memref<64x128xf32, #tpu.memory_space<hbm>>) dst(%dma_wait3A_1067 : memref<64x128xf32, #tpu.memory_space<vmem>>)
      %slice3A_1070 = vector.extract_strided_slice %sub3A_76 {offsets = [8], sizes = [1], strides = [1]} : vector<16xi32> to vector<1xi32>
      %squeeze3A_1071 = vector.extract %slice3A_1070[0] : i32 from vector<1xi32>
      %broadcast_in_dim3A_1072 = vector.broadcast %squeeze3A_1071 : i32 to vector<16xi32>
      %slice3A_1073 = vector.extract_strided_slice %sub3A_77 {offsets = [8], sizes = [1], strides = [1]} : vector<16xi32> to vector<1xi32>
      %squeeze3A_1074 = vector.extract %slice3A_1073[0] : i32 from vector<1xi32>
      %broadcast_in_dim3A_1075 = vector.broadcast %squeeze3A_1074 : i32 to vector<16xi32>
      %broadcast_in_dim3A_1076 = arith.constant 0 : i32
      %broadcast_in_dim3A_1077 = vector.broadcast %broadcast_in_dim3A_1076 : i32 to vector<16xi32>
      %broadcast_in_dim3A_1078 = arith.constant 0 : i32
      %broadcast_in_dim3A_1079 = vector.broadcast %broadcast_in_dim3A_1078 : i32 to vector<16xi32>
      %add3A_1080 = arith.constant 0 : i32
      %add3A_1081 = vector.broadcast %add3A_1080 : i32 to vector<16xi32>
      %add3A_1082 = arith.addi %add3A_1081, %iota3A : vector<16xi32>
      %gather3A_1083 = tpu.vector_load_idx %arg9[%broadcast_in_dim3A_1079, %broadcast_in_dim3A_1077, %add3A_1082, %broadcast_in_dim3A_1072] : memref<2x2x64x128xf32, #tpu.memory_space<vmem>>[vector<16xi32>, vector<16xi32>, vector<16xi32>, vector<16xi32>], vector<16xf32>,
      %gather3A_1084 = tpu.vector_load_idx %arg10[%broadcast_in_dim3A_1079, %broadcast_in_dim3A_1077, %add3A_1082, %broadcast_in_dim3A_1075] : memref<2x2x64x128xf32, #tpu.memory_space<vmem>>[vector<16xi32>, vector<16xi32>, vector<16xi32>, vector<16xi32>], vector<16xf32>,
      %mul3A_1085 = arith.mulf %gather3A_1083, %gather3A_1084 : vector<16xf32>
      %add3A_1086 = arith.constant 16 : i32
      %add3A_1087 = vector.broadcast %add3A_1086 : i32 to vector<16xi32>
      %add3A_1088 = arith.addi %add3A_1087, %iota3A : vector<16xi32>
      %gather3A_1089 = tpu.vector_load_idx %arg9[%broadcast_in_dim3A_1079, %broadcast_in_dim3A_1077, %add3A_1088, %broadcast_in_dim3A_1072] : memref<2x2x64x128xf32, #tpu.memory_space<vmem>>[vector<16xi32>, vector<16xi32>, vector<16xi32>, vector<16xi32>], vector<16xf32>,
      %gather3A_1090 = tpu.vector_load_idx %arg10[%broadcast_in_dim3A_1079, %broadcast_in_dim3A_1077, %add3A_1088, %broadcast_in_dim3A_1075] : memref<2x2x64x128xf32, #tpu.memory_space<vmem>>[vector<16xi32>, vector<16xi32>, vector<16xi32>, vector<16xi32>], vector<16xf32>,
      %mul3A_1091 = arith.mulf %gather3A_1089, %gather3A_1090 : vector<16xf32>
      %add3A_1092 = arith.addf %mul3A_1085, %mul3A_1091 : vector<16xf32>
      %add3A_1093 = arith.constant 32 : i32
      %add3A_1094 = vector.broadcast %add3A_1093 : i32 to vector<16xi32>
      %add3A_1095 = arith.addi %add3A_1094, %iota3A : vector<16xi32>
      %gather3A_1096 = tpu.vector_load_idx %arg9[%broadcast_in_dim3A_1079, %broadcast_in_dim3A_1077, %add3A_1095, %broadcast_in_dim3A_1072] : memref<2x2x64x128xf32, #tpu.memory_space<vmem>>[vector<16xi32>, vector<16xi32>, vector<16xi32>, vector<16xi32>], vector<16xf32>,
      %gather3A_1097 = tpu.vector_load_idx %arg10[%broadcast_in_dim3A_1079, %broadcast_in_dim3A_1077, %add3A_1095, %broadcast_in_dim3A_1075] : memref<2x2x64x128xf32, #tpu.memory_space<vmem>>[vector<16xi32>, vector<16xi32>, vector<16xi32>, vector<16xi32>], vector<16xf32>,
      %mul3A_1098 = arith.mulf %gather3A_1096, %gather3A_1097 : vector<16xf32>
      %add3A_1099 = arith.addf %add3A_1092, %mul3A_1098 : vector<16xf32>
      %add3A_1100 = arith.constant 48 : i32
      %add3A_1101 = vector.broadcast %add3A_1100 : i32 to vector<16xi32>
      %add3A_1102 = arith.addi %add3A_1101, %iota3A : vector<16xi32>
      %gather3A_1103 = tpu.vector_load_idx %arg9[%broadcast_in_dim3A_1079, %broadcast_in_dim3A_1077, %add3A_1102, %broadcast_in_dim3A_1072] : memref<2x2x64x128xf32, #tpu.memory_space<vmem>>[vector<16xi32>, vector<16xi32>, vector<16xi32>, vector<16xi32>], vector<16xf32>,
      %gather3A_1104 = tpu.vector_load_idx %arg10[%broadcast_in_dim3A_1079, %broadcast_in_dim3A_1077, %add3A_1102, %broadcast_in_dim3A_1075] : memref<2x2x64x128xf32, #tpu.memory_space<vmem>>[vector<16xi32>, vector<16xi32>, vector<16xi32>, vector<16xi32>], vector<16xf32>,
      %mul3A_1105 = arith.mulf %gather3A_1103, %gather3A_1104 : vector<16xf32>
      %add3A_1106 = arith.addf %add3A_1099, %mul3A_1105 : vector<16xf32>
      %swap3A_1107 = arith.constant 128 : index
      %swap3A_1108 = tpu.vector_load %arg12[%swap3A_1107] {strides = array<i32>} : memref<256xf32, #tpu.memory_space<vmem>>, vector<16xf32>,
      tpu.vector_store %arg12[%swap3A_1107], %add3A_1106 {strides = array<i32>} : memref<256xf32, #tpu.memory_space<vmem>>, vector<16xf32>,
      %slice3A_1109 = vector.extract_strided_slice %sub3A_76 {offsets = [9], sizes = [1], strides = [1]} : vector<16xi32> to vector<1xi32>
      %squeeze3A_1110 = vector.extract %slice3A_1109[0] : i32 from vector<1xi32>
      %broadcast_in_dim3A_1111 = vector.broadcast %squeeze3A_1110 : i32 to vector<16xi32>
      %slice3A_1112 = vector.extract_strided_slice %sub3A_77 {offsets = [9], sizes = [1], strides = [1]} : vector<16xi32> to vector<1xi32>
      %squeeze3A_1113 = vector.extract %slice3A_1112[0] : i32 from vector<1xi32>
      %broadcast_in_dim3A_1114 = vector.broadcast %squeeze3A_1113 : i32 to vector<16xi32>
      %broadcast_in_dim3A_1115 = arith.constant 1 : i32
      %broadcast_in_dim3A_1116 = vector.broadcast %broadcast_in_dim3A_1115 : i32 to vector<16xi32>
      %broadcast_in_dim3A_1117 = arith.constant 0 : i32
      %broadcast_in_dim3A_1118 = vector.broadcast %broadcast_in_dim3A_1117 : i32 to vector<16xi32>
      %add3A_1119 = arith.constant 0 : i32
      %add3A_1120 = vector.broadcast %add3A_1119 : i32 to vector<16xi32>
      %add3A_1121 = arith.addi %add3A_1120, %iota3A : vector<16xi32>
      %gather3A_1122 = tpu.vector_load_idx %arg9[%broadcast_in_dim3A_1118, %broadcast_in_dim3A_1116, %add3A_1121, %broadcast_in_dim3A_1111] : memref<2x2x64x128xf32, #tpu.memory_space<vmem>>[vector<16xi32>, vector<16xi32>, vector<16xi32>, vector<16xi32>], vector<16xf32>,
      %gather3A_1123 = tpu.vector_load_idx %arg10[%broadcast_in_dim3A_1118, %broadcast_in_dim3A_1116, %add3A_1121, %broadcast_in_dim3A_1114] : memref<2x2x64x128xf32, #tpu.memory_space<vmem>>[vector<16xi32>, vector<16xi32>, vector<16xi32>, vector<16xi32>], vector<16xf32>,
      %mul3A_1124 = arith.mulf %gather3A_1122, %gather3A_1123 : vector<16xf32>
      %add3A_1125 = arith.constant 16 : i32
      %add3A_1126 = vector.broadcast %add3A_1125 : i32 to vector<16xi32>
      %add3A_1127 = arith.addi %add3A_1126, %iota3A : vector<16xi32>
      %gather3A_1128 = tpu.vector_load_idx %arg9[%broadcast_in_dim3A_1118, %broadcast_in_dim3A_1116, %add3A_1127, %broadcast_in_dim3A_1111] : memref<2x2x64x128xf32, #tpu.memory_space<vmem>>[vector<16xi32>, vector<16xi32>, vector<16xi32>, vector<16xi32>], vector<16xf32>,
      %gather3A_1129 = tpu.vector_load_idx %arg10[%broadcast_in_dim3A_1118, %broadcast_in_dim3A_1116, %add3A_1127, %broadcast_in_dim3A_1114] : memref<2x2x64x128xf32, #tpu.memory_space<vmem>>[vector<16xi32>, vector<16xi32>, vector<16xi32>, vector<16xi32>], vector<16xf32>,
      %mul3A_1130 = arith.mulf %gather3A_1128, %gather3A_1129 : vector<16xf32>
      %add3A_1131 = arith.addf %mul3A_1124, %mul3A_1130 : vector<16xf32>
      %add3A_1132 = arith.constant 32 : i32
      %add3A_1133 = vector.broadcast %add3A_1132 : i32 to vector<16xi32>
      %add3A_1134 = arith.addi %add3A_1133, %iota3A : vector<16xi32>
      %gather3A_1135 = tpu.vector_load_idx %arg9[%broadcast_in_dim3A_1118, %broadcast_in_dim3A_1116, %add3A_1134, %broadcast_in_dim3A_1111] : memref<2x2x64x128xf32, #tpu.memory_space<vmem>>[vector<16xi32>, vector<16xi32>, vector<16xi32>, vector<16xi32>], vector<16xf32>,
      %gather3A_1136 = tpu.vector_load_idx %arg10[%broadcast_in_dim3A_1118, %broadcast_in_dim3A_1116, %add3A_1134, %broadcast_in_dim3A_1114] : memref<2x2x64x128xf32, #tpu.memory_space<vmem>>[vector<16xi32>, vector<16xi32>, vector<16xi32>, vector<16xi32>], vector<16xf32>,
      %mul3A_1137 = arith.mulf %gather3A_1135, %gather3A_1136 : vector<16xf32>
      %add3A_1138 = arith.addf %add3A_1131, %mul3A_1137 : vector<16xf32>
      %add3A_1139 = arith.constant 48 : i32
      %add3A_1140 = vector.broadcast %add3A_1139 : i32 to vector<16xi32>
      %add3A_1141 = arith.addi %add3A_1140, %iota3A : vector<16xi32>
      %gather3A_1142 = tpu.vector_load_idx %arg9[%broadcast_in_dim3A_1118, %broadcast_in_dim3A_1116, %add3A_1141, %broadcast_in_dim3A_1111] : memref<2x2x64x128xf32, #tpu.memory_space<vmem>>[vector<16xi32>, vector<16xi32>, vector<16xi32>, vector<16xi32>], vector<16xf32>,
      %gather3A_1143 = tpu.vector_load_idx %arg10[%broadcast_in_dim3A_1118, %broadcast_in_dim3A_1116, %add3A_1141, %broadcast_in_dim3A_1114] : memref<2x2x64x128xf32, #tpu.memory_space<vmem>>[vector<16xi32>, vector<16xi32>, vector<16xi32>, vector<16xi32>], vector<16xf32>,
      %mul3A_1144 = arith.mulf %gather3A_1142, %gather3A_1143 : vector<16xf32>
      %add3A_1145 = arith.addf %add3A_1138, %mul3A_1144 : vector<16xf32>
      %swap3A_1146 = arith.constant 144 : index
      %swap3A_1147 = tpu.vector_load %arg12[%swap3A_1146] {strides = array<i32>} : memref<256xf32, #tpu.memory_space<vmem>>, vector<16xf32>,
      tpu.vector_store %arg12[%swap3A_1146], %add3A_1145 {strides = array<i32>} : memref<256xf32, #tpu.memory_space<vmem>>, vector<16xf32>,
      %slice3A_1148 = vector.extract_strided_slice %mul3A_41 {offsets = [12], sizes = [1], strides = [1]} : vector<16xi32> to vector<1xi32>
      %squeeze3A_1149 = vector.extract %slice3A_1148[0] : i32 from vector<1xi32>
      %multiple_of3A_1150 = tpu.assume_multiple %squeeze3A_1149, 128 : i32
      %slice3A_1151 = vector.extract_strided_slice %mul3A_75 {offsets = [12], sizes = [1], strides = [1]} : vector<16xi32> to vector<1xi32>
      %squeeze3A_1152 = vector.extract %slice3A_1151[0] : i32 from vector<1xi32>
      %multiple_of3A_1153 = tpu.assume_multiple %squeeze3A_1152, 128 : i32
      %dma_start3A_1154 = arith.constant 0 : i32
      %dma_start3A_1155 = arith.constant 0 : i32
      %dma_start3A_1156 = arith.constant 0 : i32
      %dma_start3A_1157 = arith.constant 0 : i32
      %dma_start3A_1158 = tpu.memref_slice %arg9[%dma_start3A_1154, %dma_start3A_1155, %dma_start3A_1156, %dma_start3A_1157] : memref<2x2x64x128xf32, #tpu.memory_space<vmem>> -> memref<1x1x64x128xf32, #tpu.memory_space<vmem>>
      %dma_start3A_1159 = tpu.memref_squeeze %dma_start3A_1158 : memref<1x1x64x128xf32, #tpu.memory_space<vmem>> -> memref<64x128xf32, #tpu.memory_space<vmem>>
      %dma_start3A_1160 = arith.constant 0 : i32
      %dma_start3A_1161 = tpu.memref_slice %arg4[%dma_start3A_1160, %multiple_of3A_1150] : memref<64x1000000xf32, #tpu.memory_space<hbm>> -> memref<64x128xf32, #tpu.memory_space<hbm>>
      %dma_start3A_1162 = arith.constant 0 : i32
      %dma_start3A_1163 = arith.constant 0 : i32
      %dma_start3A_1164 = tpu.memref_slice %arg9[%dma_start3A_1154, %dma_start3A_1155, %dma_start3A_1162, %dma_start3A_1163] : memref<2x2x64x128xf32, #tpu.memory_space<vmem>> -> memref<1x1x64x128xf32, #tpu.memory_space<vmem>>
      %dma_start3A_1165 = tpu.memref_squeeze %dma_start3A_1164 : memref<1x1x64x128xf32, #tpu.memory_space<vmem>> -> memref<64x128xf32, #tpu.memory_space<vmem>>
      %dma_start3A_1166 = arith.constant 0 : i32
      %dma_start3A_1167 = tpu.memref_slice %arg4[%dma_start3A_1166, %multiple_of3A_1150] : memref<64x1000000xf32, #tpu.memory_space<hbm>> -> memref<64x128xf32, #tpu.memory_space<hbm>>
      tpu.enqueue_dma source(%dma_start3A_1167 : memref<64x128xf32, #tpu.memory_space<hbm>>) target(%dma_start3A_1165 : memref<64x128xf32, #tpu.memory_space<vmem>>) target_semaphore(%arg13 : memref<!tpu.dma_semaphore, #tpu.memory_space<semaphore_mem>>)
      %dma_start3A_1168 = arith.constant 0 : i32
      %dma_start3A_1169 = arith.constant 0 : i32
      %dma_start3A_1170 = arith.constant 0 : i32
      %dma_start3A_1171 = arith.constant 0 : i32
      %dma_start3A_1172 = tpu.memref_slice %arg10[%dma_start3A_1168, %dma_start3A_1169, %dma_start3A_1170, %dma_start3A_1171] : memref<2x2x64x128xf32, #tpu.memory_space<vmem>> -> memref<1x1x64x128xf32, #tpu.memory_space<vmem>>
      %dma_start3A_1173 = tpu.memref_squeeze %dma_start3A_1172 : memref<1x1x64x128xf32, #tpu.memory_space<vmem>> -> memref<64x128xf32, #tpu.memory_space<vmem>>
      %dma_start3A_1174 = arith.constant 0 : i32
      %dma_start3A_1175 = tpu.memref_slice %arg5[%dma_start3A_1174, %multiple_of3A_1153] : memref<64x1000000xf32, #tpu.memory_space<hbm>> -> memref<64x128xf32, #tpu.memory_space<hbm>>
      %dma_start3A_1176 = arith.constant 0 : i32
      %dma_start3A_1177 = arith.constant 0 : i32
      %dma_start3A_1178 = tpu.memref_slice %arg10[%dma_start3A_1168, %dma_start3A_1169, %dma_start3A_1176, %dma_start3A_1177] : memref<2x2x64x128xf32, #tpu.memory_space<vmem>> -> memref<1x1x64x128xf32, #tpu.memory_space<vmem>>
      %dma_start3A_1179 = tpu.memref_squeeze %dma_start3A_1178 : memref<1x1x64x128xf32, #tpu.memory_space<vmem>> -> memref<64x128xf32, #tpu.memory_space<vmem>>
      %dma_start3A_1180 = arith.constant 0 : i32
      %dma_start3A_1181 = tpu.memref_slice %arg5[%dma_start3A_1180, %multiple_of3A_1153] : memref<64x1000000xf32, #tpu.memory_space<hbm>> -> memref<64x128xf32, #tpu.memory_space<hbm>>
      tpu.enqueue_dma source(%dma_start3A_1181 : memref<64x128xf32, #tpu.memory_space<hbm>>) target(%dma_start3A_1179 : memref<64x128xf32, #tpu.memory_space<vmem>>) target_semaphore(%arg13 : memref<!tpu.dma_semaphore, #tpu.memory_space<semaphore_mem>>)
      %slice3A_1182 = vector.extract_strided_slice %mul3A_41 {offsets = [13], sizes = [1], strides = [1]} : vector<16xi32> to vector<1xi32>
      %squeeze3A_1183 = vector.extract %slice3A_1182[0] : i32 from vector<1xi32>
      %multiple_of3A_1184 = tpu.assume_multiple %squeeze3A_1183, 128 : i32
      %slice3A_1185 = vector.extract_strided_slice %mul3A_75 {offsets = [13], sizes = [1], strides = [1]} : vector<16xi32> to vector<1xi32>
      %squeeze3A_1186 = vector.extract %slice3A_1185[0] : i32 from vector<1xi32>
      %multiple_of3A_1187 = tpu.assume_multiple %squeeze3A_1186, 128 : i32
      %dma_start3A_1188 = arith.constant 0 : i32
      %dma_start3A_1189 = arith.constant 1 : i32
      %dma_start3A_1190 = arith.constant 0 : i32
      %dma_start3A_1191 = arith.constant 0 : i32
      %dma_start3A_1192 = tpu.memref_slice %arg9[%dma_start3A_1188, %dma_start3A_1189, %dma_start3A_1190, %dma_start3A_1191] : memref<2x2x64x128xf32, #tpu.memory_space<vmem>> -> memref<1x1x64x128xf32, #tpu.memory_space<vmem>>
      %dma_start3A_1193 = tpu.memref_squeeze %dma_start3A_1192 : memref<1x1x64x128xf32, #tpu.memory_space<vmem>> -> memref<64x128xf32, #tpu.memory_space<vmem>>
      %dma_start3A_1194 = arith.constant 0 : i32
      %dma_start3A_1195 = tpu.memref_slice %arg4[%dma_start3A_1194, %multiple_of3A_1184] : memref<64x1000000xf32, #tpu.memory_space<hbm>> -> memref<64x128xf32, #tpu.memory_space<hbm>>
      %dma_start3A_1196 = arith.constant 0 : i32
      %dma_start3A_1197 = arith.constant 0 : i32
      %dma_start3A_1198 = tpu.memref_slice %arg9[%dma_start3A_1188, %dma_start3A_1189, %dma_start3A_1196, %dma_start3A_1197] : memref<2x2x64x128xf32, #tpu.memory_space<vmem>> -> memref<1x1x64x128xf32, #tpu.memory_space<vmem>>
      %dma_start3A_1199 = tpu.memref_squeeze %dma_start3A_1198 : memref<1x1x64x128xf32, #tpu.memory_space<vmem>> -> memref<64x128xf32, #tpu.memory_space<vmem>>
      %dma_start3A_1200 = arith.constant 0 : i32
      %dma_start3A_1201 = tpu.memref_slice %arg4[%dma_start3A_1200, %multiple_of3A_1184] : memref<64x1000000xf32, #tpu.memory_space<hbm>> -> memref<64x128xf32, #tpu.memory_space<hbm>>
      tpu.enqueue_dma source(%dma_start3A_1201 : memref<64x128xf32, #tpu.memory_space<hbm>>) target(%dma_start3A_1199 : memref<64x128xf32, #tpu.memory_space<vmem>>) target_semaphore(%arg13 : memref<!tpu.dma_semaphore, #tpu.memory_space<semaphore_mem>>)
      %dma_start3A_1202 = arith.constant 0 : i32
      %dma_start3A_1203 = arith.constant 1 : i32
      %dma_start3A_1204 = arith.constant 0 : i32
      %dma_start3A_1205 = arith.constant 0 : i32
      %dma_start3A_1206 = tpu.memref_slice %arg10[%dma_start3A_1202, %dma_start3A_1203, %dma_start3A_1204, %dma_start3A_1205] : memref<2x2x64x128xf32, #tpu.memory_space<vmem>> -> memref<1x1x64x128xf32, #tpu.memory_space<vmem>>
      %dma_start3A_1207 = tpu.memref_squeeze %dma_start3A_1206 : memref<1x1x64x128xf32, #tpu.memory_space<vmem>> -> memref<64x128xf32, #tpu.memory_space<vmem>>
      %dma_start3A_1208 = arith.constant 0 : i32
      %dma_start3A_1209 = tpu.memref_slice %arg5[%dma_start3A_1208, %multiple_of3A_1187] : memref<64x1000000xf32, #tpu.memory_space<hbm>> -> memref<64x128xf32, #tpu.memory_space<hbm>>
      %dma_start3A_1210 = arith.constant 0 : i32
      %dma_start3A_1211 = arith.constant 0 : i32
      %dma_start3A_1212 = tpu.memref_slice %arg10[%dma_start3A_1202, %dma_start3A_1203, %dma_start3A_1210, %dma_start3A_1211] : memref<2x2x64x128xf32, #tpu.memory_space<vmem>> -> memref<1x1x64x128xf32, #tpu.memory_space<vmem>>
      %dma_start3A_1213 = tpu.memref_squeeze %dma_start3A_1212 : memref<1x1x64x128xf32, #tpu.memory_space<vmem>> -> memref<64x128xf32, #tpu.memory_space<vmem>>
      %dma_start3A_1214 = arith.constant 0 : i32
      %dma_start3A_1215 = tpu.memref_slice %arg5[%dma_start3A_1214, %multiple_of3A_1187] : memref<64x1000000xf32, #tpu.memory_space<hbm>> -> memref<64x128xf32, #tpu.memory_space<hbm>>
      tpu.enqueue_dma source(%dma_start3A_1215 : memref<64x128xf32, #tpu.memory_space<hbm>>) target(%dma_start3A_1213 : memref<64x128xf32, #tpu.memory_space<vmem>>) target_semaphore(%arg13 : memref<!tpu.dma_semaphore, #tpu.memory_space<semaphore_mem>>)
      %dma_wait3A_1216 = arith.constant 1 : i32
      %dma_wait3A_1217 = arith.constant 0 : i32
      %dma_wait3A_1218 = arith.constant 0 : i32
      %dma_wait3A_1219 = arith.constant 0 : i32
      %dma_wait3A_1220 = tpu.memref_slice %arg9[%dma_wait3A_1216, %dma_wait3A_1217, %dma_wait3A_1218, %dma_wait3A_1219] : memref<2x2x64x128xf32, #tpu.memory_space<vmem>> -> memref<1x1x64x128xf32, #tpu.memory_space<vmem>>
      %dma_wait3A_1221 = tpu.memref_squeeze %dma_wait3A_1220 : memref<1x1x64x128xf32, #tpu.memory_space<vmem>> -> memref<64x128xf32, #tpu.memory_space<vmem>>
      %dma_wait3A_1222 = arith.constant 0 : i32
      %dma_wait3A_1223 = tpu.memref_slice %arg4[%dma_wait3A_1222, %multiple_of3A_948] : memref<64x1000000xf32, #tpu.memory_space<hbm>> -> memref<64x128xf32, #tpu.memory_space<hbm>>
      %dma_wait3A_1224 = arith.constant 0 : i32
      %dma_wait3A_1225 = arith.constant 0 : i32
      %dma_wait3A_1226 = tpu.memref_slice %arg9[%dma_wait3A_1216, %dma_wait3A_1217, %dma_wait3A_1224, %dma_wait3A_1225] : memref<2x2x64x128xf32, #tpu.memory_space<vmem>> -> memref<1x1x64x128xf32, #tpu.memory_space<vmem>>
      %dma_wait3A_1227 = tpu.memref_squeeze %dma_wait3A_1226 : memref<1x1x64x128xf32, #tpu.memory_space<vmem>> -> memref<64x128xf32, #tpu.memory_space<vmem>>
      %dma_wait3A_1228 = arith.constant 0 : i32
      %dma_wait3A_1229 = tpu.memref_slice %arg4[%dma_wait3A_1228, %multiple_of3A_948] : memref<64x1000000xf32, #tpu.memory_space<hbm>> -> memref<64x128xf32, #tpu.memory_space<hbm>>
      tpu.wait_dma2 semaphore(%arg14 : memref<!tpu.dma_semaphore, #tpu.memory_space<semaphore_mem>>) src(%dma_wait3A_1229 : memref<64x128xf32, #tpu.memory_space<hbm>>) dst(%dma_wait3A_1227 : memref<64x128xf32, #tpu.memory_space<vmem>>)
      %dma_wait3A_1230 = arith.constant 1 : i32
      %dma_wait3A_1231 = arith.constant 0 : i32
      %dma_wait3A_1232 = arith.constant 0 : i32
      %dma_wait3A_1233 = arith.constant 0 : i32
      %dma_wait3A_1234 = tpu.memref_slice %arg10[%dma_wait3A_1230, %dma_wait3A_1231, %dma_wait3A_1232, %dma_wait3A_1233] : memref<2x2x64x128xf32, #tpu.memory_space<vmem>> -> memref<1x1x64x128xf32, #tpu.memory_space<vmem>>
      %dma_wait3A_1235 = tpu.memref_squeeze %dma_wait3A_1234 : memref<1x1x64x128xf32, #tpu.memory_space<vmem>> -> memref<64x128xf32, #tpu.memory_space<vmem>>
      %dma_wait3A_1236 = arith.constant 0 : i32
      %dma_wait3A_1237 = tpu.memref_slice %arg5[%dma_wait3A_1236, %multiple_of3A_951] : memref<64x1000000xf32, #tpu.memory_space<hbm>> -> memref<64x128xf32, #tpu.memory_space<hbm>>
      %dma_wait3A_1238 = arith.constant 0 : i32
      %dma_wait3A_1239 = arith.constant 0 : i32
      %dma_wait3A_1240 = tpu.memref_slice %arg10[%dma_wait3A_1230, %dma_wait3A_1231, %dma_wait3A_1238, %dma_wait3A_1239] : memref<2x2x64x128xf32, #tpu.memory_space<vmem>> -> memref<1x1x64x128xf32, #tpu.memory_space<vmem>>
      %dma_wait3A_1241 = tpu.memref_squeeze %dma_wait3A_1240 : memref<1x1x64x128xf32, #tpu.memory_space<vmem>> -> memref<64x128xf32, #tpu.memory_space<vmem>>
      %dma_wait3A_1242 = arith.constant 0 : i32
      %dma_wait3A_1243 = tpu.memref_slice %arg5[%dma_wait3A_1242, %multiple_of3A_951] : memref<64x1000000xf32, #tpu.memory_space<hbm>> -> memref<64x128xf32, #tpu.memory_space<hbm>>
      tpu.wait_dma2 semaphore(%arg14 : memref<!tpu.dma_semaphore, #tpu.memory_space<semaphore_mem>>) src(%dma_wait3A_1243 : memref<64x128xf32, #tpu.memory_space<hbm>>) dst(%dma_wait3A_1241 : memref<64x128xf32, #tpu.memory_space<vmem>>)
      %dma_wait3A_1244 = arith.constant 1 : i32
      %dma_wait3A_1245 = arith.constant 1 : i32
      %dma_wait3A_1246 = arith.constant 0 : i32
      %dma_wait3A_1247 = arith.constant 0 : i32
      %dma_wait3A_1248 = tpu.memref_slice %arg9[%dma_wait3A_1244, %dma_wait3A_1245, %dma_wait3A_1246, %dma_wait3A_1247] : memref<2x2x64x128xf32, #tpu.memory_space<vmem>> -> memref<1x1x64x128xf32, #tpu.memory_space<vmem>>
      %dma_wait3A_1249 = tpu.memref_squeeze %dma_wait3A_1248 : memref<1x1x64x128xf32, #tpu.memory_space<vmem>> -> memref<64x128xf32, #tpu.memory_space<vmem>>
      %dma_wait3A_1250 = arith.constant 0 : i32
      %dma_wait3A_1251 = tpu.memref_slice %arg4[%dma_wait3A_1250, %multiple_of3A_982] : memref<64x1000000xf32, #tpu.memory_space<hbm>> -> memref<64x128xf32, #tpu.memory_space<hbm>>
      %dma_wait3A_1252 = arith.constant 0 : i32
      %dma_wait3A_1253 = arith.constant 0 : i32
      %dma_wait3A_1254 = tpu.memref_slice %arg9[%dma_wait3A_1244, %dma_wait3A_1245, %dma_wait3A_1252, %dma_wait3A_1253] : memref<2x2x64x128xf32, #tpu.memory_space<vmem>> -> memref<1x1x64x128xf32, #tpu.memory_space<vmem>>
      %dma_wait3A_1255 = tpu.memref_squeeze %dma_wait3A_1254 : memref<1x1x64x128xf32, #tpu.memory_space<vmem>> -> memref<64x128xf32, #tpu.memory_space<vmem>>
      %dma_wait3A_1256 = arith.constant 0 : i32
      %dma_wait3A_1257 = tpu.memref_slice %arg4[%dma_wait3A_1256, %multiple_of3A_982] : memref<64x1000000xf32, #tpu.memory_space<hbm>> -> memref<64x128xf32, #tpu.memory_space<hbm>>
      tpu.wait_dma2 semaphore(%arg14 : memref<!tpu.dma_semaphore, #tpu.memory_space<semaphore_mem>>) src(%dma_wait3A_1257 : memref<64x128xf32, #tpu.memory_space<hbm>>) dst(%dma_wait3A_1255 : memref<64x128xf32, #tpu.memory_space<vmem>>)
      %dma_wait3A_1258 = arith.constant 1 : i32
      %dma_wait3A_1259 = arith.constant 1 : i32
      %dma_wait3A_1260 = arith.constant 0 : i32
      %dma_wait3A_1261 = arith.constant 0 : i32
      %dma_wait3A_1262 = tpu.memref_slice %arg10[%dma_wait3A_1258, %dma_wait3A_1259, %dma_wait3A_1260, %dma_wait3A_1261] : memref<2x2x64x128xf32, #tpu.memory_space<vmem>> -> memref<1x1x64x128xf32, #tpu.memory_space<vmem>>
      %dma_wait3A_1263 = tpu.memref_squeeze %dma_wait3A_1262 : memref<1x1x64x128xf32, #tpu.memory_space<vmem>> -> memref<64x128xf32, #tpu.memory_space<vmem>>
      %dma_wait3A_1264 = arith.constant 0 : i32
      %dma_wait3A_1265 = tpu.memref_slice %arg5[%dma_wait3A_1264, %multiple_of3A_985] : memref<64x1000000xf32, #tpu.memory_space<hbm>> -> memref<64x128xf32, #tpu.memory_space<hbm>>
      %dma_wait3A_1266 = arith.constant 0 : i32
      %dma_wait3A_1267 = arith.constant 0 : i32
      %dma_wait3A_1268 = tpu.memref_slice %arg10[%dma_wait3A_1258, %dma_wait3A_1259, %dma_wait3A_1266, %dma_wait3A_1267] : memref<2x2x64x128xf32, #tpu.memory_space<vmem>> -> memref<1x1x64x128xf32, #tpu.memory_space<vmem>>
      %dma_wait3A_1269 = tpu.memref_squeeze %dma_wait3A_1268 : memref<1x1x64x128xf32, #tpu.memory_space<vmem>> -> memref<64x128xf32, #tpu.memory_space<vmem>>
      %dma_wait3A_1270 = arith.constant 0 : i32
      %dma_wait3A_1271 = tpu.memref_slice %arg5[%dma_wait3A_1270, %multiple_of3A_985] : memref<64x1000000xf32, #tpu.memory_space<hbm>> -> memref<64x128xf32, #tpu.memory_space<hbm>>
      tpu.wait_dma2 semaphore(%arg14 : memref<!tpu.dma_semaphore, #tpu.memory_space<semaphore_mem>>) src(%dma_wait3A_1271 : memref<64x128xf32, #tpu.memory_space<hbm>>) dst(%dma_wait3A_1269 : memref<64x128xf32, #tpu.memory_space<vmem>>)
      %slice3A_1272 = vector.extract_strided_slice %sub3A_76 {offsets = [10], sizes = [1], strides = [1]} : vector<16xi32> to vector<1xi32>
      %squeeze3A_1273 = vector.extract %slice3A_1272[0] : i32 from vector<1xi32>
      %broadcast_in_dim3A_1274 = vector.broadcast %squeeze3A_1273 : i32 to vector<16xi32>
      %slice3A_1275 = vector.extract_strided_slice %sub3A_77 {offsets = [10], sizes = [1], strides = [1]} : vector<16xi32> to vector<1xi32>
      %squeeze3A_1276 = vector.extract %slice3A_1275[0] : i32 from vector<1xi32>
      %broadcast_in_dim3A_1277 = vector.broadcast %squeeze3A_1276 : i32 to vector<16xi32>
      %broadcast_in_dim3A_1278 = arith.constant 0 : i32
      %broadcast_in_dim3A_1279 = vector.broadcast %broadcast_in_dim3A_1278 : i32 to vector<16xi32>
      %broadcast_in_dim3A_1280 = arith.constant 1 : i32
      %broadcast_in_dim3A_1281 = vector.broadcast %broadcast_in_dim3A_1280 : i32 to vector<16xi32>
      %add3A_1282 = arith.constant 0 : i32
      %add3A_1283 = vector.broadcast %add3A_1282 : i32 to vector<16xi32>
      %add3A_1284 = arith.addi %add3A_1283, %iota3A : vector<16xi32>
      %gather3A_1285 = tpu.vector_load_idx %arg9[%broadcast_in_dim3A_1281, %broadcast_in_dim3A_1279, %add3A_1284, %broadcast_in_dim3A_1274] : memref<2x2x64x128xf32, #tpu.memory_space<vmem>>[vector<16xi32>, vector<16xi32>, vector<16xi32>, vector<16xi32>], vector<16xf32>,
      %gather3A_1286 = tpu.vector_load_idx %arg10[%broadcast_in_dim3A_1281, %broadcast_in_dim3A_1279, %add3A_1284, %broadcast_in_dim3A_1277] : memref<2x2x64x128xf32, #tpu.memory_space<vmem>>[vector<16xi32>, vector<16xi32>, vector<16xi32>, vector<16xi32>], vector<16xf32>,
      %mul3A_1287 = arith.mulf %gather3A_1285, %gather3A_1286 : vector<16xf32>
      %add3A_1288 = arith.constant 16 : i32
      %add3A_1289 = vector.broadcast %add3A_1288 : i32 to vector<16xi32>
      %add3A_1290 = arith.addi %add3A_1289, %iota3A : vector<16xi32>
      %gather3A_1291 = tpu.vector_load_idx %arg9[%broadcast_in_dim3A_1281, %broadcast_in_dim3A_1279, %add3A_1290, %broadcast_in_dim3A_1274] : memref<2x2x64x128xf32, #tpu.memory_space<vmem>>[vector<16xi32>, vector<16xi32>, vector<16xi32>, vector<16xi32>], vector<16xf32>,
      %gather3A_1292 = tpu.vector_load_idx %arg10[%broadcast_in_dim3A_1281, %broadcast_in_dim3A_1279, %add3A_1290, %broadcast_in_dim3A_1277] : memref<2x2x64x128xf32, #tpu.memory_space<vmem>>[vector<16xi32>, vector<16xi32>, vector<16xi32>, vector<16xi32>], vector<16xf32>,
      %mul3A_1293 = arith.mulf %gather3A_1291, %gather3A_1292 : vector<16xf32>
      %add3A_1294 = arith.addf %mul3A_1287, %mul3A_1293 : vector<16xf32>
      %add3A_1295 = arith.constant 32 : i32
      %add3A_1296 = vector.broadcast %add3A_1295 : i32 to vector<16xi32>
      %add3A_1297 = arith.addi %add3A_1296, %iota3A : vector<16xi32>
      %gather3A_1298 = tpu.vector_load_idx %arg9[%broadcast_in_dim3A_1281, %broadcast_in_dim3A_1279, %add3A_1297, %broadcast_in_dim3A_1274] : memref<2x2x64x128xf32, #tpu.memory_space<vmem>>[vector<16xi32>, vector<16xi32>, vector<16xi32>, vector<16xi32>], vector<16xf32>,
      %gather3A_1299 = tpu.vector_load_idx %arg10[%broadcast_in_dim3A_1281, %broadcast_in_dim3A_1279, %add3A_1297, %broadcast_in_dim3A_1277] : memref<2x2x64x128xf32, #tpu.memory_space<vmem>>[vector<16xi32>, vector<16xi32>, vector<16xi32>, vector<16xi32>], vector<16xf32>,
      %mul3A_1300 = arith.mulf %gather3A_1298, %gather3A_1299 : vector<16xf32>
      %add3A_1301 = arith.addf %add3A_1294, %mul3A_1300 : vector<16xf32>
      %add3A_1302 = arith.constant 48 : i32
      %add3A_1303 = vector.broadcast %add3A_1302 : i32 to vector<16xi32>
      %add3A_1304 = arith.addi %add3A_1303, %iota3A : vector<16xi32>
      %gather3A_1305 = tpu.vector_load_idx %arg9[%broadcast_in_dim3A_1281, %broadcast_in_dim3A_1279, %add3A_1304, %broadcast_in_dim3A_1274] : memref<2x2x64x128xf32, #tpu.memory_space<vmem>>[vector<16xi32>, vector<16xi32>, vector<16xi32>, vector<16xi32>], vector<16xf32>,
      %gather3A_1306 = tpu.vector_load_idx %arg10[%broadcast_in_dim3A_1281, %broadcast_in_dim3A_1279, %add3A_1304, %broadcast_in_dim3A_1277] : memref<2x2x64x128xf32, #tpu.memory_space<vmem>>[vector<16xi32>, vector<16xi32>, vector<16xi32>, vector<16xi32>], vector<16xf32>,
      %mul3A_1307 = arith.mulf %gather3A_1305, %gather3A_1306 : vector<16xf32>
      %add3A_1308 = arith.addf %add3A_1301, %mul3A_1307 : vector<16xf32>
      %swap3A_1309 = arith.constant 160 : index
      %swap3A_1310 = tpu.vector_load %arg12[%swap3A_1309] {strides = array<i32>} : memref<256xf32, #tpu.memory_space<vmem>>, vector<16xf32>,
      tpu.vector_store %arg12[%swap3A_1309], %add3A_1308 {strides = array<i32>} : memref<256xf32, #tpu.memory_space<vmem>>, vector<16xf32>,
      %slice3A_1311 = vector.extract_strided_slice %sub3A_76 {offsets = [11], sizes = [1], strides = [1]} : vector<16xi32> to vector<1xi32>
      %squeeze3A_1312 = vector.extract %slice3A_1311[0] : i32 from vector<1xi32>
      %broadcast_in_dim3A_1313 = vector.broadcast %squeeze3A_1312 : i32 to vector<16xi32>
      %slice3A_1314 = vector.extract_strided_slice %sub3A_77 {offsets = [11], sizes = [1], strides = [1]} : vector<16xi32> to vector<1xi32>
      %squeeze3A_1315 = vector.extract %slice3A_1314[0] : i32 from vector<1xi32>
      %broadcast_in_dim3A_1316 = vector.broadcast %squeeze3A_1315 : i32 to vector<16xi32>
      %broadcast_in_dim3A_1317 = arith.constant 1 : i32
      %broadcast_in_dim3A_1318 = vector.broadcast %broadcast_in_dim3A_1317 : i32 to vector<16xi32>
      %broadcast_in_dim3A_1319 = arith.constant 1 : i32
      %broadcast_in_dim3A_1320 = vector.broadcast %broadcast_in_dim3A_1319 : i32 to vector<16xi32>
      %add3A_1321 = arith.constant 0 : i32
      %add3A_1322 = vector.broadcast %add3A_1321 : i32 to vector<16xi32>
      %add3A_1323 = arith.addi %add3A_1322, %iota3A : vector<16xi32>
      %gather3A_1324 = tpu.vector_load_idx %arg9[%broadcast_in_dim3A_1320, %broadcast_in_dim3A_1318, %add3A_1323, %broadcast_in_dim3A_1313] : memref<2x2x64x128xf32, #tpu.memory_space<vmem>>[vector<16xi32>, vector<16xi32>, vector<16xi32>, vector<16xi32>], vector<16xf32>,
      %gather3A_1325 = tpu.vector_load_idx %arg10[%broadcast_in_dim3A_1320, %broadcast_in_dim3A_1318, %add3A_1323, %broadcast_in_dim3A_1316] : memref<2x2x64x128xf32, #tpu.memory_space<vmem>>[vector<16xi32>, vector<16xi32>, vector<16xi32>, vector<16xi32>], vector<16xf32>,
      %mul3A_1326 = arith.mulf %gather3A_1324, %gather3A_1325 : vector<16xf32>
      %add3A_1327 = arith.constant 16 : i32
      %add3A_1328 = vector.broadcast %add3A_1327 : i32 to vector<16xi32>
      %add3A_1329 = arith.addi %add3A_1328, %iota3A : vector<16xi32>
      %gather3A_1330 = tpu.vector_load_idx %arg9[%broadcast_in_dim3A_1320, %broadcast_in_dim3A_1318, %add3A_1329, %broadcast_in_dim3A_1313] : memref<2x2x64x128xf32, #tpu.memory_space<vmem>>[vector<16xi32>, vector<16xi32>, vector<16xi32>, vector<16xi32>], vector<16xf32>,
      %gather3A_1331 = tpu.vector_load_idx %arg10[%broadcast_in_dim3A_1320, %broadcast_in_dim3A_1318, %add3A_1329, %broadcast_in_dim3A_1316] : memref<2x2x64x128xf32, #tpu.memory_space<vmem>>[vector<16xi32>, vector<16xi32>, vector<16xi32>, vector<16xi32>], vector<16xf32>,
      %mul3A_1332 = arith.mulf %gather3A_1330, %gather3A_1331 : vector<16xf32>
      %add3A_1333 = arith.addf %mul3A_1326, %mul3A_1332 : vector<16xf32>
      %add3A_1334 = arith.constant 32 : i32
      %add3A_1335 = vector.broadcast %add3A_1334 : i32 to vector<16xi32>
      %add3A_1336 = arith.addi %add3A_1335, %iota3A : vector<16xi32>
      %gather3A_1337 = tpu.vector_load_idx %arg9[%broadcast_in_dim3A_1320, %broadcast_in_dim3A_1318, %add3A_1336, %broadcast_in_dim3A_1313] : memref<2x2x64x128xf32, #tpu.memory_space<vmem>>[vector<16xi32>, vector<16xi32>, vector<16xi32>, vector<16xi32>], vector<16xf32>,
      %gather3A_1338 = tpu.vector_load_idx %arg10[%broadcast_in_dim3A_1320, %broadcast_in_dim3A_1318, %add3A_1336, %broadcast_in_dim3A_1316] : memref<2x2x64x128xf32, #tpu.memory_space<vmem>>[vector<16xi32>, vector<16xi32>, vector<16xi32>, vector<16xi32>], vector<16xf32>,
      %mul3A_1339 = arith.mulf %gather3A_1337, %gather3A_1338 : vector<16xf32>
      %add3A_1340 = arith.addf %add3A_1333, %mul3A_1339 : vector<16xf32>
      %add3A_1341 = arith.constant 48 : i32
      %add3A_1342 = vector.broadcast %add3A_1341 : i32 to vector<16xi32>
      %add3A_1343 = arith.addi %add3A_1342, %iota3A : vector<16xi32>
      %gather3A_1344 = tpu.vector_load_idx %arg9[%broadcast_in_dim3A_1320, %broadcast_in_dim3A_1318, %add3A_1343, %broadcast_in_dim3A_1313] : memref<2x2x64x128xf32, #tpu.memory_space<vmem>>[vector<16xi32>, vector<16xi32>, vector<16xi32>, vector<16xi32>], vector<16xf32>,
      %gather3A_1345 = tpu.vector_load_idx %arg10[%broadcast_in_dim3A_1320, %broadcast_in_dim3A_1318, %add3A_1343, %broadcast_in_dim3A_1316] : memref<2x2x64x128xf32, #tpu.memory_space<vmem>>[vector<16xi32>, vector<16xi32>, vector<16xi32>, vector<16xi32>], vector<16xf32>,
      %mul3A_1346 = arith.mulf %gather3A_1344, %gather3A_1345 : vector<16xf32>
      %add3A_1347 = arith.addf %add3A_1340, %mul3A_1346 : vector<16xf32>
      %swap3A_1348 = arith.constant 176 : index
      %swap3A_1349 = tpu.vector_load %arg12[%swap3A_1348] {strides = array<i32>} : memref<256xf32, #tpu.memory_space<vmem>>, vector<16xf32>,
      tpu.vector_store %arg12[%swap3A_1348], %add3A_1347 {strides = array<i32>} : memref<256xf32, #tpu.memory_space<vmem>>, vector<16xf32>,
      %slice3A_1350 = vector.extract_strided_slice %mul3A_41 {offsets = [14], sizes = [1], strides = [1]} : vector<16xi32> to vector<1xi32>
      %squeeze3A_1351 = vector.extract %slice3A_1350[0] : i32 from vector<1xi32>
      %multiple_of3A_1352 = tpu.assume_multiple %squeeze3A_1351, 128 : i32
      %slice3A_1353 = vector.extract_strided_slice %mul3A_75 {offsets = [14], sizes = [1], strides = [1]} : vector<16xi32> to vector<1xi32>
      %squeeze3A_1354 = vector.extract %slice3A_1353[0] : i32 from vector<1xi32>
      %multiple_of3A_1355 = tpu.assume_multiple %squeeze3A_1354, 128 : i32
      %dma_start3A_1356 = arith.constant 1 : i32
      %dma_start3A_1357 = arith.constant 0 : i32
      %dma_start3A_1358 = arith.constant 0 : i32
      %dma_start3A_1359 = arith.constant 0 : i32
      %dma_start3A_1360 = tpu.memref_slice %arg9[%dma_start3A_1356, %dma_start3A_1357, %dma_start3A_1358, %dma_start3A_1359] : memref<2x2x64x128xf32, #tpu.memory_space<vmem>> -> memref<1x1x64x128xf32, #tpu.memory_space<vmem>>
      %dma_start3A_1361 = tpu.memref_squeeze %dma_start3A_1360 : memref<1x1x64x128xf32, #tpu.memory_space<vmem>> -> memref<64x128xf32, #tpu.memory_space<vmem>>
      %dma_start3A_1362 = arith.constant 0 : i32
      %dma_start3A_1363 = tpu.memref_slice %arg4[%dma_start3A_1362, %multiple_of3A_1352] : memref<64x1000000xf32, #tpu.memory_space<hbm>> -> memref<64x128xf32, #tpu.memory_space<hbm>>
      %dma_start3A_1364 = arith.constant 0 : i32
      %dma_start3A_1365 = arith.constant 0 : i32
      %dma_start3A_1366 = tpu.memref_slice %arg9[%dma_start3A_1356, %dma_start3A_1357, %dma_start3A_1364, %dma_start3A_1365] : memref<2x2x64x128xf32, #tpu.memory_space<vmem>> -> memref<1x1x64x128xf32, #tpu.memory_space<vmem>>
      %dma_start3A_1367 = tpu.memref_squeeze %dma_start3A_1366 : memref<1x1x64x128xf32, #tpu.memory_space<vmem>> -> memref<64x128xf32, #tpu.memory_space<vmem>>
      %dma_start3A_1368 = arith.constant 0 : i32
      %dma_start3A_1369 = tpu.memref_slice %arg4[%dma_start3A_1368, %multiple_of3A_1352] : memref<64x1000000xf32, #tpu.memory_space<hbm>> -> memref<64x128xf32, #tpu.memory_space<hbm>>
      tpu.enqueue_dma source(%dma_start3A_1369 : memref<64x128xf32, #tpu.memory_space<hbm>>) target(%dma_start3A_1367 : memref<64x128xf32, #tpu.memory_space<vmem>>) target_semaphore(%arg14 : memref<!tpu.dma_semaphore, #tpu.memory_space<semaphore_mem>>)
      %dma_start3A_1370 = arith.constant 1 : i32
      %dma_start3A_1371 = arith.constant 0 : i32
      %dma_start3A_1372 = arith.constant 0 : i32
      %dma_start3A_1373 = arith.constant 0 : i32
      %dma_start3A_1374 = tpu.memref_slice %arg10[%dma_start3A_1370, %dma_start3A_1371, %dma_start3A_1372, %dma_start3A_1373] : memref<2x2x64x128xf32, #tpu.memory_space<vmem>> -> memref<1x1x64x128xf32, #tpu.memory_space<vmem>>
      %dma_start3A_1375 = tpu.memref_squeeze %dma_start3A_1374 : memref<1x1x64x128xf32, #tpu.memory_space<vmem>> -> memref<64x128xf32, #tpu.memory_space<vmem>>
      %dma_start3A_1376 = arith.constant 0 : i32
      %dma_start3A_1377 = tpu.memref_slice %arg5[%dma_start3A_1376, %multiple_of3A_1355] : memref<64x1000000xf32, #tpu.memory_space<hbm>> -> memref<64x128xf32, #tpu.memory_space<hbm>>
      %dma_start3A_1378 = arith.constant 0 : i32
      %dma_start3A_1379 = arith.constant 0 : i32
      %dma_start3A_1380 = tpu.memref_slice %arg10[%dma_start3A_1370, %dma_start3A_1371, %dma_start3A_1378, %dma_start3A_1379] : memref<2x2x64x128xf32, #tpu.memory_space<vmem>> -> memref<1x1x64x128xf32, #tpu.memory_space<vmem>>
      %dma_start3A_1381 = tpu.memref_squeeze %dma_start3A_1380 : memref<1x1x64x128xf32, #tpu.memory_space<vmem>> -> memref<64x128xf32, #tpu.memory_space<vmem>>
      %dma_start3A_1382 = arith.constant 0 : i32
      %dma_start3A_1383 = tpu.memref_slice %arg5[%dma_start3A_1382, %multiple_of3A_1355] : memref<64x1000000xf32, #tpu.memory_space<hbm>> -> memref<64x128xf32, #tpu.memory_space<hbm>>
      tpu.enqueue_dma source(%dma_start3A_1383 : memref<64x128xf32, #tpu.memory_space<hbm>>) target(%dma_start3A_1381 : memref<64x128xf32, #tpu.memory_space<vmem>>) target_semaphore(%arg14 : memref<!tpu.dma_semaphore, #tpu.memory_space<semaphore_mem>>)
      %slice3A_1384 = vector.extract_strided_slice %mul3A_41 {offsets = [15], sizes = [1], strides = [1]} : vector<16xi32> to vector<1xi32>
      %squeeze3A_1385 = vector.extract %slice3A_1384[0] : i32 from vector<1xi32>
      %multiple_of3A_1386 = tpu.assume_multiple %squeeze3A_1385, 128 : i32
      %slice3A_1387 = vector.extract_strided_slice %mul3A_75 {offsets = [15], sizes = [1], strides = [1]} : vector<16xi32> to vector<1xi32>
      %squeeze3A_1388 = vector.extract %slice3A_1387[0] : i32 from vector<1xi32>
      %multiple_of3A_1389 = tpu.assume_multiple %squeeze3A_1388, 128 : i32
      %dma_start3A_1390 = arith.constant 1 : i32
      %dma_start3A_1391 = arith.constant 1 : i32
      %dma_start3A_1392 = arith.constant 0 : i32
      %dma_start3A_1393 = arith.constant 0 : i32
      %dma_start3A_1394 = tpu.memref_slice %arg9[%dma_start3A_1390, %dma_start3A_1391, %dma_start3A_1392, %dma_start3A_1393] : memref<2x2x64x128xf32, #tpu.memory_space<vmem>> -> memref<1x1x64x128xf32, #tpu.memory_space<vmem>>
      %dma_start3A_1395 = tpu.memref_squeeze %dma_start3A_1394 : memref<1x1x64x128xf32, #tpu.memory_space<vmem>> -> memref<64x128xf32, #tpu.memory_space<vmem>>
      %dma_start3A_1396 = arith.constant 0 : i32
      %dma_start3A_1397 = tpu.memref_slice %arg4[%dma_start3A_1396, %multiple_of3A_1386] : memref<64x1000000xf32, #tpu.memory_space<hbm>> -> memref<64x128xf32, #tpu.memory_space<hbm>>
      %dma_start3A_1398 = arith.constant 0 : i32
      %dma_start3A_1399 = arith.constant 0 : i32
      %dma_start3A_1400 = tpu.memref_slice %arg9[%dma_start3A_1390, %dma_start3A_1391, %dma_start3A_1398, %dma_start3A_1399] : memref<2x2x64x128xf32, #tpu.memory_space<vmem>> -> memref<1x1x64x128xf32, #tpu.memory_space<vmem>>
      %dma_start3A_1401 = tpu.memref_squeeze %dma_start3A_1400 : memref<1x1x64x128xf32, #tpu.memory_space<vmem>> -> memref<64x128xf32, #tpu.memory_space<vmem>>
      %dma_start3A_1402 = arith.constant 0 : i32
      %dma_start3A_1403 = tpu.memref_slice %arg4[%dma_start3A_1402, %multiple_of3A_1386] : memref<64x1000000xf32, #tpu.memory_space<hbm>> -> memref<64x128xf32, #tpu.memory_space<hbm>>
      tpu.enqueue_dma source(%dma_start3A_1403 : memref<64x128xf32, #tpu.memory_space<hbm>>) target(%dma_start3A_1401 : memref<64x128xf32, #tpu.memory_space<vmem>>) target_semaphore(%arg14 : memref<!tpu.dma_semaphore, #tpu.memory_space<semaphore_mem>>)
      %dma_start3A_1404 = arith.constant 1 : i32
      %dma_start3A_1405 = arith.constant 1 : i32
      %dma_start3A_1406 = arith.constant 0 : i32
      %dma_start3A_1407 = arith.constant 0 : i32
      %dma_start3A_1408 = tpu.memref_slice %arg10[%dma_start3A_1404, %dma_start3A_1405, %dma_start3A_1406, %dma_start3A_1407] : memref<2x2x64x128xf32, #tpu.memory_space<vmem>> -> memref<1x1x64x128xf32, #tpu.memory_space<vmem>>
      %dma_start3A_1409 = tpu.memref_squeeze %dma_start3A_1408 : memref<1x1x64x128xf32, #tpu.memory_space<vmem>> -> memref<64x128xf32, #tpu.memory_space<vmem>>
      %dma_start3A_1410 = arith.constant 0 : i32
      %dma_start3A_1411 = tpu.memref_slice %arg5[%dma_start3A_1410, %multiple_of3A_1389] : memref<64x1000000xf32, #tpu.memory_space<hbm>> -> memref<64x128xf32, #tpu.memory_space<hbm>>
      %dma_start3A_1412 = arith.constant 0 : i32
      %dma_start3A_1413 = arith.constant 0 : i32
      %dma_start3A_1414 = tpu.memref_slice %arg10[%dma_start3A_1404, %dma_start3A_1405, %dma_start3A_1412, %dma_start3A_1413] : memref<2x2x64x128xf32, #tpu.memory_space<vmem>> -> memref<1x1x64x128xf32, #tpu.memory_space<vmem>>
      %dma_start3A_1415 = tpu.memref_squeeze %dma_start3A_1414 : memref<1x1x64x128xf32, #tpu.memory_space<vmem>> -> memref<64x128xf32, #tpu.memory_space<vmem>>
      %dma_start3A_1416 = arith.constant 0 : i32
      %dma_start3A_1417 = tpu.memref_slice %arg5[%dma_start3A_1416, %multiple_of3A_1389] : memref<64x1000000xf32, #tpu.memory_space<hbm>> -> memref<64x128xf32, #tpu.memory_space<hbm>>
      tpu.enqueue_dma source(%dma_start3A_1417 : memref<64x128xf32, #tpu.memory_space<hbm>>) target(%dma_start3A_1415 : memref<64x128xf32, #tpu.memory_space<vmem>>) target_semaphore(%arg14 : memref<!tpu.dma_semaphore, #tpu.memory_space<semaphore_mem>>)
      %dma_wait3A_1418 = arith.constant 0 : i32
      %dma_wait3A_1419 = arith.constant 0 : i32
      %dma_wait3A_1420 = arith.constant 0 : i32
      %dma_wait3A_1421 = arith.constant 0 : i32
      %dma_wait3A_1422 = tpu.memref_slice %arg9[%dma_wait3A_1418, %dma_wait3A_1419, %dma_wait3A_1420, %dma_wait3A_1421] : memref<2x2x64x128xf32, #tpu.memory_space<vmem>> -> memref<1x1x64x128xf32, #tpu.memory_space<vmem>>
      %dma_wait3A_1423 = tpu.memref_squeeze %dma_wait3A_1422 : memref<1x1x64x128xf32, #tpu.memory_space<vmem>> -> memref<64x128xf32, #tpu.memory_space<vmem>>
      %dma_wait3A_1424 = arith.constant 0 : i32
      %dma_wait3A_1425 = tpu.memref_slice %arg4[%dma_wait3A_1424, %multiple_of3A_1150] : memref<64x1000000xf32, #tpu.memory_space<hbm>> -> memref<64x128xf32, #tpu.memory_space<hbm>>
      %dma_wait3A_1426 = arith.constant 0 : i32
      %dma_wait3A_1427 = arith.constant 0 : i32
      %dma_wait3A_1428 = tpu.memref_slice %arg9[%dma_wait3A_1418, %dma_wait3A_1419, %dma_wait3A_1426, %dma_wait3A_1427] : memref<2x2x64x128xf32, #tpu.memory_space<vmem>> -> memref<1x1x64x128xf32, #tpu.memory_space<vmem>>
      %dma_wait3A_1429 = tpu.memref_squeeze %dma_wait3A_1428 : memref<1x1x64x128xf32, #tpu.memory_space<vmem>> -> memref<64x128xf32, #tpu.memory_space<vmem>>
      %dma_wait3A_1430 = arith.constant 0 : i32
      %dma_wait3A_1431 = tpu.memref_slice %arg4[%dma_wait3A_1430, %multiple_of3A_1150] : memref<64x1000000xf32, #tpu.memory_space<hbm>> -> memref<64x128xf32, #tpu.memory_space<hbm>>
      tpu.wait_dma2 semaphore(%arg13 : memref<!tpu.dma_semaphore, #tpu.memory_space<semaphore_mem>>) src(%dma_wait3A_1431 : memref<64x128xf32, #tpu.memory_space<hbm>>) dst(%dma_wait3A_1429 : memref<64x128xf32, #tpu.memory_space<vmem>>)
      %dma_wait3A_1432 = arith.constant 0 : i32
      %dma_wait3A_1433 = arith.constant 0 : i32
      %dma_wait3A_1434 = arith.constant 0 : i32
      %dma_wait3A_1435 = arith.constant 0 : i32
      %dma_wait3A_1436 = tpu.memref_slice %arg10[%dma_wait3A_1432, %dma_wait3A_1433, %dma_wait3A_1434, %dma_wait3A_1435] : memref<2x2x64x128xf32, #tpu.memory_space<vmem>> -> memref<1x1x64x128xf32, #tpu.memory_space<vmem>>
      %dma_wait3A_1437 = tpu.memref_squeeze %dma_wait3A_1436 : memref<1x1x64x128xf32, #tpu.memory_space<vmem>> -> memref<64x128xf32, #tpu.memory_space<vmem>>
      %dma_wait3A_1438 = arith.constant 0 : i32
      %dma_wait3A_1439 = tpu.memref_slice %arg5[%dma_wait3A_1438, %multiple_of3A_1153] : memref<64x1000000xf32, #tpu.memory_space<hbm>> -> memref<64x128xf32, #tpu.memory_space<hbm>>
      %dma_wait3A_1440 = arith.constant 0 : i32
      %dma_wait3A_1441 = arith.constant 0 : i32
      %dma_wait3A_1442 = tpu.memref_slice %arg10[%dma_wait3A_1432, %dma_wait3A_1433, %dma_wait3A_1440, %dma_wait3A_1441] : memref<2x2x64x128xf32, #tpu.memory_space<vmem>> -> memref<1x1x64x128xf32, #tpu.memory_space<vmem>>
      %dma_wait3A_1443 = tpu.memref_squeeze %dma_wait3A_1442 : memref<1x1x64x128xf32, #tpu.memory_space<vmem>> -> memref<64x128xf32, #tpu.memory_space<vmem>>
      %dma_wait3A_1444 = arith.constant 0 : i32
      %dma_wait3A_1445 = tpu.memref_slice %arg5[%dma_wait3A_1444, %multiple_of3A_1153] : memref<64x1000000xf32, #tpu.memory_space<hbm>> -> memref<64x128xf32, #tpu.memory_space<hbm>>
      tpu.wait_dma2 semaphore(%arg13 : memref<!tpu.dma_semaphore, #tpu.memory_space<semaphore_mem>>) src(%dma_wait3A_1445 : memref<64x128xf32, #tpu.memory_space<hbm>>) dst(%dma_wait3A_1443 : memref<64x128xf32, #tpu.memory_space<vmem>>)
      %dma_wait3A_1446 = arith.constant 0 : i32
      %dma_wait3A_1447 = arith.constant 1 : i32
      %dma_wait3A_1448 = arith.constant 0 : i32
      %dma_wait3A_1449 = arith.constant 0 : i32
      %dma_wait3A_1450 = tpu.memref_slice %arg9[%dma_wait3A_1446, %dma_wait3A_1447, %dma_wait3A_1448, %dma_wait3A_1449] : memref<2x2x64x128xf32, #tpu.memory_space<vmem>> -> memref<1x1x64x128xf32, #tpu.memory_space<vmem>>
      %dma_wait3A_1451 = tpu.memref_squeeze %dma_wait3A_1450 : memref<1x1x64x128xf32, #tpu.memory_space<vmem>> -> memref<64x128xf32, #tpu.memory_space<vmem>>
      %dma_wait3A_1452 = arith.constant 0 : i32
      %dma_wait3A_1453 = tpu.memref_slice %arg4[%dma_wait3A_1452, %multiple_of3A_1184] : memref<64x1000000xf32, #tpu.memory_space<hbm>> -> memref<64x128xf32, #tpu.memory_space<hbm>>
      %dma_wait3A_1454 = arith.constant 0 : i32
      %dma_wait3A_1455 = arith.constant 0 : i32
      %dma_wait3A_1456 = tpu.memref_slice %arg9[%dma_wait3A_1446, %dma_wait3A_1447, %dma_wait3A_1454, %dma_wait3A_1455] : memref<2x2x64x128xf32, #tpu.memory_space<vmem>> -> memref<1x1x64x128xf32, #tpu.memory_space<vmem>>
      %dma_wait3A_1457 = tpu.memref_squeeze %dma_wait3A_1456 : memref<1x1x64x128xf32, #tpu.memory_space<vmem>> -> memref<64x128xf32, #tpu.memory_space<vmem>>
      %dma_wait3A_1458 = arith.constant 0 : i32
      %dma_wait3A_1459 = tpu.memref_slice %arg4[%dma_wait3A_1458, %multiple_of3A_1184] : memref<64x1000000xf32, #tpu.memory_space<hbm>> -> memref<64x128xf32, #tpu.memory_space<hbm>>
      tpu.wait_dma2 semaphore(%arg13 : memref<!tpu.dma_semaphore, #tpu.memory_space<semaphore_mem>>) src(%dma_wait3A_1459 : memref<64x128xf32, #tpu.memory_space<hbm>>) dst(%dma_wait3A_1457 : memref<64x128xf32, #tpu.memory_space<vmem>>)
      %dma_wait3A_1460 = arith.constant 0 : i32
      %dma_wait3A_1461 = arith.constant 1 : i32
      %dma_wait3A_1462 = arith.constant 0 : i32
      %dma_wait3A_1463 = arith.constant 0 : i32
      %dma_wait3A_1464 = tpu.memref_slice %arg10[%dma_wait3A_1460, %dma_wait3A_1461, %dma_wait3A_1462, %dma_wait3A_1463] : memref<2x2x64x128xf32, #tpu.memory_space<vmem>> -> memref<1x1x64x128xf32, #tpu.memory_space<vmem>>
      %dma_wait3A_1465 = tpu.memref_squeeze %dma_wait3A_1464 : memref<1x1x64x128xf32, #tpu.memory_space<vmem>> -> memref<64x128xf32, #tpu.memory_space<vmem>>
      %dma_wait3A_1466 = arith.constant 0 : i32
      %dma_wait3A_1467 = tpu.memref_slice %arg5[%dma_wait3A_1466, %multiple_of3A_1187] : memref<64x1000000xf32, #tpu.memory_space<hbm>> -> memref<64x128xf32, #tpu.memory_space<hbm>>
      %dma_wait3A_1468 = arith.constant 0 : i32
      %dma_wait3A_1469 = arith.constant 0 : i32
      %dma_wait3A_1470 = tpu.memref_slice %arg10[%dma_wait3A_1460, %dma_wait3A_1461, %dma_wait3A_1468, %dma_wait3A_1469] : memref<2x2x64x128xf32, #tpu.memory_space<vmem>> -> memref<1x1x64x128xf32, #tpu.memory_space<vmem>>
      %dma_wait3A_1471 = tpu.memref_squeeze %dma_wait3A_1470 : memref<1x1x64x128xf32, #tpu.memory_space<vmem>> -> memref<64x128xf32, #tpu.memory_space<vmem>>
      %dma_wait3A_1472 = arith.constant 0 : i32
      %dma_wait3A_1473 = tpu.memref_slice %arg5[%dma_wait3A_1472, %multiple_of3A_1187] : memref<64x1000000xf32, #tpu.memory_space<hbm>> -> memref<64x128xf32, #tpu.memory_space<hbm>>
      tpu.wait_dma2 semaphore(%arg13 : memref<!tpu.dma_semaphore, #tpu.memory_space<semaphore_mem>>) src(%dma_wait3A_1473 : memref<64x128xf32, #tpu.memory_space<hbm>>) dst(%dma_wait3A_1471 : memref<64x128xf32, #tpu.memory_space<vmem>>)
      %slice3A_1474 = vector.extract_strided_slice %sub3A_76 {offsets = [12], sizes = [1], strides = [1]} : vector<16xi32> to vector<1xi32>
      %squeeze3A_1475 = vector.extract %slice3A_1474[0] : i32 from vector<1xi32>
      %broadcast_in_dim3A_1476 = vector.broadcast %squeeze3A_1475 : i32 to vector<16xi32>
      %slice3A_1477 = vector.extract_strided_slice %sub3A_77 {offsets = [12], sizes = [1], strides = [1]} : vector<16xi32> to vector<1xi32>
      %squeeze3A_1478 = vector.extract %slice3A_1477[0] : i32 from vector<1xi32>
      %broadcast_in_dim3A_1479 = vector.broadcast %squeeze3A_1478 : i32 to vector<16xi32>
      %broadcast_in_dim3A_1480 = arith.constant 0 : i32
      %broadcast_in_dim3A_1481 = vector.broadcast %broadcast_in_dim3A_1480 : i32 to vector<16xi32>
      %broadcast_in_dim3A_1482 = arith.constant 0 : i32
      %broadcast_in_dim3A_1483 = vector.broadcast %broadcast_in_dim3A_1482 : i32 to vector<16xi32>
      %add3A_1484 = arith.constant 0 : i32
      %add3A_1485 = vector.broadcast %add3A_1484 : i32 to vector<16xi32>
      %add3A_1486 = arith.addi %add3A_1485, %iota3A : vector<16xi32>
      %gather3A_1487 = tpu.vector_load_idx %arg9[%broadcast_in_dim3A_1483, %broadcast_in_dim3A_1481, %add3A_1486, %broadcast_in_dim3A_1476] : memref<2x2x64x128xf32, #tpu.memory_space<vmem>>[vector<16xi32>, vector<16xi32>, vector<16xi32>, vector<16xi32>], vector<16xf32>,
      %gather3A_1488 = tpu.vector_load_idx %arg10[%broadcast_in_dim3A_1483, %broadcast_in_dim3A_1481, %add3A_1486, %broadcast_in_dim3A_1479] : memref<2x2x64x128xf32, #tpu.memory_space<vmem>>[vector<16xi32>, vector<16xi32>, vector<16xi32>, vector<16xi32>], vector<16xf32>,
      %mul3A_1489 = arith.mulf %gather3A_1487, %gather3A_1488 : vector<16xf32>
      %add3A_1490 = arith.constant 16 : i32
      %add3A_1491 = vector.broadcast %add3A_1490 : i32 to vector<16xi32>
      %add3A_1492 = arith.addi %add3A_1491, %iota3A : vector<16xi32>
      %gather3A_1493 = tpu.vector_load_idx %arg9[%broadcast_in_dim3A_1483, %broadcast_in_dim3A_1481, %add3A_1492, %broadcast_in_dim3A_1476] : memref<2x2x64x128xf32, #tpu.memory_space<vmem>>[vector<16xi32>, vector<16xi32>, vector<16xi32>, vector<16xi32>], vector<16xf32>,
      %gather3A_1494 = tpu.vector_load_idx %arg10[%broadcast_in_dim3A_1483, %broadcast_in_dim3A_1481, %add3A_1492, %broadcast_in_dim3A_1479] : memref<2x2x64x128xf32, #tpu.memory_space<vmem>>[vector<16xi32>, vector<16xi32>, vector<16xi32>, vector<16xi32>], vector<16xf32>,
      %mul3A_1495 = arith.mulf %gather3A_1493, %gather3A_1494 : vector<16xf32>
      %add3A_1496 = arith.addf %mul3A_1489, %mul3A_1495 : vector<16xf32>
      %add3A_1497 = arith.constant 32 : i32
      %add3A_1498 = vector.broadcast %add3A_1497 : i32 to vector<16xi32>
      %add3A_1499 = arith.addi %add3A_1498, %iota3A : vector<16xi32>
      %gather3A_1500 = tpu.vector_load_idx %arg9[%broadcast_in_dim3A_1483, %broadcast_in_dim3A_1481, %add3A_1499, %broadcast_in_dim3A_1476] : memref<2x2x64x128xf32, #tpu.memory_space<vmem>>[vector<16xi32>, vector<16xi32>, vector<16xi32>, vector<16xi32>], vector<16xf32>,
      %gather3A_1501 = tpu.vector_load_idx %arg10[%broadcast_in_dim3A_1483, %broadcast_in_dim3A_1481, %add3A_1499, %broadcast_in_dim3A_1479] : memref<2x2x64x128xf32, #tpu.memory_space<vmem>>[vector<16xi32>, vector<16xi32>, vector<16xi32>, vector<16xi32>], vector<16xf32>,
      %mul3A_1502 = arith.mulf %gather3A_1500, %gather3A_1501 : vector<16xf32>
      %add3A_1503 = arith.addf %add3A_1496, %mul3A_1502 : vector<16xf32>
      %add3A_1504 = arith.constant 48 : i32
      %add3A_1505 = vector.broadcast %add3A_1504 : i32 to vector<16xi32>
      %add3A_1506 = arith.addi %add3A_1505, %iota3A : vector<16xi32>
      %gather3A_1507 = tpu.vector_load_idx %arg9[%broadcast_in_dim3A_1483, %broadcast_in_dim3A_1481, %add3A_1506, %broadcast_in_dim3A_1476] : memref<2x2x64x128xf32, #tpu.memory_space<vmem>>[vector<16xi32>, vector<16xi32>, vector<16xi32>, vector<16xi32>], vector<16xf32>,
      %gather3A_1508 = tpu.vector_load_idx %arg10[%broadcast_in_dim3A_1483, %broadcast_in_dim3A_1481, %add3A_1506, %broadcast_in_dim3A_1479] : memref<2x2x64x128xf32, #tpu.memory_space<vmem>>[vector<16xi32>, vector<16xi32>, vector<16xi32>, vector<16xi32>], vector<16xf32>,
      %mul3A_1509 = arith.mulf %gather3A_1507, %gather3A_1508 : vector<16xf32>
      %add3A_1510 = arith.addf %add3A_1503, %mul3A_1509 : vector<16xf32>
      %swap3A_1511 = arith.constant 192 : index
      %swap3A_1512 = tpu.vector_load %arg12[%swap3A_1511] {strides = array<i32>} : memref<256xf32, #tpu.memory_space<vmem>>, vector<16xf32>,
      tpu.vector_store %arg12[%swap3A_1511], %add3A_1510 {strides = array<i32>} : memref<256xf32, #tpu.memory_space<vmem>>, vector<16xf32>,
      %slice3A_1513 = vector.extract_strided_slice %sub3A_76 {offsets = [13], sizes = [1], strides = [1]} : vector<16xi32> to vector<1xi32>
      %squeeze3A_1514 = vector.extract %slice3A_1513[0] : i32 from vector<1xi32>
      %broadcast_in_dim3A_1515 = vector.broadcast %squeeze3A_1514 : i32 to vector<16xi32>
      %slice3A_1516 = vector.extract_strided_slice %sub3A_77 {offsets = [13], sizes = [1], strides = [1]} : vector<16xi32> to vector<1xi32>
      %squeeze3A_1517 = vector.extract %slice3A_1516[0] : i32 from vector<1xi32>
      %broadcast_in_dim3A_1518 = vector.broadcast %squeeze3A_1517 : i32 to vector<16xi32>
      %broadcast_in_dim3A_1519 = arith.constant 1 : i32
      %broadcast_in_dim3A_1520 = vector.broadcast %broadcast_in_dim3A_1519 : i32 to vector<16xi32>
      %broadcast_in_dim3A_1521 = arith.constant 0 : i32
      %broadcast_in_dim3A_1522 = vector.broadcast %broadcast_in_dim3A_1521 : i32 to vector<16xi32>
      %add3A_1523 = arith.constant 0 : i32
      %add3A_1524 = vector.broadcast %add3A_1523 : i32 to vector<16xi32>
      %add3A_1525 = arith.addi %add3A_1524, %iota3A : vector<16xi32>
      %gather3A_1526 = tpu.vector_load_idx %arg9[%broadcast_in_dim3A_1522, %broadcast_in_dim3A_1520, %add3A_1525, %broadcast_in_dim3A_1515] : memref<2x2x64x128xf32, #tpu.memory_space<vmem>>[vector<16xi32>, vector<16xi32>, vector<16xi32>, vector<16xi32>], vector<16xf32>,
      %gather3A_1527 = tpu.vector_load_idx %arg10[%broadcast_in_dim3A_1522, %broadcast_in_dim3A_1520, %add3A_1525, %broadcast_in_dim3A_1518] : memref<2x2x64x128xf32, #tpu.memory_space<vmem>>[vector<16xi32>, vector<16xi32>, vector<16xi32>, vector<16xi32>], vector<16xf32>,
      %mul3A_1528 = arith.mulf %gather3A_1526, %gather3A_1527 : vector<16xf32>
      %add3A_1529 = arith.constant 16 : i32
      %add3A_1530 = vector.broadcast %add3A_1529 : i32 to vector<16xi32>
      %add3A_1531 = arith.addi %add3A_1530, %iota3A : vector<16xi32>
      %gather3A_1532 = tpu.vector_load_idx %arg9[%broadcast_in_dim3A_1522, %broadcast_in_dim3A_1520, %add3A_1531, %broadcast_in_dim3A_1515] : memref<2x2x64x128xf32, #tpu.memory_space<vmem>>[vector<16xi32>, vector<16xi32>, vector<16xi32>, vector<16xi32>], vector<16xf32>,
      %gather3A_1533 = tpu.vector_load_idx %arg10[%broadcast_in_dim3A_1522, %broadcast_in_dim3A_1520, %add3A_1531, %broadcast_in_dim3A_1518] : memref<2x2x64x128xf32, #tpu.memory_space<vmem>>[vector<16xi32>, vector<16xi32>, vector<16xi32>, vector<16xi32>], vector<16xf32>,
      %mul3A_1534 = arith.mulf %gather3A_1532, %gather3A_1533 : vector<16xf32>
      %add3A_1535 = arith.addf %mul3A_1528, %mul3A_1534 : vector<16xf32>
      %add3A_1536 = arith.constant 32 : i32
      %add3A_1537 = vector.broadcast %add3A_1536 : i32 to vector<16xi32>
      %add3A_1538 = arith.addi %add3A_1537, %iota3A : vector<16xi32>
      %gather3A_1539 = tpu.vector_load_idx %arg9[%broadcast_in_dim3A_1522, %broadcast_in_dim3A_1520, %add3A_1538, %broadcast_in_dim3A_1515] : memref<2x2x64x128xf32, #tpu.memory_space<vmem>>[vector<16xi32>, vector<16xi32>, vector<16xi32>, vector<16xi32>], vector<16xf32>,
      %gather3A_1540 = tpu.vector_load_idx %arg10[%broadcast_in_dim3A_1522, %broadcast_in_dim3A_1520, %add3A_1538, %broadcast_in_dim3A_1518] : memref<2x2x64x128xf32, #tpu.memory_space<vmem>>[vector<16xi32>, vector<16xi32>, vector<16xi32>, vector<16xi32>], vector<16xf32>,
      %mul3A_1541 = arith.mulf %gather3A_1539, %gather3A_1540 : vector<16xf32>
      %add3A_1542 = arith.addf %add3A_1535, %mul3A_1541 : vector<16xf32>
      %add3A_1543 = arith.constant 48 : i32
      %add3A_1544 = vector.broadcast %add3A_1543 : i32 to vector<16xi32>
      %add3A_1545 = arith.addi %add3A_1544, %iota3A : vector<16xi32>
      %gather3A_1546 = tpu.vector_load_idx %arg9[%broadcast_in_dim3A_1522, %broadcast_in_dim3A_1520, %add3A_1545, %broadcast_in_dim3A_1515] : memref<2x2x64x128xf32, #tpu.memory_space<vmem>>[vector<16xi32>, vector<16xi32>, vector<16xi32>, vector<16xi32>], vector<16xf32>,
      %gather3A_1547 = tpu.vector_load_idx %arg10[%broadcast_in_dim3A_1522, %broadcast_in_dim3A_1520, %add3A_1545, %broadcast_in_dim3A_1518] : memref<2x2x64x128xf32, #tpu.memory_space<vmem>>[vector<16xi32>, vector<16xi32>, vector<16xi32>, vector<16xi32>], vector<16xf32>,
      %mul3A_1548 = arith.mulf %gather3A_1546, %gather3A_1547 : vector<16xf32>
      %add3A_1549 = arith.addf %add3A_1542, %mul3A_1548 : vector<16xf32>
      %swap3A_1550 = arith.constant 208 : index
      %swap3A_1551 = tpu.vector_load %arg12[%swap3A_1550] {strides = array<i32>} : memref<256xf32, #tpu.memory_space<vmem>>, vector<16xf32>,
      tpu.vector_store %arg12[%swap3A_1550], %add3A_1549 {strides = array<i32>} : memref<256xf32, #tpu.memory_space<vmem>>, vector<16xf32>,
      %dma_wait3A_1552 = arith.constant 1 : i32
      %dma_wait3A_1553 = arith.constant 0 : i32
      %dma_wait3A_1554 = arith.constant 0 : i32
      %dma_wait3A_1555 = arith.constant 0 : i32
      %dma_wait3A_1556 = tpu.memref_slice %arg9[%dma_wait3A_1552, %dma_wait3A_1553, %dma_wait3A_1554, %dma_wait3A_1555] : memref<2x2x64x128xf32, #tpu.memory_space<vmem>> -> memref<1x1x64x128xf32, #tpu.memory_space<vmem>>
      %dma_wait3A_1557 = tpu.memref_squeeze %dma_wait3A_1556 : memref<1x1x64x128xf32, #tpu.memory_space<vmem>> -> memref<64x128xf32, #tpu.memory_space<vmem>>
      %dma_wait3A_1558 = arith.constant 0 : i32
      %dma_wait3A_1559 = tpu.memref_slice %arg4[%dma_wait3A_1558, %multiple_of3A_1352] : memref<64x1000000xf32, #tpu.memory_space<hbm>> -> memref<64x128xf32, #tpu.memory_space<hbm>>
      %dma_wait3A_1560 = arith.constant 0 : i32
      %dma_wait3A_1561 = arith.constant 0 : i32
      %dma_wait3A_1562 = tpu.memref_slice %arg9[%dma_wait3A_1552, %dma_wait3A_1553, %dma_wait3A_1560, %dma_wait3A_1561] : memref<2x2x64x128xf32, #tpu.memory_space<vmem>> -> memref<1x1x64x128xf32, #tpu.memory_space<vmem>>
      %dma_wait3A_1563 = tpu.memref_squeeze %dma_wait3A_1562 : memref<1x1x64x128xf32, #tpu.memory_space<vmem>> -> memref<64x128xf32, #tpu.memory_space<vmem>>
      %dma_wait3A_1564 = arith.constant 0 : i32
      %dma_wait3A_1565 = tpu.memref_slice %arg4[%dma_wait3A_1564, %multiple_of3A_1352] : memref<64x1000000xf32, #tpu.memory_space<hbm>> -> memref<64x128xf32, #tpu.memory_space<hbm>>
      tpu.wait_dma2 semaphore(%arg14 : memref<!tpu.dma_semaphore, #tpu.memory_space<semaphore_mem>>) src(%dma_wait3A_1565 : memref<64x128xf32, #tpu.memory_space<hbm>>) dst(%dma_wait3A_1563 : memref<64x128xf32, #tpu.memory_space<vmem>>)
      %dma_wait3A_1566 = arith.constant 1 : i32
      %dma_wait3A_1567 = arith.constant 0 : i32
      %dma_wait3A_1568 = arith.constant 0 : i32
      %dma_wait3A_1569 = arith.constant 0 : i32
      %dma_wait3A_1570 = tpu.memref_slice %arg10[%dma_wait3A_1566, %dma_wait3A_1567, %dma_wait3A_1568, %dma_wait3A_1569] : memref<2x2x64x128xf32, #tpu.memory_space<vmem>> -> memref<1x1x64x128xf32, #tpu.memory_space<vmem>>
      %dma_wait3A_1571 = tpu.memref_squeeze %dma_wait3A_1570 : memref<1x1x64x128xf32, #tpu.memory_space<vmem>> -> memref<64x128xf32, #tpu.memory_space<vmem>>
      %dma_wait3A_1572 = arith.constant 0 : i32
      %dma_wait3A_1573 = tpu.memref_slice %arg5[%dma_wait3A_1572, %multiple_of3A_1355] : memref<64x1000000xf32, #tpu.memory_space<hbm>> -> memref<64x128xf32, #tpu.memory_space<hbm>>
      %dma_wait3A_1574 = arith.constant 0 : i32
      %dma_wait3A_1575 = arith.constant 0 : i32
      %dma_wait3A_1576 = tpu.memref_slice %arg10[%dma_wait3A_1566, %dma_wait3A_1567, %dma_wait3A_1574, %dma_wait3A_1575] : memref<2x2x64x128xf32, #tpu.memory_space<vmem>> -> memref<1x1x64x128xf32, #tpu.memory_space<vmem>>
      %dma_wait3A_1577 = tpu.memref_squeeze %dma_wait3A_1576 : memref<1x1x64x128xf32, #tpu.memory_space<vmem>> -> memref<64x128xf32, #tpu.memory_space<vmem>>
      %dma_wait3A_1578 = arith.constant 0 : i32
      %dma_wait3A_1579 = tpu.memref_slice %arg5[%dma_wait3A_1578, %multiple_of3A_1355] : memref<64x1000000xf32, #tpu.memory_space<hbm>> -> memref<64x128xf32, #tpu.memory_space<hbm>>
      tpu.wait_dma2 semaphore(%arg14 : memref<!tpu.dma_semaphore, #tpu.memory_space<semaphore_mem>>) src(%dma_wait3A_1579 : memref<64x128xf32, #tpu.memory_space<hbm>>) dst(%dma_wait3A_1577 : memref<64x128xf32, #tpu.memory_space<vmem>>)
      %dma_wait3A_1580 = arith.constant 1 : i32
      %dma_wait3A_1581 = arith.constant 1 : i32
      %dma_wait3A_1582 = arith.constant 0 : i32
      %dma_wait3A_1583 = arith.constant 0 : i32
      %dma_wait3A_1584 = tpu.memref_slice %arg9[%dma_wait3A_1580, %dma_wait3A_1581, %dma_wait3A_1582, %dma_wait3A_1583] : memref<2x2x64x128xf32, #tpu.memory_space<vmem>> -> memref<1x1x64x128xf32, #tpu.memory_space<vmem>>
      %dma_wait3A_1585 = tpu.memref_squeeze %dma_wait3A_1584 : memref<1x1x64x128xf32, #tpu.memory_space<vmem>> -> memref<64x128xf32, #tpu.memory_space<vmem>>
      %dma_wait3A_1586 = arith.constant 0 : i32
      %dma_wait3A_1587 = tpu.memref_slice %arg4[%dma_wait3A_1586, %multiple_of3A_1386] : memref<64x1000000xf32, #tpu.memory_space<hbm>> -> memref<64x128xf32, #tpu.memory_space<hbm>>
      %dma_wait3A_1588 = arith.constant 0 : i32
      %dma_wait3A_1589 = arith.constant 0 : i32
      %dma_wait3A_1590 = tpu.memref_slice %arg9[%dma_wait3A_1580, %dma_wait3A_1581, %dma_wait3A_1588, %dma_wait3A_1589] : memref<2x2x64x128xf32, #tpu.memory_space<vmem>> -> memref<1x1x64x128xf32, #tpu.memory_space<vmem>>
      %dma_wait3A_1591 = tpu.memref_squeeze %dma_wait3A_1590 : memref<1x1x64x128xf32, #tpu.memory_space<vmem>> -> memref<64x128xf32, #tpu.memory_space<vmem>>
      %dma_wait3A_1592 = arith.constant 0 : i32
      %dma_wait3A_1593 = tpu.memref_slice %arg4[%dma_wait3A_1592, %multiple_of3A_1386] : memref<64x1000000xf32, #tpu.memory_space<hbm>> -> memref<64x128xf32, #tpu.memory_space<hbm>>
      tpu.wait_dma2 semaphore(%arg14 : memref<!tpu.dma_semaphore, #tpu.memory_space<semaphore_mem>>) src(%dma_wait3A_1593 : memref<64x128xf32, #tpu.memory_space<hbm>>) dst(%dma_wait3A_1591 : memref<64x128xf32, #tpu.memory_space<vmem>>)
      %dma_wait3A_1594 = arith.constant 1 : i32
      %dma_wait3A_1595 = arith.constant 1 : i32
      %dma_wait3A_1596 = arith.constant 0 : i32
      %dma_wait3A_1597 = arith.constant 0 : i32
      %dma_wait3A_1598 = tpu.memref_slice %arg10[%dma_wait3A_1594, %dma_wait3A_1595, %dma_wait3A_1596, %dma_wait3A_1597] : memref<2x2x64x128xf32, #tpu.memory_space<vmem>> -> memref<1x1x64x128xf32, #tpu.memory_space<vmem>>
      %dma_wait3A_1599 = tpu.memref_squeeze %dma_wait3A_1598 : memref<1x1x64x128xf32, #tpu.memory_space<vmem>> -> memref<64x128xf32, #tpu.memory_space<vmem>>
      %dma_wait3A_1600 = arith.constant 0 : i32
      %dma_wait3A_1601 = tpu.memref_slice %arg5[%dma_wait3A_1600, %multiple_of3A_1389] : memref<64x1000000xf32, #tpu.memory_space<hbm>> -> memref<64x128xf32, #tpu.memory_space<hbm>>
      %dma_wait3A_1602 = arith.constant 0 : i32
      %dma_wait3A_1603 = arith.constant 0 : i32
      %dma_wait3A_1604 = tpu.memref_slice %arg10[%dma_wait3A_1594, %dma_wait3A_1595, %dma_wait3A_1602, %dma_wait3A_1603] : memref<2x2x64x128xf32, #tpu.memory_space<vmem>> -> memref<1x1x64x128xf32, #tpu.memory_space<vmem>>
      %dma_wait3A_1605 = tpu.memref_squeeze %dma_wait3A_1604 : memref<1x1x64x128xf32, #tpu.memory_space<vmem>> -> memref<64x128xf32, #tpu.memory_space<vmem>>
      %dma_wait3A_1606 = arith.constant 0 : i32
      %dma_wait3A_1607 = tpu.memref_slice %arg5[%dma_wait3A_1606, %multiple_of3A_1389] : memref<64x1000000xf32, #tpu.memory_space<hbm>> -> memref<64x128xf32, #tpu.memory_space<hbm>>
      tpu.wait_dma2 semaphore(%arg14 : memref<!tpu.dma_semaphore, #tpu.memory_space<semaphore_mem>>) src(%dma_wait3A_1607 : memref<64x128xf32, #tpu.memory_space<hbm>>) dst(%dma_wait3A_1605 : memref<64x128xf32, #tpu.memory_space<vmem>>)
      %slice3A_1608 = vector.extract_strided_slice %sub3A_76 {offsets = [14], sizes = [1], strides = [1]} : vector<16xi32> to vector<1xi32>
      %squeeze3A_1609 = vector.extract %slice3A_1608[0] : i32 from vector<1xi32>
      %broadcast_in_dim3A_1610 = vector.broadcast %squeeze3A_1609 : i32 to vector<16xi32>
      %slice3A_1611 = vector.extract_strided_slice %sub3A_77 {offsets = [14], sizes = [1], strides = [1]} : vector<16xi32> to vector<1xi32>
      %squeeze3A_1612 = vector.extract %slice3A_1611[0] : i32 from vector<1xi32>
      %broadcast_in_dim3A_1613 = vector.broadcast %squeeze3A_1612 : i32 to vector<16xi32>
      %broadcast_in_dim3A_1614 = arith.constant 0 : i32
      %broadcast_in_dim3A_1615 = vector.broadcast %broadcast_in_dim3A_1614 : i32 to vector<16xi32>
      %broadcast_in_dim3A_1616 = arith.constant 1 : i32
      %broadcast_in_dim3A_1617 = vector.broadcast %broadcast_in_dim3A_1616 : i32 to vector<16xi32>
      %add3A_1618 = arith.constant 0 : i32
      %add3A_1619 = vector.broadcast %add3A_1618 : i32 to vector<16xi32>
      %add3A_1620 = arith.addi %add3A_1619, %iota3A : vector<16xi32>
      %gather3A_1621 = tpu.vector_load_idx %arg9[%broadcast_in_dim3A_1617, %broadcast_in_dim3A_1615, %add3A_1620, %broadcast_in_dim3A_1610] : memref<2x2x64x128xf32, #tpu.memory_space<vmem>>[vector<16xi32>, vector<16xi32>, vector<16xi32>, vector<16xi32>], vector<16xf32>,
      %gather3A_1622 = tpu.vector_load_idx %arg10[%broadcast_in_dim3A_1617, %broadcast_in_dim3A_1615, %add3A_1620, %broadcast_in_dim3A_1613] : memref<2x2x64x128xf32, #tpu.memory_space<vmem>>[vector<16xi32>, vector<16xi32>, vector<16xi32>, vector<16xi32>], vector<16xf32>,
      %mul3A_1623 = arith.mulf %gather3A_1621, %gather3A_1622 : vector<16xf32>
      %add3A_1624 = arith.constant 16 : i32
      %add3A_1625 = vector.broadcast %add3A_1624 : i32 to vector<16xi32>
      %add3A_1626 = arith.addi %add3A_1625, %iota3A : vector<16xi32>
      %gather3A_1627 = tpu.vector_load_idx %arg9[%broadcast_in_dim3A_1617, %broadcast_in_dim3A_1615, %add3A_1626, %broadcast_in_dim3A_1610] : memref<2x2x64x128xf32, #tpu.memory_space<vmem>>[vector<16xi32>, vector<16xi32>, vector<16xi32>, vector<16xi32>], vector<16xf32>,
      %gather3A_1628 = tpu.vector_load_idx %arg10[%broadcast_in_dim3A_1617, %broadcast_in_dim3A_1615, %add3A_1626, %broadcast_in_dim3A_1613] : memref<2x2x64x128xf32, #tpu.memory_space<vmem>>[vector<16xi32>, vector<16xi32>, vector<16xi32>, vector<16xi32>], vector<16xf32>,
      %mul3A_1629 = arith.mulf %gather3A_1627, %gather3A_1628 : vector<16xf32>
      %add3A_1630 = arith.addf %mul3A_1623, %mul3A_1629 : vector<16xf32>
      %add3A_1631 = arith.constant 32 : i32
      %add3A_1632 = vector.broadcast %add3A_1631 : i32 to vector<16xi32>
      %add3A_1633 = arith.addi %add3A_1632, %iota3A : vector<16xi32>
      %gather3A_1634 = tpu.vector_load_idx %arg9[%broadcast_in_dim3A_1617, %broadcast_in_dim3A_1615, %add3A_1633, %broadcast_in_dim3A_1610] : memref<2x2x64x128xf32, #tpu.memory_space<vmem>>[vector<16xi32>, vector<16xi32>, vector<16xi32>, vector<16xi32>], vector<16xf32>,
      %gather3A_1635 = tpu.vector_load_idx %arg10[%broadcast_in_dim3A_1617, %broadcast_in_dim3A_1615, %add3A_1633, %broadcast_in_dim3A_1613] : memref<2x2x64x128xf32, #tpu.memory_space<vmem>>[vector<16xi32>, vector<16xi32>, vector<16xi32>, vector<16xi32>], vector<16xf32>,
      %mul3A_1636 = arith.mulf %gather3A_1634, %gather3A_1635 : vector<16xf32>
      %add3A_1637 = arith.addf %add3A_1630, %mul3A_1636 : vector<16xf32>
      %add3A_1638 = arith.constant 48 : i32
      %add3A_1639 = vector.broadcast %add3A_1638 : i32 to vector<16xi32>
      %add3A_1640 = arith.addi %add3A_1639, %iota3A : vector<16xi32>
      %gather3A_1641 = tpu.vector_load_idx %arg9[%broadcast_in_dim3A_1617, %broadcast_in_dim3A_1615, %add3A_1640, %broadcast_in_dim3A_1610] : memref<2x2x64x128xf32, #tpu.memory_space<vmem>>[vector<16xi32>, vector<16xi32>, vector<16xi32>, vector<16xi32>], vector<16xf32>,
      %gather3A_1642 = tpu.vector_load_idx %arg10[%broadcast_in_dim3A_1617, %broadcast_in_dim3A_1615, %add3A_1640, %broadcast_in_dim3A_1613] : memref<2x2x64x128xf32, #tpu.memory_space<vmem>>[vector<16xi32>, vector<16xi32>, vector<16xi32>, vector<16xi32>], vector<16xf32>,
      %mul3A_1643 = arith.mulf %gather3A_1641, %gather3A_1642 : vector<16xf32>
      %add3A_1644 = arith.addf %add3A_1637, %mul3A_1643 : vector<16xf32>
      %swap3A_1645 = arith.constant 224 : index
      %swap3A_1646 = tpu.vector_load %arg12[%swap3A_1645] {strides = array<i32>} : memref<256xf32, #tpu.memory_space<vmem>>, vector<16xf32>,
      tpu.vector_store %arg12[%swap3A_1645], %add3A_1644 {strides = array<i32>} : memref<256xf32, #tpu.memory_space<vmem>>, vector<16xf32>,
      %slice3A_1647 = vector.extract_strided_slice %sub3A_76 {offsets = [15], sizes = [1], strides = [1]} : vector<16xi32> to vector<1xi32>
      %squeeze3A_1648 = vector.extract %slice3A_1647[0] : i32 from vector<1xi32>
      %broadcast_in_dim3A_1649 = vector.broadcast %squeeze3A_1648 : i32 to vector<16xi32>
      %slice3A_1650 = vector.extract_strided_slice %sub3A_77 {offsets = [15], sizes = [1], strides = [1]} : vector<16xi32> to vector<1xi32>
      %squeeze3A_1651 = vector.extract %slice3A_1650[0] : i32 from vector<1xi32>
      %broadcast_in_dim3A_1652 = vector.broadcast %squeeze3A_1651 : i32 to vector<16xi32>
      %broadcast_in_dim3A_1653 = arith.constant 1 : i32
      %broadcast_in_dim3A_1654 = vector.broadcast %broadcast_in_dim3A_1653 : i32 to vector<16xi32>
      %broadcast_in_dim3A_1655 = arith.constant 1 : i32
      %broadcast_in_dim3A_1656 = vector.broadcast %broadcast_in_dim3A_1655 : i32 to vector<16xi32>
      %add3A_1657 = arith.constant 0 : i32
      %add3A_1658 = vector.broadcast %add3A_1657 : i32 to vector<16xi32>
      %add3A_1659 = arith.addi %add3A_1658, %iota3A : vector<16xi32>
      %gather3A_1660 = tpu.vector_load_idx %arg9[%broadcast_in_dim3A_1656, %broadcast_in_dim3A_1654, %add3A_1659, %broadcast_in_dim3A_1649] : memref<2x2x64x128xf32, #tpu.memory_space<vmem>>[vector<16xi32>, vector<16xi32>, vector<16xi32>, vector<16xi32>], vector<16xf32>,
      %gather3A_1661 = tpu.vector_load_idx %arg10[%broadcast_in_dim3A_1656, %broadcast_in_dim3A_1654, %add3A_1659, %broadcast_in_dim3A_1652] : memref<2x2x64x128xf32, #tpu.memory_space<vmem>>[vector<16xi32>, vector<16xi32>, vector<16xi32>, vector<16xi32>], vector<16xf32>,
      %mul3A_1662 = arith.mulf %gather3A_1660, %gather3A_1661 : vector<16xf32>
      %add3A_1663 = arith.constant 16 : i32
      %add3A_1664 = vector.broadcast %add3A_1663 : i32 to vector<16xi32>
      %add3A_1665 = arith.addi %add3A_1664, %iota3A : vector<16xi32>
      %gather3A_1666 = tpu.vector_load_idx %arg9[%broadcast_in_dim3A_1656, %broadcast_in_dim3A_1654, %add3A_1665, %broadcast_in_dim3A_1649] : memref<2x2x64x128xf32, #tpu.memory_space<vmem>>[vector<16xi32>, vector<16xi32>, vector<16xi32>, vector<16xi32>], vector<16xf32>,
      %gather3A_1667 = tpu.vector_load_idx %arg10[%broadcast_in_dim3A_1656, %broadcast_in_dim3A_1654, %add3A_1665, %broadcast_in_dim3A_1652] : memref<2x2x64x128xf32, #tpu.memory_space<vmem>>[vector<16xi32>, vector<16xi32>, vector<16xi32>, vector<16xi32>], vector<16xf32>,
      %mul3A_1668 = arith.mulf %gather3A_1666, %gather3A_1667 : vector<16xf32>
      %add3A_1669 = arith.addf %mul3A_1662, %mul3A_1668 : vector<16xf32>
      %add3A_1670 = arith.constant 32 : i32
      %add3A_1671 = vector.broadcast %add3A_1670 : i32 to vector<16xi32>
      %add3A_1672 = arith.addi %add3A_1671, %iota3A : vector<16xi32>
      %gather3A_1673 = tpu.vector_load_idx %arg9[%broadcast_in_dim3A_1656, %broadcast_in_dim3A_1654, %add3A_1672, %broadcast_in_dim3A_1649] : memref<2x2x64x128xf32, #tpu.memory_space<vmem>>[vector<16xi32>, vector<16xi32>, vector<16xi32>, vector<16xi32>], vector<16xf32>,
      %gather3A_1674 = tpu.vector_load_idx %arg10[%broadcast_in_dim3A_1656, %broadcast_in_dim3A_1654, %add3A_1672, %broadcast_in_dim3A_1652] : memref<2x2x64x128xf32, #tpu.memory_space<vmem>>[vector<16xi32>, vector<16xi32>, vector<16xi32>, vector<16xi32>], vector<16xf32>,
      %mul3A_1675 = arith.mulf %gather3A_1673, %gather3A_1674 : vector<16xf32>
      %add3A_1676 = arith.addf %add3A_1669, %mul3A_1675 : vector<16xf32>
      %add3A_1677 = arith.constant 48 : i32
      %add3A_1678 = vector.broadcast %add3A_1677 : i32 to vector<16xi32>
      %add3A_1679 = arith.addi %add3A_1678, %iota3A : vector<16xi32>
      %gather3A_1680 = tpu.vector_load_idx %arg9[%broadcast_in_dim3A_1656, %broadcast_in_dim3A_1654, %add3A_1679, %broadcast_in_dim3A_1649] : memref<2x2x64x128xf32, #tpu.memory_space<vmem>>[vector<16xi32>, vector<16xi32>, vector<16xi32>, vector<16xi32>], vector<16xf32>,
      %gather3A_1681 = tpu.vector_load_idx %arg10[%broadcast_in_dim3A_1656, %broadcast_in_dim3A_1654, %add3A_1679, %broadcast_in_dim3A_1652] : memref<2x2x64x128xf32, #tpu.memory_space<vmem>>[vector<16xi32>, vector<16xi32>, vector<16xi32>, vector<16xi32>], vector<16xf32>,
      %mul3A_1682 = arith.mulf %gather3A_1680, %gather3A_1681 : vector<16xf32>
      %add3A_1683 = arith.addf %add3A_1676, %mul3A_1682 : vector<16xf32>
      %swap3A_1684 = arith.constant 240 : index
      %swap3A_1685 = tpu.vector_load %arg12[%swap3A_1684] {strides = array<i32>} : memref<256xf32, #tpu.memory_space<vmem>>, vector<16xf32>,
      tpu.vector_store %arg12[%swap3A_1684], %add3A_1683 {strides = array<i32>} : memref<256xf32, #tpu.memory_space<vmem>>, vector<16xf32>,
      %mul3A_1686 = arith.constant 16 : i32
      %mul3A_1687 = vector.broadcast %mul3A_1686 : i32 to vector<16xi32>
      %mul3A_1688 = arith.muli %iota3A, %mul3A_1687 : vector<16xi32>
      %broadcast_in_dim3A_1689 = arith.constant 0.000000e+00 : f32
      %broadcast_in_dim3A_1690 = vector.broadcast %broadcast_in_dim3A_1689 : f32 to vector<16xf32>
      %add3A_1691 = arith.constant 0 : i32
      %add3A_1692 = vector.broadcast %add3A_1691 : i32 to vector<16xi32>
      %add3A_1693 = arith.addi %mul3A_1688, %add3A_1692 : vector<16xi32>
      %gather3A_1694 = tpu.vector_load_idx %arg12[%add3A_1693] : memref<256xf32, #tpu.memory_space<vmem>>[vector<16xi32>], vector<16xf32>,
      %add3A_1695 = arith.addf %broadcast_in_dim3A_1690, %gather3A_1694 : vector<16xf32>
      %add3A_1696 = arith.constant 1 : i32
      %add3A_1697 = vector.broadcast %add3A_1696 : i32 to vector<16xi32>
      %add3A_1698 = arith.addi %mul3A_1688, %add3A_1697 : vector<16xi32>
      %gather3A_1699 = tpu.vector_load_idx %arg12[%add3A_1698] : memref<256xf32, #tpu.memory_space<vmem>>[vector<16xi32>], vector<16xf32>,
      %add3A_1700 = arith.addf %add3A_1695, %gather3A_1699 : vector<16xf32>
      %add3A_1701 = arith.constant 2 : i32
      %add3A_1702 = vector.broadcast %add3A_1701 : i32 to vector<16xi32>
      %add3A_1703 = arith.addi %mul3A_1688, %add3A_1702 : vector<16xi32>
      %gather3A_1704 = tpu.vector_load_idx %arg12[%add3A_1703] : memref<256xf32, #tpu.memory_space<vmem>>[vector<16xi32>], vector<16xf32>,
      %add3A_1705 = arith.addf %add3A_1700, %gather3A_1704 : vector<16xf32>
      %add3A_1706 = arith.constant 3 : i32
      %add3A_1707 = vector.broadcast %add3A_1706 : i32 to vector<16xi32>
      %add3A_1708 = arith.addi %mul3A_1688, %add3A_1707 : vector<16xi32>
      %gather3A_1709 = tpu.vector_load_idx %arg12[%add3A_1708] : memref<256xf32, #tpu.memory_space<vmem>>[vector<16xi32>], vector<16xf32>,
      %add3A_1710 = arith.addf %add3A_1705, %gather3A_1709 : vector<16xf32>
      %add3A_1711 = arith.constant 4 : i32
      %add3A_1712 = vector.broadcast %add3A_1711 : i32 to vector<16xi32>
      %add3A_1713 = arith.addi %mul3A_1688, %add3A_1712 : vector<16xi32>
      %gather3A_1714 = tpu.vector_load_idx %arg12[%add3A_1713] : memref<256xf32, #tpu.memory_space<vmem>>[vector<16xi32>], vector<16xf32>,
      %add3A_1715 = arith.addf %add3A_1710, %gather3A_1714 : vector<16xf32>
      %add3A_1716 = arith.constant 5 : i32
      %add3A_1717 = vector.broadcast %add3A_1716 : i32 to vector<16xi32>
      %add3A_1718 = arith.addi %mul3A_1688, %add3A_1717 : vector<16xi32>
      %gather3A_1719 = tpu.vector_load_idx %arg12[%add3A_1718] : memref<256xf32, #tpu.memory_space<vmem>>[vector<16xi32>], vector<16xf32>,
      %add3A_1720 = arith.addf %add3A_1715, %gather3A_1719 : vector<16xf32>
      %add3A_1721 = arith.constant 6 : i32
      %add3A_1722 = vector.broadcast %add3A_1721 : i32 to vector<16xi32>
      %add3A_1723 = arith.addi %mul3A_1688, %add3A_1722 : vector<16xi32>
      %gather3A_1724 = tpu.vector_load_idx %arg12[%add3A_1723] : memref<256xf32, #tpu.memory_space<vmem>>[vector<16xi32>], vector<16xf32>,
      %add3A_1725 = arith.addf %add3A_1720, %gather3A_1724 : vector<16xf32>
      %add3A_1726 = arith.constant 7 : i32
      %add3A_1727 = vector.broadcast %add3A_1726 : i32 to vector<16xi32>
      %add3A_1728 = arith.addi %mul3A_1688, %add3A_1727 : vector<16xi32>
      %gather3A_1729 = tpu.vector_load_idx %arg12[%add3A_1728] : memref<256xf32, #tpu.memory_space<vmem>>[vector<16xi32>], vector<16xf32>,
      %add3A_1730 = arith.addf %add3A_1725, %gather3A_1729 : vector<16xf32>
      %add3A_1731 = arith.constant 8 : i32
      %add3A_1732 = vector.broadcast %add3A_1731 : i32 to vector<16xi32>
      %add3A_1733 = arith.addi %mul3A_1688, %add3A_1732 : vector<16xi32>
      %gather3A_1734 = tpu.vector_load_idx %arg12[%add3A_1733] : memref<256xf32, #tpu.memory_space<vmem>>[vector<16xi32>], vector<16xf32>,
      %add3A_1735 = arith.addf %add3A_1730, %gather3A_1734 : vector<16xf32>
      %add3A_1736 = arith.constant 9 : i32
      %add3A_1737 = vector.broadcast %add3A_1736 : i32 to vector<16xi32>
      %add3A_1738 = arith.addi %mul3A_1688, %add3A_1737 : vector<16xi32>
      %gather3A_1739 = tpu.vector_load_idx %arg12[%add3A_1738] : memref<256xf32, #tpu.memory_space<vmem>>[vector<16xi32>], vector<16xf32>,
      %add3A_1740 = arith.addf %add3A_1735, %gather3A_1739 : vector<16xf32>
      %add3A_1741 = arith.constant 10 : i32
      %add3A_1742 = vector.broadcast %add3A_1741 : i32 to vector<16xi32>
      %add3A_1743 = arith.addi %mul3A_1688, %add3A_1742 : vector<16xi32>
      %gather3A_1744 = tpu.vector_load_idx %arg12[%add3A_1743] : memref<256xf32, #tpu.memory_space<vmem>>[vector<16xi32>], vector<16xf32>,
      %add3A_1745 = arith.addf %add3A_1740, %gather3A_1744 : vector<16xf32>
      %add3A_1746 = arith.constant 11 : i32
      %add3A_1747 = vector.broadcast %add3A_1746 : i32 to vector<16xi32>
      %add3A_1748 = arith.addi %mul3A_1688, %add3A_1747 : vector<16xi32>
      %gather3A_1749 = tpu.vector_load_idx %arg12[%add3A_1748] : memref<256xf32, #tpu.memory_space<vmem>>[vector<16xi32>], vector<16xf32>,
      %add3A_1750 = arith.addf %add3A_1745, %gather3A_1749 : vector<16xf32>
      %add3A_1751 = arith.constant 12 : i32
      %add3A_1752 = vector.broadcast %add3A_1751 : i32 to vector<16xi32>
      %add3A_1753 = arith.addi %mul3A_1688, %add3A_1752 : vector<16xi32>
      %gather3A_1754 = tpu.vector_load_idx %arg12[%add3A_1753] : memref<256xf32, #tpu.memory_space<vmem>>[vector<16xi32>], vector<16xf32>,
      %add3A_1755 = arith.addf %add3A_1750, %gather3A_1754 : vector<16xf32>
      %add3A_1756 = arith.constant 13 : i32
      %add3A_1757 = vector.broadcast %add3A_1756 : i32 to vector<16xi32>
      %add3A_1758 = arith.addi %mul3A_1688, %add3A_1757 : vector<16xi32>
      %gather3A_1759 = tpu.vector_load_idx %arg12[%add3A_1758] : memref<256xf32, #tpu.memory_space<vmem>>[vector<16xi32>], vector<16xf32>,
      %add3A_1760 = arith.addf %add3A_1755, %gather3A_1759 : vector<16xf32>
      %add3A_1761 = arith.constant 14 : i32
      %add3A_1762 = vector.broadcast %add3A_1761 : i32 to vector<16xi32>
      %add3A_1763 = arith.addi %mul3A_1688, %add3A_1762 : vector<16xi32>
      %gather3A_1764 = tpu.vector_load_idx %arg12[%add3A_1763] : memref<256xf32, #tpu.memory_space<vmem>>[vector<16xi32>], vector<16xf32>,
      %add3A_1765 = arith.addf %add3A_1760, %gather3A_1764 : vector<16xf32>
      %add3A_1766 = arith.constant 15 : i32
      %add3A_1767 = vector.broadcast %add3A_1766 : i32 to vector<16xi32>
      %add3A_1768 = arith.addi %mul3A_1688, %add3A_1767 : vector<16xi32>
      %gather3A_1769 = tpu.vector_load_idx %arg12[%add3A_1768] : memref<256xf32, #tpu.memory_space<vmem>>[vector<16xi32>], vector<16xf32>,
      %add3A_1770 = arith.addf %add3A_1765, %gather3A_1769 : vector<16xf32>
      %mul3A_1771 = arith.constant 16 : i32
      %mul3A_1772 = arith.muli %scan3A_8, %mul3A_1771 : i32
      %swap3A_1773 = arith.index_cast %mul3A_1772 : i32 to index
      %swap3A_1774 = tpu.vector_load %arg11[%swap3A_1773] {strides = array<i32>} : memref<512xf32, #tpu.memory_space<vmem>>, vector<16xf32>,
      tpu.vector_store %arg11[%swap3A_1773], %add3A_1770 {strides = array<i32>} : memref<512xf32, #tpu.memory_space<vmem>>, vector<16xf32>,
    }
    %scan3A_7 = arith.constant 32 : i32
    "tpu.region"() ({
      %run_scoped3A = tpu.sem_alloc : memref<!tpu.dma_semaphore, #tpu.memory_space<semaphore_mem>>
      %dma_start3A = tpu.memref_slice %arg6[%mul3A_2] : memref<16384xf32, #tpu.memory_space<hbm>> -> memref<512xf32, #tpu.memory_space<hbm>>
      %dma_start3A_8 = tpu.memref_slice %arg6[%mul3A_2] : memref<16384xf32, #tpu.memory_space<hbm>> -> memref<512xf32, #tpu.memory_space<hbm>>
      tpu.enqueue_dma source(%arg11 : memref<512xf32, #tpu.memory_space<vmem>>) target(%dma_start3A_8 : memref<512xf32, #tpu.memory_space<hbm>>) target_semaphore(%run_scoped3A : memref<!tpu.dma_semaphore, #tpu.memory_space<semaphore_mem>>)
      %dma_wait3A = tpu.memref_slice %arg6[%mul3A_2] : memref<16384xf32, #tpu.memory_space<hbm>> -> memref<512xf32, #tpu.memory_space<hbm>>
      %dma_wait3A_9 = tpu.memref_slice %arg6[%mul3A_2] : memref<16384xf32, #tpu.memory_space<hbm>> -> memref<512xf32, #tpu.memory_space<hbm>>
      tpu.wait_dma2 semaphore(%run_scoped3A : memref<!tpu.dma_semaphore, #tpu.memory_space<semaphore_mem>>) src(%arg11 : memref<512xf32, #tpu.memory_space<vmem>>) dst(%dma_wait3A_9 : memref<512xf32, #tpu.memory_space<hbm>>)
      tpu.yield
    }) : () -> ()
    return
  }
}

</mosaic_0001>

<sc_bundles>
// kernel: kernel.3.cloned.1.call-start
scs
__scs_entry_jumppad:
0x0: {  	(pc) =	sbr.rel $0x88, $3  }
0x1: {  	(tag) =	ssettag $0x0;
	lr =	simm.s32 $0x1  }
0x2: {  	[smem:$0x3F9D] =	sst lr;
	_ =	strace $0xD0000000  }
0x3: {  	_ = 	snop  }
0x4: {  	_ = 	snop  }
0x5: {  	_ = 	snop  }
0x6: {  	_ = 	snop  }
0x7: {  	_ = 	snop  }
__scs_overlays_trampoline_lowered:
0x8: {  	[smem:$0x3FAC] =	sst s0  }
0x9: {  	[smem:$0x3FAD] =	sst s1  }
0xa: {  	[smem:$0x3FAE] =	sst s2  }
0xb: {  	[smem:$0x3FAF] =	sst s3  }
0xc: {  	[smem:$0x3FB0] =	sst s4  }
0xd: {  	[smem:$0x3FB1] =	sst s5  }
0xe: {  	[smem:$0x3FB2] =	sst s6  }
0xf: {  	[smem:$0x3FB3] =	sst s7  }
0x10: {  	[smem:$0x3FB4] =	sst s8  }
0x11: {  	[smem:$0x3FB5] =	sst s9;
	s0 =	simm.s32 @!p0 $0x0  }
0x12: {  	s1 =	sld [smem:$0x3F9B];
	s0 =	simm.s32 @p0 $0x1  }
0x13: {  	[smem:$0x3FB6] =	sst s0;
	s0 =	simm.s32 @!p1 $0x0  }
0x14: {  	s2 =	sld [smem:$0x3F9A];
	s0 =	simm.s32 @p1 $0x1  }
0x15: {  	[smem:$0x3FB7] =	sst s0;
	s0 =	simm.s32 @!p2 $0x0  }
0x16: {  	s3 =	sld [smem:$0x3FDB];
	s0 =	simm.s32 @p2 $0x1  }
0x17: {  	s4 =	simm.s32 $0x1BF5;
	[smem:$0x3FB9] =	sst s0  }
0x18: {  	s0 =	sld [smem:$0x3F9C];
	_ =	swait.ge [sflag:s4], $0x0  }
0x19: {  	s7 =	sld [smem:$0x3F9D]  }
0x1a: {  	s8 =	sadd.s32 $0xFFFFE003, lr  }
0x1b: {  	s9 =	sadd.s32 $0xFFFFFEF7, lr;
	s5 =	simm.s32 $0xFFFFFFFF;
	p2 =	slt.u32 s8, $0xFFFFF086  }
0x1c: {  	p1 =	slt.u32 s9, $0xF7A;
	s5 =	simm.s32 @!p2 $0x0  }
0x1d: {  	s5 =	simm.s32 @p1 $0x1;
	p0 =	seq.s32 s7, s2  }
0x1e: {  	s7 =	smul.u32 @!p0 $0xF7A, s2;
	p2 =	seq.s32 @!p0 s5, $0x0  }
0x1f: {  	s9 =	smul.u32 $0xF7A, s1;
	s8 =	simm.s32 @!p0 $0x1BF5;
	p2 =	por !p2, p0  }
0x20: {  	[sflag:s8] =	ssyncset.s32 @!p0 $0xFFFFF086;
	s6 =	sadd.s32 @!p0 s3, s7;
	s7 =	simm.s32 @!p0 $0x108  }
0x21: {  	s3 =	sadd.s32 s3, s9;
	s6 =	sadd.s32 @!p0 $0x88, s6;
	s7 =	simm.s32 @p2 $0x1082  }
0x22: {  	[simem:s7], [sflag:s8] =	dma.local @!p0 [hbm:s6], $0xF7A  }
0x23: {  	s9 =	sor.u32 $0xD0000000, s2;
	s6 =	simm.s32 $0x108;
	_ =	swait.ge @!p0 [sflag:s8], $0x0  }
0x24: {  	s3 =	sadd.s32 $0x88, s3;
	s6 =	simm.s32 @!p1 $0x1082;
	[sflag:s4] =	ssyncset.s32 $0xFFFFF086  }
0x25: {  	[simem:s6], [sflag:s4] =	dma.local [hbm:s3], $0xF7A  }
0x26: {  	[smem:$0x3F9D] =	sst s1;
	(tag) =	ssettag s2;
	_ =	strace s9  }
0x27: {  	s1 =	sld [smem:$0x3FAD]  }
0x28: {  	s2 =	sld [smem:$0x3FAE]  }
0x29: {  	s4 =	sld [smem:$0x3FB0]  }
0x2a: {  	p0 =	seq.s32 s5, $0x0;
	s5 =	sld [smem:$0x3FB1]  }
0x2b: {  	s6 =	sld [smem:$0x3FB2]  }
0x2c: {  	s7 =	sld [smem:$0x3FB3]  }
0x2d: {  	s3 =	simm.s32 $0x108;
	s8 =	sld [smem:$0x3FB4]  }
0x2e: {  	s3 =	simm.s32 @!p0 $0x1082;
	s9 =	sld [smem:$0x3FB5]  }
0x2f: {  	lr =	sadd.s32 s0, s3;
	s0 =	sld [smem:$0x3FAC]  }
0x30: {  	s3 =	sld [smem:$0x3FAF]  }
0x31: {  	[smem:$0x3FB8] =	sst s10  }
0x32: {  	s10 =	sld [smem:$0x3FB6];
	_ =	sdelay $0x3  }
0x33: {  	p0 =	seq.s32 s10, $0x1;
	s10 =	sld [smem:$0x3FB8];
	_ =	sdelay $0x3  }
0x34: {  	[smem:$0x3FB8] =	sst s10  }
0x35: {  	s10 =	sld [smem:$0x3FB7];
	_ =	sdelay $0x3  }
0x36: {  	p1 =	seq.s32 s10, $0x1;
	s10 =	sld [smem:$0x3FB8];
	_ =	sdelay $0x3  }
0x37: {  	[smem:$0x3FB8] =	sst s10  }
0x38: {  	s10 =	sld [smem:$0x3FB9]  }
0x39: {  	_ = 	snop;
	(pc) =	sbr.ind lr, $3  }
0x3a: {  	_ = 	snop  }
0x3b: {  	_ = 	snop  }
0x3c: {  	p2 =	seq.s32 s10, $0x1;
	s10 =	sld [smem:$0x3FB8]  }
0x3d: {  	_ =	shalt  }
0x3e: {  	_ =	shalt  }
0x3f: {  	_ =	shalt  }
0x40: {  	_ =	shalt  }
0x41: {  	_ =	shalt  }
0x42: {  	_ =	shalt  }
0x43: {  	_ =	shalt  }
0x44: {  	_ =	shalt  }
0x45: {  	_ =	shalt  }
0x46: {  	_ =	shalt  }
0x47: {  	_ =	shalt  }
0x48: {  	_ =	shalt  }
0x49: {  	_ =	shalt  }
0x4a: {  	_ =	shalt  }
0x4b: {  	_ =	shalt  }
0x4c: {  	_ =	shalt  }
0x4d: {  	_ =	shalt  }
0x4e: {  	_ =	shalt  }
0x4f: {  	_ =	shalt  }
0x50: {  	_ =	shalt  }
0x51: {  	_ =	shalt  }
0x52: {  	_ =	shalt  }
0x53: {  	_ =	shalt  }
0x54: {  	_ =	shalt  }
0x55: {  	_ =	shalt  }
0x56: {  	_ =	shalt  }
0x57: {  	_ =	shalt  }
0x58: {  	_ =	shalt  }
0x59: {  	_ =	shalt  }
0x5a: {  	_ =	shalt  }
0x5b: {  	_ =	shalt  }
0x5c: {  	_ =	shalt  }
0x5d: {  	_ =	shalt  }
0x5e: {  	_ =	shalt  }
0x5f: {  	_ =	shalt  }
0x60: {  	_ =	shalt  }
0x61: {  	_ =	shalt  }
0x62: {  	_ =	shalt  }
0x63: {  	_ =	shalt  }
0x64: {  	_ =	shalt  }
0x65: {  	_ =	shalt  }
0x66: {  	_ =	shalt  }
0x67: {  	_ =	shalt  }
0x68: {  	_ =	shalt  }
0x69: {  	_ =	shalt  }
0x6a: {  	_ =	shalt  }
0x6b: {  	_ =	shalt  }
0x6c: {  	_ =	shalt  }
0x6d: {  	_ =	shalt  }
0x6e: {  	_ =	shalt  }
0x6f: {  	_ =	shalt  }
0x70: {  	_ =	shalt  }
0x71: {  	_ =	shalt  }
0x72: {  	_ =	shalt  }
0x73: {  	_ =	shalt  }
0x74: {  	_ =	shalt  }
0x75: {  	_ =	shalt  }
0x76: {  	_ =	shalt  }
0x77: {  	_ =	shalt  }
0x78: {  	_ =	shalt  }
0x79: {  	_ =	shalt  }
0x7a: {  	_ =	shalt  }
0x7b: {  	_ =	shalt  }
0x7c: {  	_ =	shalt  }
0x7d: {  	_ =	shalt  }
0x7e: {  	_ =	shalt  }
0x7f: {  	_ =	shalt  }
0x80: {  	_ =	shalt  }
0x81: {  	_ =	shalt  }
0x82: {  	_ =	shalt  }
0x83: {  	_ =	shalt  }
0x84: {  	_ =	shalt  }
0x85: {  	_ =	shalt  }
0x86: {  	_ =	shalt  }
0x87: {  	_ =	shalt  }
.Lfunc_end0:
.L_simem_size_0:
called_computation_lowered:
.L_overlay_start_0:
0x88: {  	s2 =	sld [smem:$0x3FD9]  }
0x89: {  	s3 =	sld [smem:$0x3FFE];
	_ =	sdelay $0x1  }
0x8a: {  	s1 =	srdreg.scid  }
0x8b: {  	s0 =	sand.u32 $0x1, s1  }
0x8c: {  	s18 =	sshll.u32 s0, $0xA;
	s2 =	sadd.s32 s3, s2  }
0x8d: {  	s2 =	sadd.s32 s2, s18  }
0x8e: {  	[smem:$0x3FC4] =	sst s2  }
0x8f: {  	_ = 	snop  }
0x90: {  	s2 =	sld [smem:$0x3FC9]  }
0x91: {  	s19 =	sld [smem:$0x3FC8]  }
0x92: {  	s4 =	sld [smem:$0x3FC7]  }
0x93: {  	s5 =	sld [smem:$0x3FC6]  }
0x94: {  	s6 =	sld [smem:$0x3FD0];
	(tm) =	ssettm $0x1  }
0x95: {  	s7 =	sld [smem:$0x3FFB];
	_ =	sdelay $0x3  }
0x96: {  	_ =	strace s7  }
0x97: {  	s7 =	sld [smem:$0x3FFC];
	_ =	sdelay $0x3  }
0x98: {  	_ =	strace s7  }
0x99: {  	s7 =	sld [smem:$0x3FFD];
	_ =	sdelay $0x3  }
0x9a: {  	_ =	strace s7  }
0x9b: {  	_ =	strace $0x8FFFFFFF  }
0x9c: {  	s20 =	sld [smem:$0x3FDB];
	_ =	sdelay $0x1  }
0x9d: {  	s8 =	simm.s32 $_scs_section_size  }
0x9e: {  	s9 =	simm.s32 $_size__tile_overlayer_lowered;
	s10 =	simm.s32 $_tile_overlayer_lowered  }
0x9f: {  	s23 =	simm.s32 $0x1BFF;
	s22 =	sshll.u32 s10, $0x1;
	s7 =	sadd.s32 s8, s20  }
0xa0: {  	s11 =	simm.s32 $0x0;
	s21 =	sshll.u32 s9, $0x1;
	s9 =	sadd.s32 s22, s7  }
0xa1: {  	[timem:s11], [sflag:s23] =	dma.local [hbm:s9], s21  }
0xa2: {  	_ =	swait.ge [sflag:s23], s21  }
0xa3: {  	s8 =	ssub.s32 $0x0, s21;
	[sflag:s23] =	ssyncset.done $0x0  }
0xa4: {  	[sflag:s23] =	ssyncadd.s32 s8;
	_ =	sdelay $0x1  }
0xa5: {  	s24 =	simm.s32 $0x1B8B  }
0xa6: {  	_ =	swait.ge [sflag:s24], $0x1  }
0xa7: {  	[sflag:s24] =	ssyncset.done $0x0  }
0xa8: {  	s25 =	simm.s32 $0x1B8E;
	[sflag:s24] =	ssyncadd.s32 $0xFFFFFFFF  }
0xa9: {  	s26 =	simm.s32 $execute0_lowered;
	[smem:$0x3FD2] =	sst s25  }
0xaa: {  	s8 =	sshll.u32 s26, $0x1;
	_ =	strace $0x80000046;
	[dreg:$0x1] =	wrdreg $0xFFFFFFFF  }
0xab: {  	s28 =	simm.s32 $_size_execute0_lowered;
	s7 =	sadd.s32 s7, s8;
	[dreg:$0x0] =	wrdreg $0x0  }
0xac: {  	s8 =	sshll.u32 s28, $0x1;
	[dreg:$0x2] =	wrdreg s7  }
0xad: {  	[dreg:$0x3] =	wrdreg s8  }
0xae: {  	[dreg:$0x4] =	wrdreg $0xC0  }
0xaf: {  	_ =	task [dreg:s11], $0x5FFFF  }
0xb0: {  	[dreg:$0x1] =	wrdreg $0xFFFFFFFF  }
0xb1: {  	[dreg:$0x0] =	wrdreg $0x60  }
0xb2: {  	[dreg:$0x2] =	wrdreg s2  }
0xb3: {  	[dreg:$0x3] =	wrdreg s19  }
0xb4: {  	[dreg:$0x4] =	wrdreg s4  }
0xb5: {  	[dreg:$0x5] =	wrdreg s5  }
0xb6: {  	[dreg:$0x6] =	wrdreg s6  }
0xb7: {  	[dreg:$0x7] =	wrdreg $0x9  }
0xb8: {  	_ =	task.clear_ibuf [dreg:s11], $0x8FFFF;
	_ =	strace $0x90000046  }
0xb9: {  	s29 =	simm.s32 $0x9;
	_ =	strace $0x80000048  }
0xba: {  	_ =	swait.ge [sflag:s29], $0x1  }
0xbb: {  	[sflag:s29] =	ssyncadd.s32 $0xFFFFFFFF  }
0xbc: {  	_ =	strace $0x90000048  }
0xbd: {  	_ =	sfence  }
0xbe: {  	s30 =	sld [smem:$0x0];
	_ =	sdelay $0x2  }
0xbf: {  	s31 =	sshll.u32 s1, $0xD;
	s1 =	sshrl.u32 s1, $0x2  }
0xc0: {  	s3 =	sand.u32 $0x4000, s31;
	s1 =	sadd.s32 s1, s30  }
0xc1: {  	s0 =	sor.u32 s3, s0;
	s1 =	sshll.u32 s1, $0x11  }
0xc2: {  	s0 =	sor.u32 s1, s0  }
0xc3: {  	s0 =	sadd.s32 $0x8F2B, s0  }
0xc4: {  	[sflag:s0] =	ssyncadd.remote.s32 $0x1  }
0xc5: {  	_ =	sfence.sel $0xFFFF  }
0xc6: {  	[dreg:$0x0] =	wrdreg $0xFFFFFFFF;
	(pc) =	sbr.abs _section_cstart, $3  }
0xc7: {  	[dreg:$0x1] =	wrdreg $0xFFFFFFFF  }
0xc8: {  	_ =	task.clear_ibuf [dreg:s11], $0x2FFFF;
	_ =	strace $0x9FFFFFFF  }
0xc9: {  	(tm) =	ssettm $0x7FFFFFFF  }
tec
execute0_lowered:
.L_overlay_start_1:
0x0: {  	(tag) =	ssettag $0x1  }
0x1: {  	s3 =	rddreg [dreg:$0x0]  }
0x2: {  	s4 =	rddreg [dreg:$0x1]  }
0x3: {  	s0 =	rddreg [dreg:$0x2]  }
0x4: {  	s31 =	rddreg [dreg:$0x3];
	v14 =	vlaneseq.u32  }
0x5: {  	s5 =	rddreg [dreg:$0x4];
	s1 =	simm.s32 $0x0;
	s6 =	srdreg.scid;
	v0 =	vmul.u32 $0x80, v14  }
0x6: {  	v1 =	vimm.s32 $0x0;
	s2 =	stileid.u32;
	s10 =	simm.s32 $0x400;
	s11 =	simm.s32 $0x8400;
	v14 =	vmul.u32 $0x10, v14  }
0x7: {  	s12 =	simm.s32 $0x2400;
	s13 =	simm.s32 $0xA400;
	s14 =	simm.s32 $0x4400;
	v2 =	vor.u32 $0x800, v0;
	v3 =	vor.u32 $0x1000, v0;
	v4 =	vor.u32 $0x1800, v0  }
0x8: {  	s15 =	simm.s32 $0xC400;
	s16 =	simm.s32 $0x6400;
	s17 =	simm.s32 $0xE400;
	v5 =	vor.u32 $0x2000, v0;
	v6 =	vor.u32 $0x2800, v0;
	v7 =	vor.u32 $0x3000, v0  }
0x9: {  	s18 =	simm.s32 $0x1;
	s19 =	simm.s32 $0x2;
	[dreg:$0x6] =	wrdreg s0;
	v8 =	vor.u32 $0x3800, v0;
	v9 =	vor.u32 $0x4000, v0;
	v10 =	vor.u32 $0x4800, v0  }
0xa: {  	s20 =	simm.s32 $0x10600;
	s21 =	simm.s32 $0x10400;
	[dreg:$0x7] =	wrdreg s31;
	v11 =	vor.u32 $0x5000, v0;
	v12 =	vor.u32 $0x5800, v0;
	v13 =	vor.u32 $0x6000, v0  }
0xb: {  	s22 =	simm.s32 $0x0;
	s0 =	rddreg [dreg:$0x5];
	s6 =	sand.u32 $0x1, s6;
	v15 =	vor.u32 $0x6800, v0;
	v16 =	vor.u32 $0x7000, v0;
	v17 =	vor.u32 $0x7800, v0  }
0xc: {  	[smem:$0x7FF] =	sst s1;
	s8 =	sshll.u32 s2, $0x7;
	s7 =	ssub.s32 $0x2, s6;
	v18 =	vor.u32 $0x1, v14;
	v19 =	vor.u32 $0x2, v14;
	v20 =	vor.u32 $0x3, v14  }
0xd: {  	s6 =	sshll.u32 s6, $0x6;
	_ =	strace $0x80000047;
	s9 =	sshrl.u32 s7, $0x1;
	v21 =	vor.u32 $0x4, v14;
	v22 =	vor.u32 $0x5, v14;
	v23 =	vor.u32 $0x6, v14  }
0xe: {  	s6 =	sor.u32 s6, s8;
	s8 =	simm.s32 $0x200;
	v24 =	vor.u32 $0x7, v14;
	v25 =	vor.u32 $0x8, v14;
	v26 =	vor.u32 $0x9, v14;
	s7 =	ssub.s32 s7, s9  }
0xf: {  	v27 =	vor.u32 $0xA, v14;
	v28 =	vor.u32 $0xB, v14;
	v29 =	vor.u32 $0xC, v14;
	s3 =	sadd.s32 s3, s6;
	s4 =	sadd.s32 s4, s6;
	s5 =	sadd.s32 s5, s6  }
0x10: {  	v30 =	vor.u32 $0xD, v14;
	v31 =	vor.u32 $0xE, v14;
	v32 =	vor.u32 $0xF, v14;
	s9 =	simm.s32 $0x7A1400;
	s6 =	smax.u32 s7, $0x1;
	s7 =	simm.s32 $0x3  }
.LBB2_1:
0x11: {  	[tilespmem:s1], [sflag:$0x3] =	stream.linear.gather [hbm4b:s3+s1], $0x200, $0x38;
	[tilespmem:$0x10700] =	vst v63  }
0x12: {  	_ =	swait.ge [sflag:s7], $0x200  }
0x13: {  	[sflag:s7] =	ssyncset.done $0x0  }
0x14: {  	[sflag:s7] =	ssyncadd.s32 $0xFFFFFE00  }
0x15: {  	[tilespmem:s8], [sflag:$0x3] =	stream.linear.gather [hbm4b:s4+s1], $0x200, $0x38;
	[tilespmem:$0x10700] =	vst v63  }
0x16: {  	_ =	swait.ge [sflag:s7], $0x200  }
0x17: {  	[sflag:s7] =	ssyncset.done $0x0  }
0x18: {  	s23 =	simm.s32 $0x0;
	[sflag:s7] =	ssyncadd.s32 $0xFFFFFE00  }
.LBB2_2:
0x19: {  	s24 =	sshra.s32 s23, $0x2  }
0x1a: {  	v33 =	vld [tilespmem:s24+$0x0]  }
0x1b: {  	v34 =	vld [tilespmem:s24+$0x200];
	_ =	sdelay $0x3  }
0x1c: {  	v35 =	vshra.s32 v33, $0x1F;
	v36 =	vand.u32 $0x7F, v33  }
0x1d: {  	vm0 =	vlt.s32 v33, $0x1;
	v37 =	vshra.s32 v34, $0x1F;
	v38 =	vand.u32 $0x7F, v34  }
0x1e: {  	vm14 =	vlt.s32 v34, $0x1;
	v35 =	vshrl.u32 v35, $0x19;
	vm1 =	vne.s32 v36, $0x0  }
0x1f: {  	v37 =	vshrl.u32 v37, $0x19;
	v35 =	vadd.s32 v35, v33;
	vm0 =	vmand vm0, vm1  }
0x20: {  	vm15 =	vne.s32 v38, $0x0;
	v35 =	vshrl.u32 v35, $0x7;
	v57 =	vsel vm0, $0xFFFFFFFF, v1  }
0x21: {  	v58 =	vadd.s32 v37, v34;
	vm0 =	vmand vm14, vm15;
	v35 =	vadd.s32 v57, v35  }
0x22: {  	s25 =	rddreg [dreg:$0x6];
	v36 =	vshrl.u32 v58, $0x7;
	v60 =	vsel vm0, $0xFFFFFFFF, v1;
	v59 =	vshll.u32 v35, $0x7  }
0x23: {  	v36 =	vadd.s32 v60, v36;
	v35 =	vadd.s32 s25, v59  }
0x24: {  	s26 =	rddreg [dreg:$0x7];
	v38 =	vshll.u32 v36, $0x7;
	(v2sf) =	vpush v35, $0x0  }
0x25: {  	v36 =	vadd.s32 s26, v38  }
0x26: {  	(v2sf) =	vpush v36, $0x0;
	_ =	sdelay $0x1  }
0x27: {  	(v2sf) =	vpush v35, $0x1;
	_ =	sdelay $0x1  }
0x28: {  	(v2sf) =	vpush v36, $0x1;
	_ =	sdelay $0x1  }
0x29: {  	(v2sf) =	vpush v35, $0x2;
	_ =	sdelay $0x1  }
0x2a: {  	(v2sf) =	vpush v36, $0x2;
	_ =	sdelay $0x1  }
0x2b: {  	(v2sf) =	vpush v35, $0x3;
	_ =	sdelay $0x1  }
0x2c: {  	(v2sf) =	vpush v36, $0x3  }
0x2d: {  	s30 =	spop (v2sf)  }
0x2e: {  	[tilespmem:s10], [sflag:$0x1] =	stream.strided.gather [hbm4b:s30+s10], $0x2000, s9, s10, $0x38;
	[tilespmem:$0x10700] =	vst v63  }
0x2f: {  	s31 =	spop (v2sf)  }
0x30: {  	[tilespmem:s11], [sflag:$0x1] =	stream.strided.gather [hbm4b:s31+s10], $0x2000, s9, s10, $0x38;
	[tilespmem:$0x10700] =	vst v63  }
0x31: {  	s26 =	spop (v2sf)  }
0x32: {  	[tilespmem:s12], [sflag:$0x1] =	stream.strided.gather [hbm4b:s26+s10], $0x2000, s9, s10, $0x38;
	[tilespmem:$0x10700] =	vst v63  }
0x33: {  	s28 =	spop (v2sf)  }
0x34: {  	[tilespmem:s13], [sflag:$0x1] =	stream.strided.gather [hbm4b:s28+s10], $0x2000, s9, s10, $0x38;
	[tilespmem:$0x10700] =	vst v63  }
0x35: {  	s29 =	spop (v2sf)  }
0x36: {  	[tilespmem:s14], [sflag:$0x2] =	stream.strided.gather [hbm4b:s29+s10], $0x2000, s9, s10, $0x38;
	[tilespmem:$0x10700] =	vst v63  }
0x37: {  	s30 =	spop (v2sf)  }
0x38: {  	[tilespmem:s15], [sflag:$0x2] =	stream.strided.gather [hbm4b:s30+s10], $0x2000, s9, s10, $0x38;
	[tilespmem:$0x10700] =	vst v63  }
0x39: {  	s31 =	spop (v2sf)  }
0x3a: {  	[tilespmem:s16], [sflag:$0x2] =	stream.strided.gather [hbm4b:s31+s10], $0x2000, s9, s10, $0x38;
	[tilespmem:$0x10700] =	vst v63  }
0x3b: {  	s26 =	spop (v2sf)  }
0x3c: {  	[tilespmem:s17], [sflag:$0x2] =	stream.strided.gather [hbm4b:s26+s10], $0x2000, s9, s10, $0x38;
	[tilespmem:$0x10700] =	vst v63  }
0x3d: {  	_ =	swait.ge [sflag:s18], $0x2000  }
0x3e: {  	[sflag:s18] =	ssyncset.done $0x0  }
0x3f: {  	[sflag:s18] =	ssyncadd.s32 $0xFFFFE000  }
0x40: {  	_ =	swait.ge [sflag:s18], $0x2000  }
0x41: {  	v33 =	vsub.s32 v33, v59;
	[sflag:s18] =	ssyncset.done $0x0  }
0x42: {  	v34 =	vsub.s32 v34, v38;
	v37 =	vbroadcast v33, $0x0;
	[sflag:s18] =	ssyncadd.s32 $0xFFFFE000  }
0x43: {  	v38 =	vbroadcast v34, $0x0;
	_ =	swait.ge [sflag:s18], $0x2000  }
0x44: {  	v39 =	vadd.s32 v0, v37;
	[sflag:s18] =	ssyncset.done $0x0  }
0x45: {  	v40 =	vadd.s32 v0, v38;
	[sflag:s18] =	ssyncadd.s32 $0xFFFFE000  }
0x46: {  	v41 =	vadd.s32 v2, v37;
	_ =	swait.ge [sflag:s18], $0x2000  }
0x47: {  	v42 =	vadd.s32 v2, v38;
	[sflag:s18] =	ssyncset.done $0x0  }
0x48: {  	v43 =	vadd.s32 v3, v37;
	[sflag:s18] =	ssyncadd.s32 $0xFFFFE000  }
0x49: {  	v44 =	vadd.s32 v3, v38;
	v39 =	vld.idx.msk [tilespmem:v39+s10+$0x0], $0xffff  }
0x4a: {  	v37 =	vadd.s32 v4, v37;
	v40 =	vld.idx.msk [tilespmem:v40+s11+$0x0], $0xffff  }
0x4b: {  	v38 =	vadd.s32 v4, v38;
	v41 =	vld.idx.msk [tilespmem:v41+s10+$0x0], $0xffff  }
0x4c: {  	v42 =	vld.idx.msk [tilespmem:v42+s11+$0x0], $0xffff  }
0x4d: {  	v43 =	vld.idx.msk [tilespmem:v43+s10+$0x0], $0xffff  }
0x4e: {  	v44 =	vld.idx.msk [tilespmem:v44+s11+$0x0], $0xffff  }
0x4f: {  	v37 =	vld.idx.msk [tilespmem:v37+s10+$0x0], $0xffff  }
0x50: {  	v38 =	vld.idx.msk [tilespmem:v38+s11+$0x0], $0xffff  }
0x51: {  	v39 =	vmul.f32 v40, v39;
	v61 =	vmul.f32 v42, v41;
	_ =	sdelay $0x1  }
0x52: {  	v63 =	vbroadcast v33, $0x1;
	v62 =	vmul.f32 v44, v43;
	v39 =	vadd.f32 v61, v39  }
0x53: {  	v48 =	vbroadcast v34, $0x1  }
0x54: {  	v49 =	vadd.s32 v5, v63;
	v37 =	vmul.f32 v38, v37;
	v39 =	vadd.f32 v62, v39  }
0x55: {  	v50 =	vadd.s32 v5, v48  }
0x56: {  	v51 =	vadd.s32 v6, v63;
	v37 =	vadd.f32 v37, v39  }
0x57: {  	v52 =	vadd.s32 v6, v48  }
0x58: {  	v53 =	vadd.s32 v7, v63;
	[tilespmem:$0x10600] =	vst v37  }
0x59: {  	v54 =	vadd.s32 v7, v48;
	v38 =	vld.idx.msk [tilespmem:v49+s10+$0x0], $0xffff  }
0x5a: {  	(v2sf) =	vpush v35, $0x4;
	v41 =	vadd.s32 v8, v63;
	v40 =	vld.idx.msk [tilespmem:v50+s11+$0x0], $0xffff  }
0x5b: {  	v42 =	vadd.s32 v8, v48;
	v39 =	vld.idx.msk [tilespmem:v51+s10+$0x0], $0xffff  }
0x5c: {  	(v2sf) =	vpush v36, $0x4;
	v43 =	vld.idx.msk [tilespmem:v52+s11+$0x0], $0xffff  }
0x5d: {  	v37 =	vld.idx.msk [tilespmem:v53+s10+$0x0], $0xffff  }
0x5e: {  	(v2sf) =	vpush v35, $0x5;
	v44 =	vld.idx.msk [tilespmem:v54+s11+$0x0], $0xffff  }
0x5f: {  	v41 =	vld.idx.msk [tilespmem:v41+s10+$0x0], $0xffff  }
0x60: {  	(v2sf) =	vpush v36, $0x5;
	v42 =	vld.idx.msk [tilespmem:v42+s11+$0x0], $0xffff  }
0x61: {  	v38 =	vmul.f32 v40, v38;
	v39 =	vmul.f32 v43, v39;
	_ =	sdelay $0x1  }
0x62: {  	v37 =	vmul.f32 v44, v37;
	v38 =	vadd.f32 v39, v38;
	_ =	sdelay $0x1  }
0x63: {  	v55 =	vmul.f32 v42, v41;
	v37 =	vadd.f32 v37, v38;
	_ =	sdelay $0x1  }
0x64: {  	v37 =	vadd.f32 v55, v37;
	_ =	sdelay $0x1  }
0x65: {  	s28 =	spop (v2sf);
	[tilespmem:$0x10610] =	vst v37  }
0x66: {  	[tilespmem:s10], [sflag:$0x1] =	stream.strided.gather [hbm4b:s28+s10], $0x2000, s9, s10, $0x38;
	[tilespmem:$0x10700] =	vst v63  }
0x67: {  	s29 =	spop (v2sf)  }
0x68: {  	[tilespmem:s11], [sflag:$0x1] =	stream.strided.gather [hbm4b:s29+s10], $0x2000, s9, s10, $0x38;
	[tilespmem:$0x10700] =	vst v63  }
0x69: {  	s30 =	spop (v2sf)  }
0x6a: {  	[tilespmem:s12], [sflag:$0x1] =	stream.strided.gather [hbm4b:s30+s10], $0x2000, s9, s10, $0x38;
	[tilespmem:$0x10700] =	vst v63  }
0x6b: {  	s31 =	spop (v2sf)  }
0x6c: {  	[tilespmem:s13], [sflag:$0x1] =	stream.strided.gather [hbm4b:s31+s10], $0x2000, s9, s10, $0x38;
	[tilespmem:$0x10700] =	vst v63  }
0x6d: {  	_ =	swait.ge [sflag:s19], $0x2000  }
0x6e: {  	[sflag:s19] =	ssyncset.done $0x0  }
0x6f: {  	[sflag:s19] =	ssyncadd.s32 $0xFFFFE000  }
0x70: {  	_ =	swait.ge [sflag:s19], $0x2000  }
0x71: {  	[sflag:s19] =	ssyncset.done $0x0  }
0x72: {  	v56 =	vbroadcast v33, $0x2;
	[sflag:s19] =	ssyncadd.s32 $0xFFFFE000  }
0x73: {  	v57 =	vbroadcast v34, $0x2;
	_ =	swait.ge [sflag:s19], $0x2000  }
0x74: {  	v58 =	vadd.s32 v9, v56;
	[sflag:s19] =	ssyncset.done $0x0  }
0x75: {  	v59 =	vadd.s32 v9, v57;
	[sflag:s19] =	ssyncadd.s32 $0xFFFFE000  }
0x76: {  	v60 =	vadd.s32 v10, v56;
	_ =	swait.ge [sflag:s19], $0x2000  }
0x77: {  	v61 =	vadd.s32 v10, v57;
	[sflag:s19] =	ssyncset.done $0x0  }
0x78: {  	v62 =	vadd.s32 v11, v56;
	[sflag:s19] =	ssyncadd.s32 $0xFFFFE000  }
0x79: {  	v63 =	vadd.s32 v11, v57;
	v39 =	vld.idx.msk [tilespmem:v58+s10+$0x0], $0xffff  }
0x7a: {  	v37 =	vadd.s32 v12, v56;
	v40 =	vld.idx.msk [tilespmem:v59+s11+$0x0], $0xffff  }
0x7b: {  	v38 =	vadd.s32 v12, v57;
	v41 =	vld.idx.msk [tilespmem:v60+s10+$0x0], $0xffff  }
0x7c: {  	v42 =	vld.idx.msk [tilespmem:v61+s11+$0x0], $0xffff  }
0x7d: {  	v43 =	vld.idx.msk [tilespmem:v62+s10+$0x0], $0xffff  }
0x7e: {  	v44 =	vld.idx.msk [tilespmem:v63+s11+$0x0], $0xffff  }
0x7f: {  	v37 =	vld.idx.msk [tilespmem:v37+s10+$0x0], $0xffff  }
0x80: {  	v38 =	vld.idx.msk [tilespmem:v38+s11+$0x0], $0xffff  }
0x81: {  	v39 =	vmul.f32 v40, v39;
	v48 =	vmul.f32 v42, v41;
	_ =	sdelay $0x1  }
0x82: {  	v50 =	vbroadcast v33, $0x3;
	v49 =	vmul.f32 v44, v43;
	v39 =	vadd.f32 v48, v39  }
0x83: {  	v51 =	vbroadcast v34, $0x3  }
0x84: {  	v52 =	vadd.s32 v13, v50;
	v37 =	vmul.f32 v38, v37;
	v39 =	vadd.f32 v49, v39  }
0x85: {  	v53 =	vadd.s32 v13, v51  }
0x86: {  	v54 =	vadd.s32 v15, v50;
	v37 =	vadd.f32 v37, v39  }
0x87: {  	v55 =	vadd.s32 v15, v51  }
0x88: {  	v56 =	vadd.s32 v16, v50;
	[tilespmem:$0x10620] =	vst v37  }
0x89: {  	v57 =	vadd.s32 v16, v51;
	v38 =	vld.idx.msk [tilespmem:v52+s10+$0x0], $0xffff  }
0x8a: {  	(v2sf) =	vpush v35, $0x6;
	v41 =	vadd.s32 v17, v50;
	v40 =	vld.idx.msk [tilespmem:v53+s11+$0x0], $0xffff  }
0x8b: {  	v42 =	vadd.s32 v17, v51;
	v39 =	vld.idx.msk [tilespmem:v54+s10+$0x0], $0xffff  }
0x8c: {  	(v2sf) =	vpush v36, $0x6;
	v43 =	vld.idx.msk [tilespmem:v55+s11+$0x0], $0xffff  }
0x8d: {  	v37 =	vld.idx.msk [tilespmem:v56+s10+$0x0], $0xffff  }
0x8e: {  	(v2sf) =	vpush v35, $0x7;
	v44 =	vld.idx.msk [tilespmem:v57+s11+$0x0], $0xffff  }
0x8f: {  	v41 =	vld.idx.msk [tilespmem:v41+s10+$0x0], $0xffff  }
0x90: {  	(v2sf) =	vpush v36, $0x7;
	v42 =	vld.idx.msk [tilespmem:v42+s11+$0x0], $0xffff  }
0x91: {  	v38 =	vmul.f32 v40, v38;
	v39 =	vmul.f32 v43, v39;
	_ =	sdelay $0x1  }
0x92: {  	v37 =	vmul.f32 v44, v37;
	v38 =	vadd.f32 v39, v38;
	_ =	sdelay $0x1  }
0x93: {  	v58 =	vmul.f32 v42, v41;
	v37 =	vadd.f32 v37, v38;
	_ =	sdelay $0x1  }
0x94: {  	v37 =	vadd.f32 v58, v37;
	_ =	sdelay $0x1  }
0x95: {  	s26 =	spop (v2sf);
	[tilespmem:$0x10630] =	vst v37  }
0x96: {  	[tilespmem:s14], [sflag:$0x2] =	stream.strided.gather [hbm4b:s26+s10], $0x2000, s9, s10, $0x38;
	[tilespmem:$0x10700] =	vst v63  }
0x97: {  	s28 =	spop (v2sf)  }
0x98: {  	[tilespmem:s15], [sflag:$0x2] =	stream.strided.gather [hbm4b:s28+s10], $0x2000, s9, s10, $0x38;
	[tilespmem:$0x10700] =	vst v63  }
0x99: {  	s29 =	spop (v2sf)  }
0x9a: {  	[tilespmem:s16], [sflag:$0x2] =	stream.strided.gather [hbm4b:s29+s10], $0x2000, s9, s10, $0x38;
	[tilespmem:$0x10700] =	vst v63  }
0x9b: {  	s30 =	spop (v2sf)  }
0x9c: {  	[tilespmem:s17], [sflag:$0x2] =	stream.strided.gather [hbm4b:s30+s10], $0x2000, s9, s10, $0x38;
	[tilespmem:$0x10700] =	vst v63  }
0x9d: {  	_ =	swait.ge [sflag:s18], $0x2000  }
0x9e: {  	[sflag:s18] =	ssyncset.done $0x0  }
0x9f: {  	[sflag:s18] =	ssyncadd.s32 $0xFFFFE000  }
0xa0: {  	_ =	swait.ge [sflag:s18], $0x2000  }
0xa1: {  	[sflag:s18] =	ssyncset.done $0x0  }
0xa2: {  	v59 =	vbroadcast v33, $0x4;
	[sflag:s18] =	ssyncadd.s32 $0xFFFFE000  }
0xa3: {  	v60 =	vbroadcast v34, $0x4;
	_ =	swait.ge [sflag:s18], $0x2000  }
0xa4: {  	v61 =	vadd.s32 v0, v59;
	[sflag:s18] =	ssyncset.done $0x0  }
0xa5: {  	v62 =	vadd.s32 v0, v60;
	[sflag:s18] =	ssyncadd.s32 $0xFFFFE000  }
0xa6: {  	v63 =	vadd.s32 v2, v59;
	_ =	swait.ge [sflag:s18], $0x2000  }
0xa7: {  	v48 =	vadd.s32 v2, v60;
	[sflag:s18] =	ssyncset.done $0x0  }
0xa8: {  	v49 =	vadd.s32 v3, v59;
	[sflag:s18] =	ssyncadd.s32 $0xFFFFE000  }
0xa9: {  	v50 =	vadd.s32 v3, v60;
	v39 =	vld.idx.msk [tilespmem:v61+s10+$0x0], $0xffff  }
0xaa: {  	v37 =	vadd.s32 v4, v59;
	v40 =	vld.idx.msk [tilespmem:v62+s11+$0x0], $0xffff  }
0xab: {  	v38 =	vadd.s32 v4, v60;
	v41 =	vld.idx.msk [tilespmem:v63+s10+$0x0], $0xffff  }
0xac: {  	v42 =	vld.idx.msk [tilespmem:v48+s11+$0x0], $0xffff  }
0xad: {  	v43 =	vld.idx.msk [tilespmem:v49+s10+$0x0], $0xffff  }
0xae: {  	v44 =	vld.idx.msk [tilespmem:v50+s11+$0x0], $0xffff  }
0xaf: {  	v37 =	vld.idx.msk [tilespmem:v37+s10+$0x0], $0xffff  }
0xb0: {  	v38 =	vld.idx.msk [tilespmem:v38+s11+$0x0], $0xffff  }
0xb1: {  	v39 =	vmul.f32 v40, v39;
	v51 =	vmul.f32 v42, v41;
	_ =	sdelay $0x1  }
0xb2: {  	v53 =	vbroadcast v33, $0x5;
	v52 =	vmul.f32 v44, v43;
	v39 =	vadd.f32 v51, v39  }
0xb3: {  	v54 =	vbroadcast v34, $0x5  }
0xb4: {  	v55 =	vadd.s32 v5, v53;
	v37 =	vmul.f32 v38, v37;
	v39 =	vadd.f32 v52, v39  }
0xb5: {  	v56 =	vadd.s32 v5, v54  }
0xb6: {  	v57 =	vadd.s32 v6, v53;
	v37 =	vadd.f32 v37, v39  }
0xb7: {  	v58 =	vadd.s32 v6, v54  }
0xb8: {  	v59 =	vadd.s32 v7, v53;
	[tilespmem:$0x10640] =	vst v37  }
0xb9: {  	v60 =	vadd.s32 v7, v54;
	v38 =	vld.idx.msk [tilespmem:v55+s10+$0x0], $0xffff  }
0xba: {  	(v2sf) =	vpush v35, $0x8;
	v41 =	vadd.s32 v8, v53;
	v40 =	vld.idx.msk [tilespmem:v56+s11+$0x0], $0xffff  }
0xbb: {  	v42 =	vadd.s32 v8, v54;
	v39 =	vld.idx.msk [tilespmem:v57+s10+$0x0], $0xffff  }
0xbc: {  	(v2sf) =	vpush v36, $0x8;
	v43 =	vld.idx.msk [tilespmem:v58+s11+$0x0], $0xffff  }
0xbd: {  	v37 =	vld.idx.msk [tilespmem:v59+s10+$0x0], $0xffff  }
0xbe: {  	(v2sf) =	vpush v35, $0x9;
	v44 =	vld.idx.msk [tilespmem:v60+s11+$0x0], $0xffff  }
0xbf: {  	v41 =	vld.idx.msk [tilespmem:v41+s10+$0x0], $0xffff  }
0xc0: {  	(v2sf) =	vpush v36, $0x9;
	v42 =	vld.idx.msk [tilespmem:v42+s11+$0x0], $0xffff  }
0xc1: {  	v38 =	vmul.f32 v40, v38;
	v39 =	vmul.f32 v43, v39;
	_ =	sdelay $0x1  }
0xc2: {  	v37 =	vmul.f32 v44, v37;
	v38 =	vadd.f32 v39, v38;
	_ =	sdelay $0x1  }
0xc3: {  	v61 =	vmul.f32 v42, v41;
	v37 =	vadd.f32 v37, v38;
	_ =	sdelay $0x1  }
0xc4: {  	v37 =	vadd.f32 v61, v37;
	_ =	sdelay $0x1  }
0xc5: {  	s31 =	spop (v2sf);
	[tilespmem:$0x10650] =	vst v37  }
0xc6: {  	[tilespmem:s10], [sflag:$0x1] =	stream.strided.gather [hbm4b:s31+s10], $0x2000, s9, s10, $0x38;
	[tilespmem:$0x10700] =	vst v63  }
0xc7: {  	s26 =	spop (v2sf)  }
0xc8: {  	[tilespmem:s11], [sflag:$0x1] =	stream.strided.gather [hbm4b:s26+s10], $0x2000, s9, s10, $0x38;
	[tilespmem:$0x10700] =	vst v63  }
0xc9: {  	s28 =	spop (v2sf)  }
0xca: {  	[tilespmem:s12], [sflag:$0x1] =	stream.strided.gather [hbm4b:s28+s10], $0x2000, s9, s10, $0x38;
	[tilespmem:$0x10700] =	vst v63  }
0xcb: {  	s29 =	spop (v2sf)  }
0xcc: {  	[tilespmem:s13], [sflag:$0x1] =	stream.strided.gather [hbm4b:s29+s10], $0x2000, s9, s10, $0x38;
	[tilespmem:$0x10700] =	vst v63  }
0xcd: {  	_ =	swait.ge [sflag:s19], $0x2000  }
0xce: {  	[sflag:s19] =	ssyncset.done $0x0  }
0xcf: {  	[sflag:s19] =	ssyncadd.s32 $0xFFFFE000  }
0xd0: {  	_ =	swait.ge [sflag:s19], $0x2000  }
0xd1: {  	[sflag:s19] =	ssyncset.done $0x0  }
0xd2: {  	v62 =	vbroadcast v33, $0x6;
	[sflag:s19] =	ssyncadd.s32 $0xFFFFE000  }
0xd3: {  	v63 =	vbroadcast v34, $0x6;
	_ =	swait.ge [sflag:s19], $0x2000  }
0xd4: {  	v48 =	vadd.s32 v9, v62;
	[sflag:s19] =	ssyncset.done $0x0  }
0xd5: {  	v49 =	vadd.s32 v9, v63;
	[sflag:s19] =	ssyncadd.s32 $0xFFFFE000  }
0xd6: {  	v50 =	vadd.s32 v10, v62;
	_ =	swait.ge [sflag:s19], $0x2000  }
0xd7: {  	v51 =	vadd.s32 v10, v63;
	[sflag:s19] =	ssyncset.done $0x0  }
0xd8: {  	v52 =	vadd.s32 v11, v62;
	[sflag:s19] =	ssyncadd.s32 $0xFFFFE000  }
0xd9: {  	v53 =	vadd.s32 v11, v63;
	v39 =	vld.idx.msk [tilespmem:v48+s10+$0x0], $0xffff  }
0xda: {  	v37 =	vadd.s32 v12, v62;
	v40 =	vld.idx.msk [tilespmem:v49+s11+$0x0], $0xffff  }
0xdb: {  	v38 =	vadd.s32 v12, v63;
	v41 =	vld.idx.msk [tilespmem:v50+s10+$0x0], $0xffff  }
0xdc: {  	v42 =	vld.idx.msk [tilespmem:v51+s11+$0x0], $0xffff  }
0xdd: {  	v43 =	vld.idx.msk [tilespmem:v52+s10+$0x0], $0xffff  }
0xde: {  	v44 =	vld.idx.msk [tilespmem:v53+s11+$0x0], $0xffff  }
0xdf: {  	v37 =	vld.idx.msk [tilespmem:v37+s10+$0x0], $0xffff  }
0xe0: {  	v38 =	vld.idx.msk [tilespmem:v38+s11+$0x0], $0xffff  }
0xe1: {  	v39 =	vmul.f32 v40, v39;
	v54 =	vmul.f32 v42, v41;
	_ =	sdelay $0x1  }
0xe2: {  	v56 =	vbroadcast v33, $0x7;
	v55 =	vmul.f32 v44, v43;
	v39 =	vadd.f32 v54, v39  }
0xe3: {  	v57 =	vbroadcast v34, $0x7  }
0xe4: {  	v58 =	vadd.s32 v13, v56;
	v37 =	vmul.f32 v38, v37;
	v39 =	vadd.f32 v55, v39  }
0xe5: {  	v59 =	vadd.s32 v13, v57  }
0xe6: {  	v60 =	vadd.s32 v15, v56;
	v37 =	vadd.f32 v37, v39  }
0xe7: {  	v61 =	vadd.s32 v15, v57  }
0xe8: {  	v62 =	vadd.s32 v16, v56;
	[tilespmem:$0x10660] =	vst v37  }
0xe9: {  	v63 =	vadd.s32 v16, v57;
	v38 =	vld.idx.msk [tilespmem:v58+s10+$0x0], $0xffff  }
0xea: {  	(v2sf) =	vpush v35, $0xA;
	v41 =	vadd.s32 v17, v56;
	v40 =	vld.idx.msk [tilespmem:v59+s11+$0x0], $0xffff  }
0xeb: {  	v42 =	vadd.s32 v17, v57;
	v39 =	vld.idx.msk [tilespmem:v60+s10+$0x0], $0xffff  }
0xec: {  	(v2sf) =	vpush v36, $0xA;
	v43 =	vld.idx.msk [tilespmem:v61+s11+$0x0], $0xffff  }
0xed: {  	v37 =	vld.idx.msk [tilespmem:v62+s10+$0x0], $0xffff  }
0xee: {  	(v2sf) =	vpush v35, $0xB;
	v44 =	vld.idx.msk [tilespmem:v63+s11+$0x0], $0xffff  }
0xef: {  	v41 =	vld.idx.msk [tilespmem:v41+s10+$0x0], $0xffff  }
0xf0: {  	(v2sf) =	vpush v36, $0xB;
	v42 =	vld.idx.msk [tilespmem:v42+s11+$0x0], $0xffff  }
0xf1: {  	v38 =	vmul.f32 v40, v38;
	v39 =	vmul.f32 v43, v39;
	_ =	sdelay $0x1  }
0xf2: {  	v37 =	vmul.f32 v44, v37;
	v38 =	vadd.f32 v39, v38;
	_ =	sdelay $0x1  }
0xf3: {  	v48 =	vmul.f32 v42, v41;
	v37 =	vadd.f32 v37, v38;
	_ =	sdelay $0x1  }
0xf4: {  	v37 =	vadd.f32 v48, v37;
	_ =	sdelay $0x1  }
0xf5: {  	s30 =	spop (v2sf);
	[tilespmem:$0x10670] =	vst v37  }
0xf6: {  	[tilespmem:s14], [sflag:$0x2] =	stream.strided.gather [hbm4b:s30+s10], $0x2000, s9, s10, $0x38;
	[tilespmem:$0x10700] =	vst v63  }
0xf7: {  	s31 =	spop (v2sf)  }
0xf8: {  	[tilespmem:s15], [sflag:$0x2] =	stream.strided.gather [hbm4b:s31+s10], $0x2000, s9, s10, $0x38;
	[tilespmem:$0x10700] =	vst v63  }
0xf9: {  	s26 =	spop (v2sf)  }
0xfa: {  	[tilespmem:s16], [sflag:$0x2] =	stream.strided.gather [hbm4b:s26+s10], $0x2000, s9, s10, $0x38;
	[tilespmem:$0x10700] =	vst v63  }
0xfb: {  	s28 =	spop (v2sf)  }
0xfc: {  	[tilespmem:s17], [sflag:$0x2] =	stream.strided.gather [hbm4b:s28+s10], $0x2000, s9, s10, $0x38;
	[tilespmem:$0x10700] =	vst v63  }
0xfd: {  	_ =	swait.ge [sflag:s18], $0x2000  }
0xfe: {  	[sflag:s18] =	ssyncset.done $0x0  }
0xff: {  	[sflag:s18] =	ssyncadd.s32 $0xFFFFE000  }
0x100: {  	_ =	swait.ge [sflag:s18], $0x2000  }
0x101: {  	[sflag:s18] =	ssyncset.done $0x0  }
0x102: {  	v49 =	vbroadcast v33, $0x8;
	[sflag:s18] =	ssyncadd.s32 $0xFFFFE000  }
0x103: {  	v50 =	vbroadcast v34, $0x8;
	_ =	swait.ge [sflag:s18], $0x2000  }
0x104: {  	v51 =	vadd.s32 v0, v49;
	[sflag:s18] =	ssyncset.done $0x0  }
0x105: {  	v52 =	vadd.s32 v0, v50;
	[sflag:s18] =	ssyncadd.s32 $0xFFFFE000  }
0x106: {  	v53 =	vadd.s32 v2, v49;
	_ =	swait.ge [sflag:s18], $0x2000  }
0x107: {  	v54 =	vadd.s32 v2, v50;
	[sflag:s18] =	ssyncset.done $0x0  }
0x108: {  	v55 =	vadd.s32 v3, v49;
	[sflag:s18] =	ssyncadd.s32 $0xFFFFE000  }
0x109: {  	v56 =	vadd.s32 v3, v50;
	v39 =	vld.idx.msk [tilespmem:v51+s10+$0x0], $0xffff  }
0x10a: {  	v37 =	vadd.s32 v4, v49;
	v40 =	vld.idx.msk [tilespmem:v52+s11+$0x0], $0xffff  }
0x10b: {  	v38 =	vadd.s32 v4, v50;
	v41 =	vld.idx.msk [tilespmem:v53+s10+$0x0], $0xffff  }
0x10c: {  	v42 =	vld.idx.msk [tilespmem:v54+s11+$0x0], $0xffff  }
0x10d: {  	v43 =	vld.idx.msk [tilespmem:v55+s10+$0x0], $0xffff  }
0x10e: {  	v44 =	vld.idx.msk [tilespmem:v56+s11+$0x0], $0xffff  }
0x10f: {  	v37 =	vld.idx.msk [tilespmem:v37+s10+$0x0], $0xffff  }
0x110: {  	v38 =	vld.idx.msk [tilespmem:v38+s11+$0x0], $0xffff  }
0x111: {  	v39 =	vmul.f32 v40, v39;
	v57 =	vmul.f32 v42, v41;
	_ =	sdelay $0x1  }
0x112: {  	v59 =	vbroadcast v33, $0x9;
	v58 =	vmul.f32 v44, v43;
	v39 =	vadd.f32 v57, v39  }
0x113: {  	v60 =	vbroadcast v34, $0x9  }
0x114: {  	v61 =	vadd.s32 v5, v59;
	v37 =	vmul.f32 v38, v37;
	v39 =	vadd.f32 v58, v39  }
0x115: {  	v62 =	vadd.s32 v5, v60  }
0x116: {  	v63 =	vadd.s32 v6, v59;
	v37 =	vadd.f32 v37, v39  }
0x117: {  	v48 =	vadd.s32 v6, v60  }
0x118: {  	v49 =	vadd.s32 v7, v59;
	[tilespmem:$0x10680] =	vst v37  }
0x119: {  	v50 =	vadd.s32 v7, v60;
	v38 =	vld.idx.msk [tilespmem:v61+s10+$0x0], $0xffff  }
0x11a: {  	(v2sf) =	vpush v35, $0xC;
	v41 =	vadd.s32 v8, v59;
	v40 =	vld.idx.msk [tilespmem:v62+s11+$0x0], $0xffff  }
0x11b: {  	v42 =	vadd.s32 v8, v60;
	v39 =	vld.idx.msk [tilespmem:v63+s10+$0x0], $0xffff  }
0x11c: {  	(v2sf) =	vpush v36, $0xC;
	v43 =	vld.idx.msk [tilespmem:v48+s11+$0x0], $0xffff  }
0x11d: {  	v37 =	vld.idx.msk [tilespmem:v49+s10+$0x0], $0xffff  }
0x11e: {  	(v2sf) =	vpush v35, $0xD;
	v44 =	vld.idx.msk [tilespmem:v50+s11+$0x0], $0xffff  }
0x11f: {  	v41 =	vld.idx.msk [tilespmem:v41+s10+$0x0], $0xffff  }
0x120: {  	(v2sf) =	vpush v36, $0xD;
	v42 =	vld.idx.msk [tilespmem:v42+s11+$0x0], $0xffff  }
0x121: {  	v38 =	vmul.f32 v40, v38;
	v39 =	vmul.f32 v43, v39;
	_ =	sdelay $0x1  }
0x122: {  	v37 =	vmul.f32 v44, v37;
	v38 =	vadd.f32 v39, v38;
	_ =	sdelay $0x1  }
0x123: {  	v51 =	vmul.f32 v42, v41;
	v37 =	vadd.f32 v37, v38;
	_ =	sdelay $0x1  }
0x124: {  	v37 =	vadd.f32 v51, v37;
	_ =	sdelay $0x1  }
0x125: {  	s29 =	spop (v2sf);
	[tilespmem:$0x10690] =	vst v37  }
0x126: {  	[tilespmem:s10], [sflag:$0x1] =	stream.strided.gather [hbm4b:s29+s10], $0x2000, s9, s10, $0x38;
	[tilespmem:$0x10700] =	vst v63  }
0x127: {  	s30 =	spop (v2sf)  }
0x128: {  	[tilespmem:s11], [sflag:$0x1] =	stream.strided.gather [hbm4b:s30+s10], $0x2000, s9, s10, $0x38;
	[tilespmem:$0x10700] =	vst v63  }
0x129: {  	s31 =	spop (v2sf)  }
0x12a: {  	[tilespmem:s12], [sflag:$0x1] =	stream.strided.gather [hbm4b:s31+s10], $0x2000, s9, s10, $0x38;
	[tilespmem:$0x10700] =	vst v63  }
0x12b: {  	s26 =	spop (v2sf)  }
0x12c: {  	[tilespmem:s13], [sflag:$0x1] =	stream.strided.gather [hbm4b:s26+s10], $0x2000, s9, s10, $0x38;
	[tilespmem:$0x10700] =	vst v63  }
0x12d: {  	_ =	swait.ge [sflag:s19], $0x2000  }
0x12e: {  	[sflag:s19] =	ssyncset.done $0x0  }
0x12f: {  	[sflag:s19] =	ssyncadd.s32 $0xFFFFE000  }
0x130: {  	_ =	swait.ge [sflag:s19], $0x2000  }
0x131: {  	[sflag:s19] =	ssyncset.done $0x0  }
0x132: {  	v52 =	vbroadcast v33, $0xA;
	[sflag:s19] =	ssyncadd.s32 $0xFFFFE000  }
0x133: {  	v53 =	vbroadcast v34, $0xA;
	_ =	swait.ge [sflag:s19], $0x2000  }
0x134: {  	v54 =	vadd.s32 v9, v52;
	[sflag:s19] =	ssyncset.done $0x0  }
0x135: {  	v55 =	vadd.s32 v9, v53;
	[sflag:s19] =	ssyncadd.s32 $0xFFFFE000  }
0x136: {  	v56 =	vadd.s32 v10, v52;
	_ =	swait.ge [sflag:s19], $0x2000  }
0x137: {  	v57 =	vadd.s32 v10, v53;
	[sflag:s19] =	ssyncset.done $0x0  }
0x138: {  	v58 =	vadd.s32 v11, v52;
	[sflag:s19] =	ssyncadd.s32 $0xFFFFE000  }
0x139: {  	v59 =	vadd.s32 v11, v53;
	v39 =	vld.idx.msk [tilespmem:v54+s10+$0x0], $0xffff  }
0x13a: {  	v37 =	vadd.s32 v12, v52;
	v40 =	vld.idx.msk [tilespmem:v55+s11+$0x0], $0xffff  }
0x13b: {  	v38 =	vadd.s32 v12, v53;
	v41 =	vld.idx.msk [tilespmem:v56+s10+$0x0], $0xffff  }
0x13c: {  	v42 =	vld.idx.msk [tilespmem:v57+s11+$0x0], $0xffff  }
0x13d: {  	v43 =	vld.idx.msk [tilespmem:v58+s10+$0x0], $0xffff  }
0x13e: {  	v44 =	vld.idx.msk [tilespmem:v59+s11+$0x0], $0xffff  }
0x13f: {  	v37 =	vld.idx.msk [tilespmem:v37+s10+$0x0], $0xffff  }
0x140: {  	v38 =	vld.idx.msk [tilespmem:v38+s11+$0x0], $0xffff  }
0x141: {  	v39 =	vmul.f32 v40, v39;
	v60 =	vmul.f32 v42, v41;
	_ =	sdelay $0x1  }
0x142: {  	v62 =	vbroadcast v33, $0xB;
	v61 =	vmul.f32 v44, v43;
	v39 =	vadd.f32 v60, v39  }
0x143: {  	v63 =	vbroadcast v34, $0xB  }
0x144: {  	v48 =	vadd.s32 v13, v62;
	v37 =	vmul.f32 v38, v37;
	v39 =	vadd.f32 v61, v39  }
0x145: {  	v49 =	vadd.s32 v13, v63  }
0x146: {  	v50 =	vadd.s32 v15, v62;
	v37 =	vadd.f32 v37, v39  }
0x147: {  	v51 =	vadd.s32 v15, v63  }
0x148: {  	v52 =	vadd.s32 v16, v62;
	[tilespmem:$0x106A0] =	vst v37  }
0x149: {  	v53 =	vadd.s32 v16, v63;
	v38 =	vld.idx.msk [tilespmem:v48+s10+$0x0], $0xffff  }
0x14a: {  	(v2sf) =	vpush v35, $0xE;
	v41 =	vadd.s32 v17, v62;
	v40 =	vld.idx.msk [tilespmem:v49+s11+$0x0], $0xffff  }
0x14b: {  	v42 =	vadd.s32 v17, v63;
	v39 =	vld.idx.msk [tilespmem:v50+s10+$0x0], $0xffff  }
0x14c: {  	(v2sf) =	vpush v36, $0xE;
	v43 =	vld.idx.msk [tilespmem:v51+s11+$0x0], $0xffff  }
0x14d: {  	v37 =	vld.idx.msk [tilespmem:v52+s10+$0x0], $0xffff  }
0x14e: {  	(v2sf) =	vpush v35, $0xF;
	v54 =	vld.idx.msk [tilespmem:v53+s11+$0x0], $0xffff  }
0x14f: {  	v41 =	vld.idx.msk [tilespmem:v41+s10+$0x0], $0xffff  }
0x150: {  	(v2sf) =	vpush v36, $0xF;
	v55 =	vld.idx.msk [tilespmem:v42+s11+$0x0], $0xffff  }
0x151: {  	v38 =	vmul.f32 v40, v38;
	v39 =	vmul.f32 v43, v39;
	_ =	sdelay $0x1  }
0x152: {  	v35 =	vmul.f32 v54, v37;
	v38 =	vadd.f32 v39, v38;
	_ =	sdelay $0x1  }
0x153: {  	v36 =	vmul.f32 v55, v41;
	v35 =	vadd.f32 v35, v38;
	_ =	sdelay $0x1  }
0x154: {  	v35 =	vadd.f32 v36, v35;
	_ =	sdelay $0x1  }
0x155: {  	s28 =	spop (v2sf);
	[tilespmem:$0x106B0] =	vst v35  }
0x156: {  	[tilespmem:s14], [sflag:$0x2] =	stream.strided.gather [hbm4b:s28+s10], $0x2000, s9, s10, $0x38;
	[tilespmem:$0x10700] =	vst v63  }
0x157: {  	s29 =	spop (v2sf)  }
0x158: {  	[tilespmem:s15], [sflag:$0x2] =	stream.strided.gather [hbm4b:s29+s10], $0x2000, s9, s10, $0x38;
	[tilespmem:$0x10700] =	vst v63  }
0x159: {  	s30 =	spop (v2sf)  }
0x15a: {  	[tilespmem:s16], [sflag:$0x2] =	stream.strided.gather [hbm4b:s30+s10], $0x2000, s9, s10, $0x38;
	[tilespmem:$0x10700] =	vst v63  }
0x15b: {  	s31 =	spop (v2sf)  }
0x15c: {  	[tilespmem:s17], [sflag:$0x2] =	stream.strided.gather [hbm4b:s31+s10], $0x2000, s9, s10, $0x38;
	[tilespmem:$0x10700] =	vst v63  }
0x15d: {  	_ =	swait.ge [sflag:s18], $0x2000  }
0x15e: {  	[sflag:s18] =	ssyncset.done $0x0  }
0x15f: {  	[sflag:s18] =	ssyncadd.s32 $0xFFFFE000  }
0x160: {  	_ =	swait.ge [sflag:s18], $0x2000  }
0x161: {  	[sflag:s18] =	ssyncset.done $0x0  }
0x162: {  	v56 =	vbroadcast v33, $0xC;
	[sflag:s18] =	ssyncadd.s32 $0xFFFFE000  }
0x163: {  	v57 =	vbroadcast v34, $0xC;
	_ =	swait.ge [sflag:s18], $0x2000  }
0x164: {  	v58 =	vadd.s32 v0, v56;
	[sflag:s18] =	ssyncset.done $0x0  }
0x165: {  	v59 =	vadd.s32 v0, v57;
	[sflag:s18] =	ssyncadd.s32 $0xFFFFE000  }
0x166: {  	v60 =	vadd.s32 v2, v56;
	_ =	swait.ge [sflag:s18], $0x2000  }
0x167: {  	v61 =	vadd.s32 v2, v57;
	[sflag:s18] =	ssyncset.done $0x0  }
0x168: {  	v62 =	vadd.s32 v3, v56;
	[sflag:s18] =	ssyncadd.s32 $0xFFFFE000  }
0x169: {  	v63 =	vadd.s32 v3, v57;
	v37 =	vld.idx.msk [tilespmem:v58+s10+$0x0], $0xffff  }
0x16a: {  	v35 =	vadd.s32 v4, v56;
	v38 =	vld.idx.msk [tilespmem:v59+s11+$0x0], $0xffff  }
0x16b: {  	v36 =	vadd.s32 v4, v57;
	v39 =	vld.idx.msk [tilespmem:v60+s10+$0x0], $0xffff  }
0x16c: {  	v40 =	vld.idx.msk [tilespmem:v61+s11+$0x0], $0xffff  }
0x16d: {  	v41 =	vld.idx.msk [tilespmem:v62+s10+$0x0], $0xffff  }
0x16e: {  	v42 =	vld.idx.msk [tilespmem:v63+s11+$0x0], $0xffff  }
0x16f: {  	v35 =	vld.idx.msk [tilespmem:v35+s10+$0x0], $0xffff  }
0x170: {  	v36 =	vld.idx.msk [tilespmem:v36+s11+$0x0], $0xffff  }
0x171: {  	v37 =	vmul.f32 v38, v37;
	v45 =	vmul.f32 v40, v39;
	_ =	sdelay $0x1  }
0x172: {  	v47 =	vbroadcast v33, $0xD;
	v46 =	vmul.f32 v42, v41;
	v37 =	vadd.f32 v45, v37  }
0x173: {  	v48 =	vbroadcast v34, $0xD  }
0x174: {  	v49 =	vadd.s32 v5, v47;
	v35 =	vmul.f32 v36, v35;
	v37 =	vadd.f32 v46, v37  }
0x175: {  	v50 =	vadd.s32 v5, v48  }
0x176: {  	v51 =	vadd.s32 v6, v47;
	v35 =	vadd.f32 v35, v37  }
0x177: {  	v52 =	vadd.s32 v6, v48  }
0x178: {  	v53 =	vadd.s32 v7, v47;
	[tilespmem:$0x106C0] =	vst v35  }
0x179: {  	v54 =	vadd.s32 v7, v48;
	v36 =	vld.idx.msk [tilespmem:v49+s10+$0x0], $0xffff  }
0x17a: {  	v39 =	vadd.s32 v8, v47;
	v38 =	vld.idx.msk [tilespmem:v50+s11+$0x0], $0xffff  }
0x17b: {  	v40 =	vadd.s32 v8, v48;
	v37 =	vld.idx.msk [tilespmem:v51+s10+$0x0], $0xffff  }
0x17c: {  	v41 =	vld.idx.msk [tilespmem:v52+s11+$0x0], $0xffff  }
0x17d: {  	v35 =	vld.idx.msk [tilespmem:v53+s10+$0x0], $0xffff  }
0x17e: {  	v42 =	vld.idx.msk [tilespmem:v54+s11+$0x0], $0xffff  }
0x17f: {  	v39 =	vld.idx.msk [tilespmem:v39+s10+$0x0], $0xffff  }
0x180: {  	v40 =	vld.idx.msk [tilespmem:v40+s11+$0x0], $0xffff  }
0x181: {  	v36 =	vmul.f32 v38, v36;
	v37 =	vmul.f32 v41, v37;
	_ =	sdelay $0x1  }
0x182: {  	v35 =	vmul.f32 v42, v35;
	v36 =	vadd.f32 v37, v36;
	_ =	sdelay $0x1  }
0x183: {  	v55 =	vmul.f32 v40, v39;
	v35 =	vadd.f32 v35, v36;
	_ =	sdelay $0x1  }
0x184: {  	v35 =	vadd.f32 v55, v35;
	_ =	sdelay $0x1  }
0x185: {  	[tilespmem:$0x106D0] =	vst v35  }
0x186: {  	_ =	swait.ge [sflag:s19], $0x2000  }
0x187: {  	[sflag:s19] =	ssyncset.done $0x0  }
0x188: {  	[sflag:s19] =	ssyncadd.s32 $0xFFFFE000  }
0x189: {  	_ =	swait.ge [sflag:s19], $0x2000  }
0x18a: {  	[sflag:s19] =	ssyncset.done $0x0  }
0x18b: {  	v56 =	vbroadcast v33, $0xE;
	[sflag:s19] =	ssyncadd.s32 $0xFFFFE000  }
0x18c: {  	v57 =	vbroadcast v34, $0xE;
	_ =	swait.ge [sflag:s19], $0x2000  }
0x18d: {  	v58 =	vadd.s32 v9, v56;
	[sflag:s19] =	ssyncset.done $0x0  }
0x18e: {  	v59 =	vadd.s32 v9, v57;
	[sflag:s19] =	ssyncadd.s32 $0xFFFFE000  }
0x18f: {  	v60 =	vadd.s32 v10, v56;
	_ =	swait.ge [sflag:s19], $0x2000  }
0x190: {  	v61 =	vadd.s32 v10, v57;
	[sflag:s19] =	ssyncset.done $0x0  }
0x191: {  	v62 =	vadd.s32 v11, v56;
	[sflag:s19] =	ssyncadd.s32 $0xFFFFE000  }
0x192: {  	v63 =	vadd.s32 v11, v57;
	v37 =	vld.idx.msk [tilespmem:v58+s10+$0x0], $0xffff  }
0x193: {  	v35 =	vadd.s32 v12, v56;
	v38 =	vld.idx.msk [tilespmem:v59+s11+$0x0], $0xffff  }
0x194: {  	v36 =	vadd.s32 v12, v57;
	v39 =	vld.idx.msk [tilespmem:v60+s10+$0x0], $0xffff  }
0x195: {  	v40 =	vld.idx.msk [tilespmem:v61+s11+$0x0], $0xffff  }
0x196: {  	v41 =	vld.idx.msk [tilespmem:v62+s10+$0x0], $0xffff  }
0x197: {  	v42 =	vld.idx.msk [tilespmem:v63+s11+$0x0], $0xffff  }
0x198: {  	v35 =	vld.idx.msk [tilespmem:v35+s10+$0x0], $0xffff  }
0x199: {  	v36 =	vld.idx.msk [tilespmem:v36+s11+$0x0], $0xffff  }
0x19a: {  	v37 =	vmul.f32 v38, v37;
	v40 =	vmul.f32 v40, v39;
	_ =	sdelay $0x1  }
0x19b: {  	v33 =	vbroadcast v33, $0xF;
	v42 =	vmul.f32 v42, v41;
	v37 =	vadd.f32 v40, v37  }
0x19c: {  	v34 =	vbroadcast v34, $0xF  }
0x19d: {  	v43 =	vadd.s32 v13, v33;
	v35 =	vmul.f32 v36, v35;
	v37 =	vadd.f32 v42, v37  }
0x19e: {  	v44 =	vadd.s32 v13, v34  }
0x19f: {  	v45 =	vadd.s32 v15, v33;
	v35 =	vadd.f32 v35, v37  }
0x1a0: {  	v46 =	vadd.s32 v15, v34  }
0x1a1: {  	v47 =	vadd.s32 v16, v33;
	[tilespmem:$0x106E0] =	vst v35  }
0x1a2: {  	v48 =	vadd.s32 v16, v34;
	v36 =	vld.idx.msk [tilespmem:v43+s10+$0x0], $0xffff  }
0x1a3: {  	v33 =	vadd.s32 v17, v33;
	v38 =	vld.idx.msk [tilespmem:v44+s11+$0x0], $0xffff  }
0x1a4: {  	v34 =	vadd.s32 v17, v34;
	v37 =	vld.idx.msk [tilespmem:v45+s10+$0x0], $0xffff  }
0x1a5: {  	v39 =	vld.idx.msk [tilespmem:v46+s11+$0x0], $0xffff  }
0x1a6: {  	v35 =	vld.idx.msk [tilespmem:v47+s10+$0x0], $0xffff  }
0x1a7: {  	v40 =	vld.idx.msk [tilespmem:v48+s11+$0x0], $0xffff  }
0x1a8: {  	v33 =	vld.idx.msk [tilespmem:v33+s10+$0x0], $0xffff  }
0x1a9: {  	v34 =	vld.idx.msk [tilespmem:v34+s11+$0x0], $0xffff  }
0x1aa: {  	v36 =	vmul.f32 v38, v36;
	v37 =	vmul.f32 v39, v37;
	_ =	sdelay $0x1  }
0x1ab: {  	v35 =	vmul.f32 v40, v35;
	v36 =	vadd.f32 v37, v36;
	_ =	sdelay $0x1  }
0x1ac: {  	v33 =	vmul.f32 v34, v33;
	v35 =	vadd.f32 v35, v36;
	_ =	sdelay $0x1  }
0x1ad: {  	v33 =	vadd.f32 v33, v35;
	_ =	sdelay $0x1  }
0x1ae: {  	[tilespmem:$0x106F0] =	vst v33  }
0x1af: {  	v33 =	vld.idx.msk [tilespmem:v14+s20+$0x0], $0xffff;
	_ =	sdelay $0x1  }
0x1b0: {  	v49 =	vld.idx.msk [tilespmem:v18+s20+$0x0], $0xffff;
	_ =	sdelay $0x1  }
0x1b1: {  	v50 =	vld.idx.msk [tilespmem:v19+s20+$0x0], $0xffff  }
0x1b2: {  	v33 =	vadd.f32 $0.0e+00, v33  }
0x1b3: {  	v51 =	vld.idx.msk [tilespmem:v20+s20+$0x0], $0xffff  }
0x1b4: {  	v33 =	vadd.f32 v49, v33  }
0x1b5: {  	v52 =	vld.idx.msk [tilespmem:v21+s20+$0x0], $0xffff  }
0x1b6: {  	v33 =	vadd.f32 v50, v33  }
0x1b7: {  	v53 =	vld.idx.msk [tilespmem:v22+s20+$0x0], $0xffff  }
0x1b8: {  	v33 =	vadd.f32 v51, v33  }
0x1b9: {  	v54 =	vld.idx.msk [tilespmem:v23+s20+$0x0], $0xffff  }
0x1ba: {  	v33 =	vadd.f32 v52, v33  }
0x1bb: {  	v55 =	vld.idx.msk [tilespmem:v24+s20+$0x0], $0xffff  }
0x1bc: {  	v33 =	vadd.f32 v53, v33  }
0x1bd: {  	v56 =	vld.idx.msk [tilespmem:v25+s20+$0x0], $0xffff  }
0x1be: {  	v33 =	vadd.f32 v54, v33  }
0x1bf: {  	v57 =	vld.idx.msk [tilespmem:v26+s20+$0x0], $0xffff  }
0x1c0: {  	v33 =	vadd.f32 v55, v33  }
0x1c1: {  	v58 =	vld.idx.msk [tilespmem:v27+s20+$0x0], $0xffff  }
0x1c2: {  	v33 =	vadd.f32 v56, v33  }
0x1c3: {  	v59 =	vld.idx.msk [tilespmem:v28+s20+$0x0], $0xffff  }
0x1c4: {  	v33 =	vadd.f32 v57, v33  }
0x1c5: {  	v60 =	vld.idx.msk [tilespmem:v29+s20+$0x0], $0xffff  }
0x1c6: {  	v33 =	vadd.f32 v58, v33  }
0x1c7: {  	v61 =	vld.idx.msk [tilespmem:v30+s20+$0x0], $0xffff  }
0x1c8: {  	v33 =	vadd.f32 v59, v33  }
0x1c9: {  	v62 =	vld.idx.msk [tilespmem:v31+s20+$0x0], $0xffff  }
0x1ca: {  	v33 =	vadd.f32 v60, v33  }
0x1cb: {  	v63 =	vld.idx.msk [tilespmem:v32+s20+$0x0], $0xffff  }
0x1cc: {  	v33 =	vadd.f32 v61, v33  }
0x1cd: {  	p0 =	sne.s32 s23, $0x7C0  }
.Ltmp0:
0x1ce: {  	v33 =	vadd.f32 v62, v33;
	(pc) =	sbr.rel @p0 .LBB2_2-.Ltmp0, $3  }
0x1cf: {  	_ = 	snop  }
0x1d0: {  	v33 =	vadd.f32 v63, v33;
	_ =	sdelay $0x1  }
0x1d1: {  	s23 =	sadd.s32 $0x40, s23;
	[tilespmem:s24+$0x10400] =	vst v33  }
0x1d2: {  	s22 =	sadd.s32 $0x1, s22  }
0x1d3: {  	p0 =	sne.s32 s22, s6  }
.Ltmp1:
0x1d4: {  	_ = 	snop;
	(pc) =	sbr.rel @p0 .LBB2_1-.Ltmp1, $4  }
0x1d5: {  	[hbm4b:s5+s1] =	stream.linear.scatter [tilespmem:s21], [sflag:$0x3], $0x200, $0x38;
	[tilespmem:$0x10700] =	vst v63  }
0x1d6: {  	_ =	swait.ge [sflag:s7], $0x200  }
0x1d7: {  	[sflag:s7] =	ssyncset.done $0x0  }
0x1d8: {  	[sflag:s7] =	ssyncadd.s32 $0xFFFFFE00  }
0x1d9: {  	_ =	sfence.sel $0x180000  }
0x1da: {  	[bflag:$0x0] =	sbarrier.arrive $0xFFFF  }
0x1db: {  	p0 =	sne.s32 s2, $0x0;
	_ =	strace $0x90000047  }
0x1dc: {  	s0 =	sadd.s32 @!p0 $0x100000, s0;
	[bflag:$0x2] =	sbarrier.arrive $0xFFFF  }
0x1dd: {  	[sflag:s0] =	ssyncadd.tile.s32 @!p0 $0x1;
	_ =	shalt  }
.Lfunc_end2:
_tile_overlayer_lowered:
.L_overlay_start_2:
0x1de: {  	(tag) =	ssettag $0x2  }
0x1df: {  	s0 =	rddreg [dreg:$0x0];
	s2 =	stileid.u32  }
0x1e0: {  	s1 =	rddreg [dreg:$0x1];
	p0 =	sne.s32 s2, $0x0  }
0x1e1: {  	s3 =	rddreg [dreg:$0x2];
	[bflag:$0x3] =	sbarrier.arrive $0xFFFF;
	s2 =	simm.s32 @!p0 $0x1C03  }
0x1e2: {  	[timem:s3], [sflag:s2] =	dma.local @!p0 [hbm:s0], s1  }
0x1e3: {  	s0 =	simm.s32 @!p0 $0x3  }
0x1e4: {  	_ =	swait.ge @!p0 [sflag:s0], s1  }
0x1e5: {  	s1 =	ssub.s32 @!p0 $0x0, s1;
	[sflag:s0] =	ssyncset.done @!p0 $0x0  }
0x1e6: {  	[sflag:s0] =	ssyncadd.s32 @!p0 s1  }
0x1e7: {  	[bflag:$0x3] =	sbarrier.arrive $0xFFFF  }
0x1e8: {  	_ =	shalt  }

</sc_bundles>
